<compile_context>
chip_gen: v7x
topology: tpu7x:2x2x1
jax: 0.10.2.dev20260603
libtpu: 0.0.44.dev20260713+nightly
codegen_flags: <defaults>
</compile_context>

<pallas_src>
import functools

import jax
import jax.numpy as jnp
from jax import lax
from jax.experimental import pallas as pl
from jax.experimental.pallas import tpu as pltpu
from jax.experimental.pallas import tpu_sc as plsc

N = 10000
E = 320000
D = 128
DE = 16
DU = 16
G = 128
OUT = 128
H = OUT // 2

NC = 2
NS = 16
EPT = E // NS
CHUNK = 40
NCHUNK = EPT // CHUNK
NBUF = 3
RD = 40
NRD = N // RD

_HIGH = jax.lax.Precision.HIGHEST


def _precompute_body(x_ref, u_ref, batch_ref, wx_ref, wu_ref, b1_ref, b2_ref,
                     p_ref, q_ref, r_ref):
    x = x_ref[...]
    bat = batch_ref[...]
    gidx = lax.broadcasted_iota(jnp.int32, (x.shape[0], G), 1)
    onehot = (bat == gidx).astype(jnp.float32)
    uu = jnp.dot(onehot, u_ref[...], preferred_element_type=jnp.float32)
    xc = jnp.dot(x, wx_ref[...], preferred_element_type=jnp.float32)
    uc = jnp.dot(uu, wu_ref[...], preferred_element_type=jnp.float32)
    p = xc[:, :D] + uc[:, :D] + b1_ref[...]
    q = xc[:, D:2 * D]
    r = xc[:, 2 * D:] + uc[:, D:] + b2_ref[...]
    p_ref[0] = p[:, :H]
    p_ref[1] = p[:, H:]
    q_ref[0] = q[:, :H]
    q_ref[1] = q[:, H:]
    r_ref[...] = r


def _ew_body(eat_ref, w1e_ref, ew_ref):
    dn = (((0,), (0,)), ((), ()))
    ew_ref[...] = lax.dot_general(eat_ref[...], w1e_ref[...], dn,
                                  preferred_element_type=jnp.float32)


def _final_body(g_ref, r_ref, w2b_ref, out_ref):
    grouped = jnp.concatenate([g_ref[0], g_ref[1]], axis=1)
    acc = jnp.dot(grouped, w2b_ref[...], preferred_element_type=jnp.float32,
                  precision=_HIGH)
    out_ref[...] = jnp.maximum(acc + r_ref[...], 0.0)


def _sc_body(p_hbm, q_hbm, ew_hbm, dst_hbm, src_hbm, g_hbm,
             idxd, idxs, buf_e, buf_p, buf_q, buf_o, zbuf, acc,
             sem_e, sem_p, sem_q, sem_s):
    c = lax.axis_index("c")
    s = lax.axis_index("s")

    def _zrow(r, carry):
        for cc in range(H // 16):
            zbuf[r, pl.ds(cc * 16, 16)] = jnp.zeros((16,), jnp.float32)
        return carry
    lax.fori_loop(0, RD, _zrow, 0)
    for t in range((NRD + NS - 1) // NS):
        cidx = t * NS + s
        @pl.when(cidx < NRD)
        def _():
            pltpu.sync_copy(zbuf, acc.at[pl.ds(cidx * RD, RD)])
    plsc.subcore_barrier()

    pltpu.sync_copy(dst_hbm.at[s], idxd)
    pltpu.sync_copy(src_hbm.at[s], idxs)

    pc = p_hbm.at[c]
    qc = q_hbm.at[c]

    def _issue_in(j, b):
        ebase = s * EPT + j * CHUNK
        pltpu.async_copy(
            ew_hbm.at[pl.ds(ebase, CHUNK), pl.ds(c * H, H)], buf_e[b], sem_e[b])
        pltpu.async_copy(pc.at[idxd.at[j]], buf_p[b], sem_p[b])
        pltpu.async_copy(qc.at[idxs.at[j]], buf_q[b], sem_q[b])

    def _wait_in(b):
        pltpu.make_async_copy(pc.at[pl.ds(0, CHUNK)], buf_e[b], sem_e[b]).wait()
        pltpu.make_async_copy(pc.at[pl.ds(0, CHUNK)], buf_p[b], sem_p[b]).wait()
        pltpu.make_async_copy(pc.at[pl.ds(0, CHUNK)], buf_q[b], sem_q[b]).wait()

    for b in range(NBUF):
        _issue_in(b, b)

    def _outer(j0, carry):
        for b in range(NBUF):
            j = j0 * NBUF + b

            @pl.when(j < NCHUNK)
            def _():
                _wait_in(b)

                @pl.when(j0 > 0)
                def _():
                    pltpu.make_async_copy(pc.at[pl.ds(0, CHUNK)], buf_o[b],
                                          sem_s[b]).wait()

                def _row(e, carry2):
                    for cc in range(H // 16):
                        sl = pl.ds(cc * 16, 16)
                        v = (buf_e[b][e, sl]
                             + buf_p[b][e, sl] + buf_q[b][e, sl])
                        buf_o[b][e, sl] = jnp.maximum(v, 0.0)
                    return carry2
                lax.fori_loop(0, CHUNK, _row, 0)

                pltpu.async_copy(buf_o[b], acc.at[idxd.at[j]], sem_s[b],
                                 add=True)

                @pl.when(j + NBUF < NCHUNK)
                def _():
                    _issue_in(j + NBUF, b)
        return carry
    lax.fori_loop(0, (NCHUNK + NBUF - 1) // NBUF, _outer, 0)
    for b in range(NBUF):
        pltpu.make_async_copy(pc.at[pl.ds(0, CHUNK)], buf_o[b], sem_s[b]).wait()
    plsc.subcore_barrier()

    for t in range((NRD + NS - 1) // NS):
        cidx = t * NS + s
        @pl.when(cidx < NRD)
        def _():
            pltpu.sync_copy(acc.at[pl.ds(cidx * RD, RD)], zbuf)
            pltpu.sync_copy(zbuf, g_hbm.at[c, pl.ds(cidx * RD, RD)])


@jax.jit
def kernel(x, edge_index, edge_attr, u, batch, W1, b1, W2, b2):
    src = edge_index[0].reshape(NS, NCHUNK, CHUNK)
    dst = edge_index[1].reshape(NS, NCHUNK, CHUNK)

    wx = jnp.concatenate([W1[:D], W1[D:2 * D], W2[:D]], axis=1)
    wu = jnp.concatenate([W1[2 * D + DE:], W2[D + OUT:]], axis=1)

    NBLK = 1000
    p, q, r = pl.pallas_call(
        _precompute_body,
        grid=(N // NBLK,),
        in_specs=[
            pl.BlockSpec((NBLK, D), lambda i: (i, 0)),
            pl.BlockSpec((G, DU), lambda i: (0, 0)),
            pl.BlockSpec((NBLK, 1), lambda i: (i, 0)),
            pl.BlockSpec((D, 3 * OUT), lambda i: (0, 0)),
            pl.BlockSpec((DU, 2 * OUT), lambda i: (0, 0)),
            pl.BlockSpec((1, OUT), lambda i: (0, 0)),
            pl.BlockSpec((1, OUT), lambda i: (0, 0)),
        ],
        out_specs=[
            pl.BlockSpec((NC, NBLK, H), lambda i: (0, i, 0)),
            pl.BlockSpec((NC, NBLK, H), lambda i: (0, i, 0)),
            pl.BlockSpec((NBLK, OUT), lambda i: (i, 0)),
        ],
        out_shape=[
            jax.ShapeDtypeStruct((NC, N, H), jnp.float32),
            jax.ShapeDtypeStruct((NC, N, H), jnp.float32),
            jax.ShapeDtypeStruct((N, OUT), jnp.float32),
        ],
    )(x, u, batch.reshape(N, 1), wx, wu, b1.reshape(1, OUT),
      b2.reshape(1, OUT))

    eat = edge_attr.T
    w1e = W1[2 * D:2 * D + DE]

    EBLK = 16000
    ew2 = pl.pallas_call(
        _ew_body,
        grid=(E // EBLK,),
        in_specs=[
            pl.BlockSpec((DE, EBLK), lambda i: (0, i)),
            pl.BlockSpec((DE, OUT), lambda i: (0, 0)),
        ],
        out_specs=pl.BlockSpec((EBLK, OUT), lambda i: (i, 0)),
        out_shape=jax.ShapeDtypeStruct((E, OUT), jnp.float32),
    )(eat, w1e)

    mesh = plsc.VectorSubcoreMesh(core_axis_name="c", subcore_axis_name="s")
    g = pl.kernel(
        _sc_body,
        out_type=jax.ShapeDtypeStruct((NC, N, H), jnp.float32),
        mesh=mesh,
        compiler_params=pltpu.CompilerParams(use_tc_tiling_on_sc=False),
        scratch_types=[
            pltpu.VMEM((NCHUNK, CHUNK), jnp.int32),
            pltpu.VMEM((NCHUNK, CHUNK), jnp.int32),
            [pltpu.VMEM((CHUNK, H), jnp.float32)] * NBUF,
            [pltpu.VMEM((CHUNK, H), jnp.float32)] * NBUF,
            [pltpu.VMEM((CHUNK, H), jnp.float32)] * NBUF,
            [pltpu.VMEM((CHUNK, H), jnp.float32)] * NBUF,
            pltpu.VMEM((RD, H), jnp.float32),
            pltpu.VMEM_SHARED((N, H), jnp.float32),
            [pltpu.SemaphoreType.DMA] * NBUF,
            [pltpu.SemaphoreType.DMA] * NBUF,
            [pltpu.SemaphoreType.DMA] * NBUF,
            [pltpu.SemaphoreType.DMA] * NBUF,
        ],
    )(p, q, ew2, dst, src)

    out = pl.pallas_call(
        _final_body,
        out_shape=jax.ShapeDtypeStruct((N, OUT), jnp.float32),
    )(g, r, W2[D:D + OUT])
    return out

# --- scband reference (transcript-rebuilt; emitter-appended) ---
"""Pipeline reference for scband-node-model-64854006170307 (READ-ONLY COPY).

The authoritative reference and input builder live on the scoring server;
editing this copy changes nothing except your own understanding.
"""

import jax, jax.numpy as jnp
import numpy as np

N = 10000
E = 320000
D = 128
DE = 16
DU = 16
G = 128
OUT = 128
IN1 = 2 * D + DE + DU  # 288
IN2 = D + OUT + DU     # 272


def setup_inputs(seed: int = 0) -> dict:
    key = jax.random.key(seed)
    ks = jax.random.split(key, 10)
    x = jax.random.normal(ks[0], (N, D), dtype=jnp.float32)
    edge_index = jax.random.randint(ks[1], (2, E), 0, N, dtype=jnp.int32)
    edge_attr = jax.random.normal(ks[2], (E, DE), dtype=jnp.float32)
    u = jax.random.normal(ks[3], (G, DU), dtype=jnp.float32)
    batch = jnp.sort(jax.random.randint(ks[4], (N,), 0, G, dtype=jnp.int32))
    # parameters (nn.Linear default-like init)
    lim1 = 1.0 / np.sqrt(IN1)
    lim2 = 1.0 / np.sqrt(IN2)
    W1 = jax.random.uniform(ks[5], (IN1, OUT), minval=-lim1, maxval=lim1, dtype=jnp.float32)
    b1 = jax.random.uniform(ks[6], (OUT,), minval=-lim1, maxval=lim1, dtype=jnp.float32)
    W2 = jax.random.uniform(ks[7], (IN2, OUT), minval=-lim2, maxval=lim2, dtype=jnp.float32)
    b2 = jax.random.uniform(ks[8], (OUT,), minval=-lim2, maxval=lim2, dtype=jnp.float32)
    return {"x": x, "edge_index": edge_index, "edge_attr": edge_attr, "u": u,
            "batch": batch, "W1": W1, "b1": b1, "W2": W2, "b2": b2}


def reference(x, edge_index, edge_attr, u, batch, W1, b1, W2, b2):
    src = edge_index[0]
    dst = edge_index[1]
    # gather node features for both endpoints
    node_features = jnp.concatenate([x[dst], x[src]], axis=-1)
    # per-node globals, gathered to edges via dst
    u_per_node = u[batch]
    global_features = u_per_node[dst]
    all_features = jnp.concatenate([node_features, edge_attr, global_features], axis=-1)
    # node_mlp_1 (Linear + ReLU)
    new_edge_features = jax.nn.relu(all_features @ W1 + b1)
    # scatter-add over dst with dim_size = N
    grouped_output = jnp.zeros((x.shape[0], new_edge_features.shape[1]), dtype=new_edge_features.dtype).at[dst].add(new_edge_features)
    mlp_2_input = jnp.concatenate([x, grouped_output, u_per_node], axis=-1)
    # node_mlp_2 (Linear + ReLU)
    return jax.nn.relu(mlp_2_input @ W2 + b2)

if __name__ == "__main__":
    import jax
    _d = setup_inputs()
    print(jax.jit(kernel)(*tuple(_d.values())))

</pallas_src>

<mosaic_0001>
#map = affine_map<(d0, d1) -> (0, 0, 0)>
#map1 = affine_map<(d0, d1) -> (0, 0)>
module attributes {stable_mosaic.version = 14 : i64} {
  func.func @_sc_body(%arg0: i32, %arg1: i32, %arg2: memref<2x10000x64xf32, #tpu.memory_space<hbm>>, %arg3: memref<2x10000x64xf32, #tpu.memory_space<hbm>>, %arg4: memref<320000x128xf32, #tpu.memory_space<hbm>>, %arg5: memref<16x500x40xi32, #tpu.memory_space<hbm>>, %arg6: memref<16x500x40xi32, #tpu.memory_space<hbm>>, %arg7: memref<2x10000x64xf32, #tpu.memory_space<hbm>>, %arg8: memref<500x40xi32, #tpu.memory_space<vmem>>, %arg9: memref<500x40xi32, #tpu.memory_space<vmem>>, %arg10: memref<40x64xf32, #tpu.memory_space<vmem>>, %arg11: memref<40x64xf32, #tpu.memory_space<vmem>>, %arg12: memref<40x64xf32, #tpu.memory_space<vmem>>, %arg13: memref<40x64xf32, #tpu.memory_space<vmem>>, %arg14: memref<40x64xf32, #tpu.memory_space<vmem>>, %arg15: memref<40x64xf32, #tpu.memory_space<vmem>>, %arg16: memref<40x64xf32, #tpu.memory_space<vmem>>, %arg17: memref<40x64xf32, #tpu.memory_space<vmem>>, %arg18: memref<40x64xf32, #tpu.memory_space<vmem>>, %arg19: memref<40x64xf32, #tpu.memory_space<vmem>>, %arg20: memref<40x64xf32, #tpu.memory_space<vmem>>, %arg21: memref<40x64xf32, #tpu.memory_space<vmem>>, %arg22: memref<40x64xf32, #tpu.memory_space<vmem>>, %arg23: memref<10000x64xf32, #tpu.memory_space<vmem_shared>>, %arg24: memref<!tpu.dma_semaphore, #tpu.memory_space<semaphore_mem>>, %arg25: memref<!tpu.dma_semaphore, #tpu.memory_space<semaphore_mem>>, %arg26: memref<!tpu.dma_semaphore, #tpu.memory_space<semaphore_mem>>, %arg27: memref<!tpu.dma_semaphore, #tpu.memory_space<semaphore_mem>>, %arg28: memref<!tpu.dma_semaphore, #tpu.memory_space<semaphore_mem>>, %arg29: memref<!tpu.dma_semaphore, #tpu.memory_space<semaphore_mem>>, %arg30: memref<!tpu.dma_semaphore, #tpu.memory_space<semaphore_mem>>, %arg31: memref<!tpu.dma_semaphore, #tpu.memory_space<semaphore_mem>>, %arg32: memref<!tpu.dma_semaphore, #tpu.memory_space<semaphore_mem>>, %arg33: memref<!tpu.dma_semaphore, #tpu.memory_space<semaphore_mem>>, %arg34: memref<!tpu.dma_semaphore, #tpu.memory_space<semaphore_mem>>, %arg35: memref<!tpu.dma_semaphore, #tpu.memory_space<semaphore_mem>>) attributes {dimension_semantics = [#tpu.dimension_semantics<core_parallel>, #tpu.dimension_semantics<subcore_parallel>], iteration_bounds = array<i64: 2, 16>, scalar_prefetch = 0 : i64, scratch_operands = 28 : i64, tpu.core_type = #tpu.core_type<sc_vector_subcore>, window_params = [{transform_indices = #map}, {transform_indices = #map}, {transform_indices = #map1}, {transform_indices = #map}, {transform_indices = #map}, {transform_indices = #map}]} {
    %scan3A = arith.constant 0 : i32
    %scan3A_0 = arith.constant 0 : i32
    %scan3A_1 = arith.constant 40 : i32
    %scan3A_2 = arith.addi %scan3A_0, %scan3A_1 : i32
    %scan3A_3 = arith.constant 1 : i32
    scf.for %scan3A_361 = %scan3A_0 to %scan3A_2 step %scan3A_3  : i32 {
      %broadcast_in_dim3A = arith.constant 0.000000e+00 : f32
      %broadcast_in_dim3A_362 = vector.broadcast %broadcast_in_dim3A : f32 to vector<16xf32>
      %swap3A = arith.index_cast %scan3A_361 : i32 to index
      %swap3A_363 = arith.constant 0 : index
      %swap3A_364 = tpu.vector_load %arg22[%swap3A, %swap3A_363] {strides = array<i32>} : memref<40x64xf32, #tpu.memory_space<vmem>>, vector<1x16xf32>,
      %swap3A_365 = vector.shape_cast %swap3A_364 : vector<1x16xf32> to vector<16xf32>
      %swap3A_366 = vector.shape_cast %broadcast_in_dim3A_362 : vector<16xf32> to vector<1x16xf32>
      tpu.vector_store %arg22[%swap3A, %swap3A_363], %swap3A_366 {strides = array<i32>} : memref<40x64xf32, #tpu.memory_space<vmem>>, vector<1x16xf32>,
      %broadcast_in_dim3A_367 = arith.constant 0.000000e+00 : f32
      %broadcast_in_dim3A_368 = vector.broadcast %broadcast_in_dim3A_367 : f32 to vector<16xf32>
      %swap3A_369 = arith.index_cast %scan3A_361 : i32 to index
      %swap3A_370 = arith.constant 16 : index
      %swap3A_371 = tpu.vector_load %arg22[%swap3A_369, %swap3A_370] {strides = array<i32>} : memref<40x64xf32, #tpu.memory_space<vmem>>, vector<1x16xf32>,
      %swap3A_372 = vector.shape_cast %swap3A_371 : vector<1x16xf32> to vector<16xf32>
      %swap3A_373 = vector.shape_cast %broadcast_in_dim3A_368 : vector<16xf32> to vector<1x16xf32>
      tpu.vector_store %arg22[%swap3A_369, %swap3A_370], %swap3A_373 {strides = array<i32>} : memref<40x64xf32, #tpu.memory_space<vmem>>, vector<1x16xf32>,
      %broadcast_in_dim3A_374 = arith.constant 0.000000e+00 : f32
      %broadcast_in_dim3A_375 = vector.broadcast %broadcast_in_dim3A_374 : f32 to vector<16xf32>
      %swap3A_376 = arith.index_cast %scan3A_361 : i32 to index
      %swap3A_377 = arith.constant 32 : index
      %swap3A_378 = tpu.vector_load %arg22[%swap3A_376, %swap3A_377] {strides = array<i32>} : memref<40x64xf32, #tpu.memory_space<vmem>>, vector<1x16xf32>,
      %swap3A_379 = vector.shape_cast %swap3A_378 : vector<1x16xf32> to vector<16xf32>
      %swap3A_380 = vector.shape_cast %broadcast_in_dim3A_375 : vector<16xf32> to vector<1x16xf32>
      tpu.vector_store %arg22[%swap3A_376, %swap3A_377], %swap3A_380 {strides = array<i32>} : memref<40x64xf32, #tpu.memory_space<vmem>>, vector<1x16xf32>,
      %broadcast_in_dim3A_381 = arith.constant 0.000000e+00 : f32
      %broadcast_in_dim3A_382 = vector.broadcast %broadcast_in_dim3A_381 : f32 to vector<16xf32>
      %swap3A_383 = arith.index_cast %scan3A_361 : i32 to index
      %swap3A_384 = arith.constant 48 : index
      %swap3A_385 = tpu.vector_load %arg22[%swap3A_383, %swap3A_384] {strides = array<i32>} : memref<40x64xf32, #tpu.memory_space<vmem>>, vector<1x16xf32>,
      %swap3A_386 = vector.shape_cast %swap3A_385 : vector<1x16xf32> to vector<16xf32>
      %swap3A_387 = vector.shape_cast %broadcast_in_dim3A_382 : vector<16xf32> to vector<1x16xf32>
      tpu.vector_store %arg22[%swap3A_383, %swap3A_384], %swap3A_387 {strides = array<i32>} : memref<40x64xf32, #tpu.memory_space<vmem>>, vector<1x16xf32>,
    }
    %scan3A_4 = arith.constant 40 : i32
    %add3A = arith.constant 0 : i32
    %add3A_5 = arith.addi %add3A, %arg1 : i32
    %lt3A = arith.constant 250 : i32
    %lt3A_6 = arith.cmpi slt, %add3A_5, %lt3A : i32
    %convert_element_type3A = arith.extui %lt3A_6 : i1 to i32
    %cond3A = arith.constant 0 : i32
    %cond3A_7 = arith.cmpi ne, %convert_element_type3A, %cond3A : i32
    scf.if %cond3A_7 {
      %mul3A_361 = arith.constant 40 : i32
      %mul3A_362 = arith.muli %add3A_5, %mul3A_361 : i32
      "tpu.region"() ({
        %run_scoped3A = tpu.sem_alloc : memref<!tpu.dma_semaphore, #tpu.memory_space<semaphore_mem>>
        %dma_start3A_363 = arith.constant 0 : i32
        %dma_start3A_364 = tpu.memref_slice %arg23[%mul3A_362, %dma_start3A_363] : memref<10000x64xf32, #tpu.memory_space<vmem_shared>> -> memref<40x64xf32, #tpu.memory_space<vmem_shared>>
        %dma_start3A_365 = arith.constant 0 : i32
        %dma_start3A_366 = tpu.memref_slice %arg23[%mul3A_362, %dma_start3A_365] : memref<10000x64xf32, #tpu.memory_space<vmem_shared>> -> memref<40x64xf32, #tpu.memory_space<vmem_shared>>
        tpu.enqueue_dma source(%arg22 : memref<40x64xf32, #tpu.memory_space<vmem>>) target(%dma_start3A_366 : memref<40x64xf32, #tpu.memory_space<vmem_shared>>) target_semaphore(%run_scoped3A : memref<!tpu.dma_semaphore, #tpu.memory_space<semaphore_mem>>)
        %dma_wait3A_367 = arith.constant 0 : i32
        %dma_wait3A_368 = tpu.memref_slice %arg23[%mul3A_362, %dma_wait3A_367] : memref<10000x64xf32, #tpu.memory_space<vmem_shared>> -> memref<40x64xf32, #tpu.memory_space<vmem_shared>>
        %dma_wait3A_369 = arith.constant 0 : i32
        %dma_wait3A_370 = tpu.memref_slice %arg23[%mul3A_362, %dma_wait3A_369] : memref<10000x64xf32, #tpu.memory_space<vmem_shared>> -> memref<40x64xf32, #tpu.memory_space<vmem_shared>>
        tpu.wait_dma2 semaphore(%run_scoped3A : memref<!tpu.dma_semaphore, #tpu.memory_space<semaphore_mem>>) src(%arg22 : memref<40x64xf32, #tpu.memory_space<vmem>>) dst(%dma_wait3A_370 : memref<40x64xf32, #tpu.memory_space<vmem_shared>>)
        tpu.yield
      }) : () -> ()
    } else {
    }
    %add3A_8 = arith.constant 16 : i32
    %add3A_9 = arith.addi %add3A_8, %arg1 : i32
    %lt3A_10 = arith.constant 250 : i32
    %lt3A_11 = arith.cmpi slt, %add3A_9, %lt3A_10 : i32
    %convert_element_type3A_12 = arith.extui %lt3A_11 : i1 to i32
    %cond3A_13 = arith.constant 0 : i32
    %cond3A_14 = arith.cmpi ne, %convert_element_type3A_12, %cond3A_13 : i32
    scf.if %cond3A_14 {
      %mul3A_361 = arith.constant 40 : i32
      %mul3A_362 = arith.muli %add3A_9, %mul3A_361 : i32
      "tpu.region"() ({
        %run_scoped3A = tpu.sem_alloc : memref<!tpu.dma_semaphore, #tpu.memory_space<semaphore_mem>>
        %dma_start3A_363 = arith.constant 0 : i32
        %dma_start3A_364 = tpu.memref_slice %arg23[%mul3A_362, %dma_start3A_363] : memref<10000x64xf32, #tpu.memory_space<vmem_shared>> -> memref<40x64xf32, #tpu.memory_space<vmem_shared>>
        %dma_start3A_365 = arith.constant 0 : i32
        %dma_start3A_366 = tpu.memref_slice %arg23[%mul3A_362, %dma_start3A_365] : memref<10000x64xf32, #tpu.memory_space<vmem_shared>> -> memref<40x64xf32, #tpu.memory_space<vmem_shared>>
        tpu.enqueue_dma source(%arg22 : memref<40x64xf32, #tpu.memory_space<vmem>>) target(%dma_start3A_366 : memref<40x64xf32, #tpu.memory_space<vmem_shared>>) target_semaphore(%run_scoped3A : memref<!tpu.dma_semaphore, #tpu.memory_space<semaphore_mem>>)
        %dma_wait3A_367 = arith.constant 0 : i32
        %dma_wait3A_368 = tpu.memref_slice %arg23[%mul3A_362, %dma_wait3A_367] : memref<10000x64xf32, #tpu.memory_space<vmem_shared>> -> memref<40x64xf32, #tpu.memory_space<vmem_shared>>
        %dma_wait3A_369 = arith.constant 0 : i32
        %dma_wait3A_370 = tpu.memref_slice %arg23[%mul3A_362, %dma_wait3A_369] : memref<10000x64xf32, #tpu.memory_space<vmem_shared>> -> memref<40x64xf32, #tpu.memory_space<vmem_shared>>
        tpu.wait_dma2 semaphore(%run_scoped3A : memref<!tpu.dma_semaphore, #tpu.memory_space<semaphore_mem>>) src(%arg22 : memref<40x64xf32, #tpu.memory_space<vmem>>) dst(%dma_wait3A_370 : memref<40x64xf32, #tpu.memory_space<vmem_shared>>)
        tpu.yield
      }) : () -> ()
    } else {
    }
    %add3A_15 = arith.constant 32 : i32
    %add3A_16 = arith.addi %add3A_15, %arg1 : i32
    %lt3A_17 = arith.constant 250 : i32
    %lt3A_18 = arith.cmpi slt, %add3A_16, %lt3A_17 : i32
    %convert_element_type3A_19 = arith.extui %lt3A_18 : i1 to i32
    %cond3A_20 = arith.constant 0 : i32
    %cond3A_21 = arith.cmpi ne, %convert_element_type3A_19, %cond3A_20 : i32
    scf.if %cond3A_21 {
      %mul3A_361 = arith.constant 40 : i32
      %mul3A_362 = arith.muli %add3A_16, %mul3A_361 : i32
      "tpu.region"() ({
        %run_scoped3A = tpu.sem_alloc : memref<!tpu.dma_semaphore, #tpu.memory_space<semaphore_mem>>
        %dma_start3A_363 = arith.constant 0 : i32
        %dma_start3A_364 = tpu.memref_slice %arg23[%mul3A_362, %dma_start3A_363] : memref<10000x64xf32, #tpu.memory_space<vmem_shared>> -> memref<40x64xf32, #tpu.memory_space<vmem_shared>>
        %dma_start3A_365 = arith.constant 0 : i32
        %dma_start3A_366 = tpu.memref_slice %arg23[%mul3A_362, %dma_start3A_365] : memref<10000x64xf32, #tpu.memory_space<vmem_shared>> -> memref<40x64xf32, #tpu.memory_space<vmem_shared>>
        tpu.enqueue_dma source(%arg22 : memref<40x64xf32, #tpu.memory_space<vmem>>) target(%dma_start3A_366 : memref<40x64xf32, #tpu.memory_space<vmem_shared>>) target_semaphore(%run_scoped3A : memref<!tpu.dma_semaphore, #tpu.memory_space<semaphore_mem>>)
        %dma_wait3A_367 = arith.constant 0 : i32
        %dma_wait3A_368 = tpu.memref_slice %arg23[%mul3A_362, %dma_wait3A_367] : memref<10000x64xf32, #tpu.memory_space<vmem_shared>> -> memref<40x64xf32, #tpu.memory_space<vmem_shared>>
        %dma_wait3A_369 = arith.constant 0 : i32
        %dma_wait3A_370 = tpu.memref_slice %arg23[%mul3A_362, %dma_wait3A_369] : memref<10000x64xf32, #tpu.memory_space<vmem_shared>> -> memref<40x64xf32, #tpu.memory_space<vmem_shared>>
        tpu.wait_dma2 semaphore(%run_scoped3A : memref<!tpu.dma_semaphore, #tpu.memory_space<semaphore_mem>>) src(%arg22 : memref<40x64xf32, #tpu.memory_space<vmem>>) dst(%dma_wait3A_370 : memref<40x64xf32, #tpu.memory_space<vmem_shared>>)
        tpu.yield
      }) : () -> ()
    } else {
    }
    %add3A_22 = arith.constant 48 : i32
    %add3A_23 = arith.addi %add3A_22, %arg1 : i32
    %lt3A_24 = arith.constant 250 : i32
    %lt3A_25 = arith.cmpi slt, %add3A_23, %lt3A_24 : i32
    %convert_element_type3A_26 = arith.extui %lt3A_25 : i1 to i32
    %cond3A_27 = arith.constant 0 : i32
    %cond3A_28 = arith.cmpi ne, %convert_element_type3A_26, %cond3A_27 : i32
    scf.if %cond3A_28 {
      %mul3A_361 = arith.constant 40 : i32
      %mul3A_362 = arith.muli %add3A_23, %mul3A_361 : i32
      "tpu.region"() ({
        %run_scoped3A = tpu.sem_alloc : memref<!tpu.dma_semaphore, #tpu.memory_space<semaphore_mem>>
        %dma_start3A_363 = arith.constant 0 : i32
        %dma_start3A_364 = tpu.memref_slice %arg23[%mul3A_362, %dma_start3A_363] : memref<10000x64xf32, #tpu.memory_space<vmem_shared>> -> memref<40x64xf32, #tpu.memory_space<vmem_shared>>
        %dma_start3A_365 = arith.constant 0 : i32
        %dma_start3A_366 = tpu.memref_slice %arg23[%mul3A_362, %dma_start3A_365] : memref<10000x64xf32, #tpu.memory_space<vmem_shared>> -> memref<40x64xf32, #tpu.memory_space<vmem_shared>>
        tpu.enqueue_dma source(%arg22 : memref<40x64xf32, #tpu.memory_space<vmem>>) target(%dma_start3A_366 : memref<40x64xf32, #tpu.memory_space<vmem_shared>>) target_semaphore(%run_scoped3A : memref<!tpu.dma_semaphore, #tpu.memory_space<semaphore_mem>>)
        %dma_wait3A_367 = arith.constant 0 : i32
        %dma_wait3A_368 = tpu.memref_slice %arg23[%mul3A_362, %dma_wait3A_367] : memref<10000x64xf32, #tpu.memory_space<vmem_shared>> -> memref<40x64xf32, #tpu.memory_space<vmem_shared>>
        %dma_wait3A_369 = arith.constant 0 : i32
        %dma_wait3A_370 = tpu.memref_slice %arg23[%mul3A_362, %dma_wait3A_369] : memref<10000x64xf32, #tpu.memory_space<vmem_shared>> -> memref<40x64xf32, #tpu.memory_space<vmem_shared>>
        tpu.wait_dma2 semaphore(%run_scoped3A : memref<!tpu.dma_semaphore, #tpu.memory_space<semaphore_mem>>) src(%arg22 : memref<40x64xf32, #tpu.memory_space<vmem>>) dst(%dma_wait3A_370 : memref<40x64xf32, #tpu.memory_space<vmem_shared>>)
        tpu.yield
      }) : () -> ()
    } else {
    }
    %add3A_29 = arith.constant 64 : i32
    %add3A_30 = arith.addi %add3A_29, %arg1 : i32
    %lt3A_31 = arith.constant 250 : i32
    %lt3A_32 = arith.cmpi slt, %add3A_30, %lt3A_31 : i32
    %convert_element_type3A_33 = arith.extui %lt3A_32 : i1 to i32
    %cond3A_34 = arith.constant 0 : i32
    %cond3A_35 = arith.cmpi ne, %convert_element_type3A_33, %cond3A_34 : i32
    scf.if %cond3A_35 {
      %mul3A_361 = arith.constant 40 : i32
      %mul3A_362 = arith.muli %add3A_30, %mul3A_361 : i32
      "tpu.region"() ({
        %run_scoped3A = tpu.sem_alloc : memref<!tpu.dma_semaphore, #tpu.memory_space<semaphore_mem>>
        %dma_start3A_363 = arith.constant 0 : i32
        %dma_start3A_364 = tpu.memref_slice %arg23[%mul3A_362, %dma_start3A_363] : memref<10000x64xf32, #tpu.memory_space<vmem_shared>> -> memref<40x64xf32, #tpu.memory_space<vmem_shared>>
        %dma_start3A_365 = arith.constant 0 : i32
        %dma_start3A_366 = tpu.memref_slice %arg23[%mul3A_362, %dma_start3A_365] : memref<10000x64xf32, #tpu.memory_space<vmem_shared>> -> memref<40x64xf32, #tpu.memory_space<vmem_shared>>
        tpu.enqueue_dma source(%arg22 : memref<40x64xf32, #tpu.memory_space<vmem>>) target(%dma_start3A_366 : memref<40x64xf32, #tpu.memory_space<vmem_shared>>) target_semaphore(%run_scoped3A : memref<!tpu.dma_semaphore, #tpu.memory_space<semaphore_mem>>)
        %dma_wait3A_367 = arith.constant 0 : i32
        %dma_wait3A_368 = tpu.memref_slice %arg23[%mul3A_362, %dma_wait3A_367] : memref<10000x64xf32, #tpu.memory_space<vmem_shared>> -> memref<40x64xf32, #tpu.memory_space<vmem_shared>>
        %dma_wait3A_369 = arith.constant 0 : i32
        %dma_wait3A_370 = tpu.memref_slice %arg23[%mul3A_362, %dma_wait3A_369] : memref<10000x64xf32, #tpu.memory_space<vmem_shared>> -> memref<40x64xf32, #tpu.memory_space<vmem_shared>>
        tpu.wait_dma2 semaphore(%run_scoped3A : memref<!tpu.dma_semaphore, #tpu.memory_space<semaphore_mem>>) src(%arg22 : memref<40x64xf32, #tpu.memory_space<vmem>>) dst(%dma_wait3A_370 : memref<40x64xf32, #tpu.memory_space<vmem_shared>>)
        tpu.yield
      }) : () -> ()
    } else {
    }
    %add3A_36 = arith.constant 80 : i32
    %add3A_37 = arith.addi %add3A_36, %arg1 : i32
    %lt3A_38 = arith.constant 250 : i32
    %lt3A_39 = arith.cmpi slt, %add3A_37, %lt3A_38 : i32
    %convert_element_type3A_40 = arith.extui %lt3A_39 : i1 to i32
    %cond3A_41 = arith.constant 0 : i32
    %cond3A_42 = arith.cmpi ne, %convert_element_type3A_40, %cond3A_41 : i32
    scf.if %cond3A_42 {
      %mul3A_361 = arith.constant 40 : i32
      %mul3A_362 = arith.muli %add3A_37, %mul3A_361 : i32
      "tpu.region"() ({
        %run_scoped3A = tpu.sem_alloc : memref<!tpu.dma_semaphore, #tpu.memory_space<semaphore_mem>>
        %dma_start3A_363 = arith.constant 0 : i32
        %dma_start3A_364 = tpu.memref_slice %arg23[%mul3A_362, %dma_start3A_363] : memref<10000x64xf32, #tpu.memory_space<vmem_shared>> -> memref<40x64xf32, #tpu.memory_space<vmem_shared>>
        %dma_start3A_365 = arith.constant 0 : i32
        %dma_start3A_366 = tpu.memref_slice %arg23[%mul3A_362, %dma_start3A_365] : memref<10000x64xf32, #tpu.memory_space<vmem_shared>> -> memref<40x64xf32, #tpu.memory_space<vmem_shared>>
        tpu.enqueue_dma source(%arg22 : memref<40x64xf32, #tpu.memory_space<vmem>>) target(%dma_start3A_366 : memref<40x64xf32, #tpu.memory_space<vmem_shared>>) target_semaphore(%run_scoped3A : memref<!tpu.dma_semaphore, #tpu.memory_space<semaphore_mem>>)
        %dma_wait3A_367 = arith.constant 0 : i32
        %dma_wait3A_368 = tpu.memref_slice %arg23[%mul3A_362, %dma_wait3A_367] : memref<10000x64xf32, #tpu.memory_space<vmem_shared>> -> memref<40x64xf32, #tpu.memory_space<vmem_shared>>
        %dma_wait3A_369 = arith.constant 0 : i32
        %dma_wait3A_370 = tpu.memref_slice %arg23[%mul3A_362, %dma_wait3A_369] : memref<10000x64xf32, #tpu.memory_space<vmem_shared>> -> memref<40x64xf32, #tpu.memory_space<vmem_shared>>
        tpu.wait_dma2 semaphore(%run_scoped3A : memref<!tpu.dma_semaphore, #tpu.memory_space<semaphore_mem>>) src(%arg22 : memref<40x64xf32, #tpu.memory_space<vmem>>) dst(%dma_wait3A_370 : memref<40x64xf32, #tpu.memory_space<vmem_shared>>)
        tpu.yield
      }) : () -> ()
    } else {
    }
    %add3A_43 = arith.constant 96 : i32
    %add3A_44 = arith.addi %add3A_43, %arg1 : i32
    %lt3A_45 = arith.constant 250 : i32
    %lt3A_46 = arith.cmpi slt, %add3A_44, %lt3A_45 : i32
    %convert_element_type3A_47 = arith.extui %lt3A_46 : i1 to i32
    %cond3A_48 = arith.constant 0 : i32
    %cond3A_49 = arith.cmpi ne, %convert_element_type3A_47, %cond3A_48 : i32
    scf.if %cond3A_49 {
      %mul3A_361 = arith.constant 40 : i32
      %mul3A_362 = arith.muli %add3A_44, %mul3A_361 : i32
      "tpu.region"() ({
        %run_scoped3A = tpu.sem_alloc : memref<!tpu.dma_semaphore, #tpu.memory_space<semaphore_mem>>
        %dma_start3A_363 = arith.constant 0 : i32
        %dma_start3A_364 = tpu.memref_slice %arg23[%mul3A_362, %dma_start3A_363] : memref<10000x64xf32, #tpu.memory_space<vmem_shared>> -> memref<40x64xf32, #tpu.memory_space<vmem_shared>>
        %dma_start3A_365 = arith.constant 0 : i32
        %dma_start3A_366 = tpu.memref_slice %arg23[%mul3A_362, %dma_start3A_365] : memref<10000x64xf32, #tpu.memory_space<vmem_shared>> -> memref<40x64xf32, #tpu.memory_space<vmem_shared>>
        tpu.enqueue_dma source(%arg22 : memref<40x64xf32, #tpu.memory_space<vmem>>) target(%dma_start3A_366 : memref<40x64xf32, #tpu.memory_space<vmem_shared>>) target_semaphore(%run_scoped3A : memref<!tpu.dma_semaphore, #tpu.memory_space<semaphore_mem>>)
        %dma_wait3A_367 = arith.constant 0 : i32
        %dma_wait3A_368 = tpu.memref_slice %arg23[%mul3A_362, %dma_wait3A_367] : memref<10000x64xf32, #tpu.memory_space<vmem_shared>> -> memref<40x64xf32, #tpu.memory_space<vmem_shared>>
        %dma_wait3A_369 = arith.constant 0 : i32
        %dma_wait3A_370 = tpu.memref_slice %arg23[%mul3A_362, %dma_wait3A_369] : memref<10000x64xf32, #tpu.memory_space<vmem_shared>> -> memref<40x64xf32, #tpu.memory_space<vmem_shared>>
        tpu.wait_dma2 semaphore(%run_scoped3A : memref<!tpu.dma_semaphore, #tpu.memory_space<semaphore_mem>>) src(%arg22 : memref<40x64xf32, #tpu.memory_space<vmem>>) dst(%dma_wait3A_370 : memref<40x64xf32, #tpu.memory_space<vmem_shared>>)
        tpu.yield
      }) : () -> ()
    } else {
    }
    %add3A_50 = arith.constant 112 : i32
    %add3A_51 = arith.addi %add3A_50, %arg1 : i32
    %lt3A_52 = arith.constant 250 : i32
    %lt3A_53 = arith.cmpi slt, %add3A_51, %lt3A_52 : i32
    %convert_element_type3A_54 = arith.extui %lt3A_53 : i1 to i32
    %cond3A_55 = arith.constant 0 : i32
    %cond3A_56 = arith.cmpi ne, %convert_element_type3A_54, %cond3A_55 : i32
    scf.if %cond3A_56 {
      %mul3A_361 = arith.constant 40 : i32
      %mul3A_362 = arith.muli %add3A_51, %mul3A_361 : i32
      "tpu.region"() ({
        %run_scoped3A = tpu.sem_alloc : memref<!tpu.dma_semaphore, #tpu.memory_space<semaphore_mem>>
        %dma_start3A_363 = arith.constant 0 : i32
        %dma_start3A_364 = tpu.memref_slice %arg23[%mul3A_362, %dma_start3A_363] : memref<10000x64xf32, #tpu.memory_space<vmem_shared>> -> memref<40x64xf32, #tpu.memory_space<vmem_shared>>
        %dma_start3A_365 = arith.constant 0 : i32
        %dma_start3A_366 = tpu.memref_slice %arg23[%mul3A_362, %dma_start3A_365] : memref<10000x64xf32, #tpu.memory_space<vmem_shared>> -> memref<40x64xf32, #tpu.memory_space<vmem_shared>>
        tpu.enqueue_dma source(%arg22 : memref<40x64xf32, #tpu.memory_space<vmem>>) target(%dma_start3A_366 : memref<40x64xf32, #tpu.memory_space<vmem_shared>>) target_semaphore(%run_scoped3A : memref<!tpu.dma_semaphore, #tpu.memory_space<semaphore_mem>>)
        %dma_wait3A_367 = arith.constant 0 : i32
        %dma_wait3A_368 = tpu.memref_slice %arg23[%mul3A_362, %dma_wait3A_367] : memref<10000x64xf32, #tpu.memory_space<vmem_shared>> -> memref<40x64xf32, #tpu.memory_space<vmem_shared>>
        %dma_wait3A_369 = arith.constant 0 : i32
        %dma_wait3A_370 = tpu.memref_slice %arg23[%mul3A_362, %dma_wait3A_369] : memref<10000x64xf32, #tpu.memory_space<vmem_shared>> -> memref<40x64xf32, #tpu.memory_space<vmem_shared>>
        tpu.wait_dma2 semaphore(%run_scoped3A : memref<!tpu.dma_semaphore, #tpu.memory_space<semaphore_mem>>) src(%arg22 : memref<40x64xf32, #tpu.memory_space<vmem>>) dst(%dma_wait3A_370 : memref<40x64xf32, #tpu.memory_space<vmem_shared>>)
        tpu.yield
      }) : () -> ()
    } else {
    }
    %add3A_57 = arith.constant 128 : i32
    %add3A_58 = arith.addi %add3A_57, %arg1 : i32
    %lt3A_59 = arith.constant 250 : i32
    %lt3A_60 = arith.cmpi slt, %add3A_58, %lt3A_59 : i32
    %convert_element_type3A_61 = arith.extui %lt3A_60 : i1 to i32
    %cond3A_62 = arith.constant 0 : i32
    %cond3A_63 = arith.cmpi ne, %convert_element_type3A_61, %cond3A_62 : i32
    scf.if %cond3A_63 {
      %mul3A_361 = arith.constant 40 : i32
      %mul3A_362 = arith.muli %add3A_58, %mul3A_361 : i32
      "tpu.region"() ({
        %run_scoped3A = tpu.sem_alloc : memref<!tpu.dma_semaphore, #tpu.memory_space<semaphore_mem>>
        %dma_start3A_363 = arith.constant 0 : i32
        %dma_start3A_364 = tpu.memref_slice %arg23[%mul3A_362, %dma_start3A_363] : memref<10000x64xf32, #tpu.memory_space<vmem_shared>> -> memref<40x64xf32, #tpu.memory_space<vmem_shared>>
        %dma_start3A_365 = arith.constant 0 : i32
        %dma_start3A_366 = tpu.memref_slice %arg23[%mul3A_362, %dma_start3A_365] : memref<10000x64xf32, #tpu.memory_space<vmem_shared>> -> memref<40x64xf32, #tpu.memory_space<vmem_shared>>
        tpu.enqueue_dma source(%arg22 : memref<40x64xf32, #tpu.memory_space<vmem>>) target(%dma_start3A_366 : memref<40x64xf32, #tpu.memory_space<vmem_shared>>) target_semaphore(%run_scoped3A : memref<!tpu.dma_semaphore, #tpu.memory_space<semaphore_mem>>)
        %dma_wait3A_367 = arith.constant 0 : i32
        %dma_wait3A_368 = tpu.memref_slice %arg23[%mul3A_362, %dma_wait3A_367] : memref<10000x64xf32, #tpu.memory_space<vmem_shared>> -> memref<40x64xf32, #tpu.memory_space<vmem_shared>>
        %dma_wait3A_369 = arith.constant 0 : i32
        %dma_wait3A_370 = tpu.memref_slice %arg23[%mul3A_362, %dma_wait3A_369] : memref<10000x64xf32, #tpu.memory_space<vmem_shared>> -> memref<40x64xf32, #tpu.memory_space<vmem_shared>>
        tpu.wait_dma2 semaphore(%run_scoped3A : memref<!tpu.dma_semaphore, #tpu.memory_space<semaphore_mem>>) src(%arg22 : memref<40x64xf32, #tpu.memory_space<vmem>>) dst(%dma_wait3A_370 : memref<40x64xf32, #tpu.memory_space<vmem_shared>>)
        tpu.yield
      }) : () -> ()
    } else {
    }
    %add3A_64 = arith.constant 144 : i32
    %add3A_65 = arith.addi %add3A_64, %arg1 : i32
    %lt3A_66 = arith.constant 250 : i32
    %lt3A_67 = arith.cmpi slt, %add3A_65, %lt3A_66 : i32
    %convert_element_type3A_68 = arith.extui %lt3A_67 : i1 to i32
    %cond3A_69 = arith.constant 0 : i32
    %cond3A_70 = arith.cmpi ne, %convert_element_type3A_68, %cond3A_69 : i32
    scf.if %cond3A_70 {
      %mul3A_361 = arith.constant 40 : i32
      %mul3A_362 = arith.muli %add3A_65, %mul3A_361 : i32
      "tpu.region"() ({
        %run_scoped3A = tpu.sem_alloc : memref<!tpu.dma_semaphore, #tpu.memory_space<semaphore_mem>>
        %dma_start3A_363 = arith.constant 0 : i32
        %dma_start3A_364 = tpu.memref_slice %arg23[%mul3A_362, %dma_start3A_363] : memref<10000x64xf32, #tpu.memory_space<vmem_shared>> -> memref<40x64xf32, #tpu.memory_space<vmem_shared>>
        %dma_start3A_365 = arith.constant 0 : i32
        %dma_start3A_366 = tpu.memref_slice %arg23[%mul3A_362, %dma_start3A_365] : memref<10000x64xf32, #tpu.memory_space<vmem_shared>> -> memref<40x64xf32, #tpu.memory_space<vmem_shared>>
        tpu.enqueue_dma source(%arg22 : memref<40x64xf32, #tpu.memory_space<vmem>>) target(%dma_start3A_366 : memref<40x64xf32, #tpu.memory_space<vmem_shared>>) target_semaphore(%run_scoped3A : memref<!tpu.dma_semaphore, #tpu.memory_space<semaphore_mem>>)
        %dma_wait3A_367 = arith.constant 0 : i32
        %dma_wait3A_368 = tpu.memref_slice %arg23[%mul3A_362, %dma_wait3A_367] : memref<10000x64xf32, #tpu.memory_space<vmem_shared>> -> memref<40x64xf32, #tpu.memory_space<vmem_shared>>
        %dma_wait3A_369 = arith.constant 0 : i32
        %dma_wait3A_370 = tpu.memref_slice %arg23[%mul3A_362, %dma_wait3A_369] : memref<10000x64xf32, #tpu.memory_space<vmem_shared>> -> memref<40x64xf32, #tpu.memory_space<vmem_shared>>
        tpu.wait_dma2 semaphore(%run_scoped3A : memref<!tpu.dma_semaphore, #tpu.memory_space<semaphore_mem>>) src(%arg22 : memref<40x64xf32, #tpu.memory_space<vmem>>) dst(%dma_wait3A_370 : memref<40x64xf32, #tpu.memory_space<vmem_shared>>)
        tpu.yield
      }) : () -> ()
    } else {
    }
    %add3A_71 = arith.constant 160 : i32
    %add3A_72 = arith.addi %add3A_71, %arg1 : i32
    %lt3A_73 = arith.constant 250 : i32
    %lt3A_74 = arith.cmpi slt, %add3A_72, %lt3A_73 : i32
    %convert_element_type3A_75 = arith.extui %lt3A_74 : i1 to i32
    %cond3A_76 = arith.constant 0 : i32
    %cond3A_77 = arith.cmpi ne, %convert_element_type3A_75, %cond3A_76 : i32
    scf.if %cond3A_77 {
      %mul3A_361 = arith.constant 40 : i32
      %mul3A_362 = arith.muli %add3A_72, %mul3A_361 : i32
      "tpu.region"() ({
        %run_scoped3A = tpu.sem_alloc : memref<!tpu.dma_semaphore, #tpu.memory_space<semaphore_mem>>
        %dma_start3A_363 = arith.constant 0 : i32
        %dma_start3A_364 = tpu.memref_slice %arg23[%mul3A_362, %dma_start3A_363] : memref<10000x64xf32, #tpu.memory_space<vmem_shared>> -> memref<40x64xf32, #tpu.memory_space<vmem_shared>>
        %dma_start3A_365 = arith.constant 0 : i32
        %dma_start3A_366 = tpu.memref_slice %arg23[%mul3A_362, %dma_start3A_365] : memref<10000x64xf32, #tpu.memory_space<vmem_shared>> -> memref<40x64xf32, #tpu.memory_space<vmem_shared>>
        tpu.enqueue_dma source(%arg22 : memref<40x64xf32, #tpu.memory_space<vmem>>) target(%dma_start3A_366 : memref<40x64xf32, #tpu.memory_space<vmem_shared>>) target_semaphore(%run_scoped3A : memref<!tpu.dma_semaphore, #tpu.memory_space<semaphore_mem>>)
        %dma_wait3A_367 = arith.constant 0 : i32
        %dma_wait3A_368 = tpu.memref_slice %arg23[%mul3A_362, %dma_wait3A_367] : memref<10000x64xf32, #tpu.memory_space<vmem_shared>> -> memref<40x64xf32, #tpu.memory_space<vmem_shared>>
        %dma_wait3A_369 = arith.constant 0 : i32
        %dma_wait3A_370 = tpu.memref_slice %arg23[%mul3A_362, %dma_wait3A_369] : memref<10000x64xf32, #tpu.memory_space<vmem_shared>> -> memref<40x64xf32, #tpu.memory_space<vmem_shared>>
        tpu.wait_dma2 semaphore(%run_scoped3A : memref<!tpu.dma_semaphore, #tpu.memory_space<semaphore_mem>>) src(%arg22 : memref<40x64xf32, #tpu.memory_space<vmem>>) dst(%dma_wait3A_370 : memref<40x64xf32, #tpu.memory_space<vmem_shared>>)
        tpu.yield
      }) : () -> ()
    } else {
    }
    %add3A_78 = arith.constant 176 : i32
    %add3A_79 = arith.addi %add3A_78, %arg1 : i32
    %lt3A_80 = arith.constant 250 : i32
    %lt3A_81 = arith.cmpi slt, %add3A_79, %lt3A_80 : i32
    %convert_element_type3A_82 = arith.extui %lt3A_81 : i1 to i32
    %cond3A_83 = arith.constant 0 : i32
    %cond3A_84 = arith.cmpi ne, %convert_element_type3A_82, %cond3A_83 : i32
    scf.if %cond3A_84 {
      %mul3A_361 = arith.constant 40 : i32
      %mul3A_362 = arith.muli %add3A_79, %mul3A_361 : i32
      "tpu.region"() ({
        %run_scoped3A = tpu.sem_alloc : memref<!tpu.dma_semaphore, #tpu.memory_space<semaphore_mem>>
        %dma_start3A_363 = arith.constant 0 : i32
        %dma_start3A_364 = tpu.memref_slice %arg23[%mul3A_362, %dma_start3A_363] : memref<10000x64xf32, #tpu.memory_space<vmem_shared>> -> memref<40x64xf32, #tpu.memory_space<vmem_shared>>
        %dma_start3A_365 = arith.constant 0 : i32
        %dma_start3A_366 = tpu.memref_slice %arg23[%mul3A_362, %dma_start3A_365] : memref<10000x64xf32, #tpu.memory_space<vmem_shared>> -> memref<40x64xf32, #tpu.memory_space<vmem_shared>>
        tpu.enqueue_dma source(%arg22 : memref<40x64xf32, #tpu.memory_space<vmem>>) target(%dma_start3A_366 : memref<40x64xf32, #tpu.memory_space<vmem_shared>>) target_semaphore(%run_scoped3A : memref<!tpu.dma_semaphore, #tpu.memory_space<semaphore_mem>>)
        %dma_wait3A_367 = arith.constant 0 : i32
        %dma_wait3A_368 = tpu.memref_slice %arg23[%mul3A_362, %dma_wait3A_367] : memref<10000x64xf32, #tpu.memory_space<vmem_shared>> -> memref<40x64xf32, #tpu.memory_space<vmem_shared>>
        %dma_wait3A_369 = arith.constant 0 : i32
        %dma_wait3A_370 = tpu.memref_slice %arg23[%mul3A_362, %dma_wait3A_369] : memref<10000x64xf32, #tpu.memory_space<vmem_shared>> -> memref<40x64xf32, #tpu.memory_space<vmem_shared>>
        tpu.wait_dma2 semaphore(%run_scoped3A : memref<!tpu.dma_semaphore, #tpu.memory_space<semaphore_mem>>) src(%arg22 : memref<40x64xf32, #tpu.memory_space<vmem>>) dst(%dma_wait3A_370 : memref<40x64xf32, #tpu.memory_space<vmem_shared>>)
        tpu.yield
      }) : () -> ()
    } else {
    }
    %add3A_85 = arith.constant 192 : i32
    %add3A_86 = arith.addi %add3A_85, %arg1 : i32
    %lt3A_87 = arith.constant 250 : i32
    %lt3A_88 = arith.cmpi slt, %add3A_86, %lt3A_87 : i32
    %convert_element_type3A_89 = arith.extui %lt3A_88 : i1 to i32
    %cond3A_90 = arith.constant 0 : i32
    %cond3A_91 = arith.cmpi ne, %convert_element_type3A_89, %cond3A_90 : i32
    scf.if %cond3A_91 {
      %mul3A_361 = arith.constant 40 : i32
      %mul3A_362 = arith.muli %add3A_86, %mul3A_361 : i32
      "tpu.region"() ({
        %run_scoped3A = tpu.sem_alloc : memref<!tpu.dma_semaphore, #tpu.memory_space<semaphore_mem>>
        %dma_start3A_363 = arith.constant 0 : i32
        %dma_start3A_364 = tpu.memref_slice %arg23[%mul3A_362, %dma_start3A_363] : memref<10000x64xf32, #tpu.memory_space<vmem_shared>> -> memref<40x64xf32, #tpu.memory_space<vmem_shared>>
        %dma_start3A_365 = arith.constant 0 : i32
        %dma_start3A_366 = tpu.memref_slice %arg23[%mul3A_362, %dma_start3A_365] : memref<10000x64xf32, #tpu.memory_space<vmem_shared>> -> memref<40x64xf32, #tpu.memory_space<vmem_shared>>
        tpu.enqueue_dma source(%arg22 : memref<40x64xf32, #tpu.memory_space<vmem>>) target(%dma_start3A_366 : memref<40x64xf32, #tpu.memory_space<vmem_shared>>) target_semaphore(%run_scoped3A : memref<!tpu.dma_semaphore, #tpu.memory_space<semaphore_mem>>)
        %dma_wait3A_367 = arith.constant 0 : i32
        %dma_wait3A_368 = tpu.memref_slice %arg23[%mul3A_362, %dma_wait3A_367] : memref<10000x64xf32, #tpu.memory_space<vmem_shared>> -> memref<40x64xf32, #tpu.memory_space<vmem_shared>>
        %dma_wait3A_369 = arith.constant 0 : i32
        %dma_wait3A_370 = tpu.memref_slice %arg23[%mul3A_362, %dma_wait3A_369] : memref<10000x64xf32, #tpu.memory_space<vmem_shared>> -> memref<40x64xf32, #tpu.memory_space<vmem_shared>>
        tpu.wait_dma2 semaphore(%run_scoped3A : memref<!tpu.dma_semaphore, #tpu.memory_space<semaphore_mem>>) src(%arg22 : memref<40x64xf32, #tpu.memory_space<vmem>>) dst(%dma_wait3A_370 : memref<40x64xf32, #tpu.memory_space<vmem_shared>>)
        tpu.yield
      }) : () -> ()
    } else {
    }
    %add3A_92 = arith.constant 208 : i32
    %add3A_93 = arith.addi %add3A_92, %arg1 : i32
    %lt3A_94 = arith.constant 250 : i32
    %lt3A_95 = arith.cmpi slt, %add3A_93, %lt3A_94 : i32
    %convert_element_type3A_96 = arith.extui %lt3A_95 : i1 to i32
    %cond3A_97 = arith.constant 0 : i32
    %cond3A_98 = arith.cmpi ne, %convert_element_type3A_96, %cond3A_97 : i32
    scf.if %cond3A_98 {
      %mul3A_361 = arith.constant 40 : i32
      %mul3A_362 = arith.muli %add3A_93, %mul3A_361 : i32
      "tpu.region"() ({
        %run_scoped3A = tpu.sem_alloc : memref<!tpu.dma_semaphore, #tpu.memory_space<semaphore_mem>>
        %dma_start3A_363 = arith.constant 0 : i32
        %dma_start3A_364 = tpu.memref_slice %arg23[%mul3A_362, %dma_start3A_363] : memref<10000x64xf32, #tpu.memory_space<vmem_shared>> -> memref<40x64xf32, #tpu.memory_space<vmem_shared>>
        %dma_start3A_365 = arith.constant 0 : i32
        %dma_start3A_366 = tpu.memref_slice %arg23[%mul3A_362, %dma_start3A_365] : memref<10000x64xf32, #tpu.memory_space<vmem_shared>> -> memref<40x64xf32, #tpu.memory_space<vmem_shared>>
        tpu.enqueue_dma source(%arg22 : memref<40x64xf32, #tpu.memory_space<vmem>>) target(%dma_start3A_366 : memref<40x64xf32, #tpu.memory_space<vmem_shared>>) target_semaphore(%run_scoped3A : memref<!tpu.dma_semaphore, #tpu.memory_space<semaphore_mem>>)
        %dma_wait3A_367 = arith.constant 0 : i32
        %dma_wait3A_368 = tpu.memref_slice %arg23[%mul3A_362, %dma_wait3A_367] : memref<10000x64xf32, #tpu.memory_space<vmem_shared>> -> memref<40x64xf32, #tpu.memory_space<vmem_shared>>
        %dma_wait3A_369 = arith.constant 0 : i32
        %dma_wait3A_370 = tpu.memref_slice %arg23[%mul3A_362, %dma_wait3A_369] : memref<10000x64xf32, #tpu.memory_space<vmem_shared>> -> memref<40x64xf32, #tpu.memory_space<vmem_shared>>
        tpu.wait_dma2 semaphore(%run_scoped3A : memref<!tpu.dma_semaphore, #tpu.memory_space<semaphore_mem>>) src(%arg22 : memref<40x64xf32, #tpu.memory_space<vmem>>) dst(%dma_wait3A_370 : memref<40x64xf32, #tpu.memory_space<vmem_shared>>)
        tpu.yield
      }) : () -> ()
    } else {
    }
    %add3A_99 = arith.constant 224 : i32
    %add3A_100 = arith.addi %add3A_99, %arg1 : i32
    %lt3A_101 = arith.constant 250 : i32
    %lt3A_102 = arith.cmpi slt, %add3A_100, %lt3A_101 : i32
    %convert_element_type3A_103 = arith.extui %lt3A_102 : i1 to i32
    %cond3A_104 = arith.constant 0 : i32
    %cond3A_105 = arith.cmpi ne, %convert_element_type3A_103, %cond3A_104 : i32
    scf.if %cond3A_105 {
      %mul3A_361 = arith.constant 40 : i32
      %mul3A_362 = arith.muli %add3A_100, %mul3A_361 : i32
      "tpu.region"() ({
        %run_scoped3A = tpu.sem_alloc : memref<!tpu.dma_semaphore, #tpu.memory_space<semaphore_mem>>
        %dma_start3A_363 = arith.constant 0 : i32
        %dma_start3A_364 = tpu.memref_slice %arg23[%mul3A_362, %dma_start3A_363] : memref<10000x64xf32, #tpu.memory_space<vmem_shared>> -> memref<40x64xf32, #tpu.memory_space<vmem_shared>>
        %dma_start3A_365 = arith.constant 0 : i32
        %dma_start3A_366 = tpu.memref_slice %arg23[%mul3A_362, %dma_start3A_365] : memref<10000x64xf32, #tpu.memory_space<vmem_shared>> -> memref<40x64xf32, #tpu.memory_space<vmem_shared>>
        tpu.enqueue_dma source(%arg22 : memref<40x64xf32, #tpu.memory_space<vmem>>) target(%dma_start3A_366 : memref<40x64xf32, #tpu.memory_space<vmem_shared>>) target_semaphore(%run_scoped3A : memref<!tpu.dma_semaphore, #tpu.memory_space<semaphore_mem>>)
        %dma_wait3A_367 = arith.constant 0 : i32
        %dma_wait3A_368 = tpu.memref_slice %arg23[%mul3A_362, %dma_wait3A_367] : memref<10000x64xf32, #tpu.memory_space<vmem_shared>> -> memref<40x64xf32, #tpu.memory_space<vmem_shared>>
        %dma_wait3A_369 = arith.constant 0 : i32
        %dma_wait3A_370 = tpu.memref_slice %arg23[%mul3A_362, %dma_wait3A_369] : memref<10000x64xf32, #tpu.memory_space<vmem_shared>> -> memref<40x64xf32, #tpu.memory_space<vmem_shared>>
        tpu.wait_dma2 semaphore(%run_scoped3A : memref<!tpu.dma_semaphore, #tpu.memory_space<semaphore_mem>>) src(%arg22 : memref<40x64xf32, #tpu.memory_space<vmem>>) dst(%dma_wait3A_370 : memref<40x64xf32, #tpu.memory_space<vmem_shared>>)
        tpu.yield
      }) : () -> ()
    } else {
    }
    %add3A_106 = arith.constant 240 : i32
    %add3A_107 = arith.addi %add3A_106, %arg1 : i32
    %lt3A_108 = arith.constant 250 : i32
    %lt3A_109 = arith.cmpi slt, %add3A_107, %lt3A_108 : i32
    %convert_element_type3A_110 = arith.extui %lt3A_109 : i1 to i32
    %cond3A_111 = arith.constant 0 : i32
    %cond3A_112 = arith.cmpi ne, %convert_element_type3A_110, %cond3A_111 : i32
    scf.if %cond3A_112 {
      %mul3A_361 = arith.constant 40 : i32
      %mul3A_362 = arith.muli %add3A_107, %mul3A_361 : i32
      "tpu.region"() ({
        %run_scoped3A = tpu.sem_alloc : memref<!tpu.dma_semaphore, #tpu.memory_space<semaphore_mem>>
        %dma_start3A_363 = arith.constant 0 : i32
        %dma_start3A_364 = tpu.memref_slice %arg23[%mul3A_362, %dma_start3A_363] : memref<10000x64xf32, #tpu.memory_space<vmem_shared>> -> memref<40x64xf32, #tpu.memory_space<vmem_shared>>
        %dma_start3A_365 = arith.constant 0 : i32
        %dma_start3A_366 = tpu.memref_slice %arg23[%mul3A_362, %dma_start3A_365] : memref<10000x64xf32, #tpu.memory_space<vmem_shared>> -> memref<40x64xf32, #tpu.memory_space<vmem_shared>>
        tpu.enqueue_dma source(%arg22 : memref<40x64xf32, #tpu.memory_space<vmem>>) target(%dma_start3A_366 : memref<40x64xf32, #tpu.memory_space<vmem_shared>>) target_semaphore(%run_scoped3A : memref<!tpu.dma_semaphore, #tpu.memory_space<semaphore_mem>>)
        %dma_wait3A_367 = arith.constant 0 : i32
        %dma_wait3A_368 = tpu.memref_slice %arg23[%mul3A_362, %dma_wait3A_367] : memref<10000x64xf32, #tpu.memory_space<vmem_shared>> -> memref<40x64xf32, #tpu.memory_space<vmem_shared>>
        %dma_wait3A_369 = arith.constant 0 : i32
        %dma_wait3A_370 = tpu.memref_slice %arg23[%mul3A_362, %dma_wait3A_369] : memref<10000x64xf32, #tpu.memory_space<vmem_shared>> -> memref<40x64xf32, #tpu.memory_space<vmem_shared>>
        tpu.wait_dma2 semaphore(%run_scoped3A : memref<!tpu.dma_semaphore, #tpu.memory_space<semaphore_mem>>) src(%arg22 : memref<40x64xf32, #tpu.memory_space<vmem>>) dst(%dma_wait3A_370 : memref<40x64xf32, #tpu.memory_space<vmem_shared>>)
        tpu.yield
      }) : () -> ()
    } else {
    }
    %barrier3A = arith.constant 0 : index
    tpu.barrier barrier_id(%barrier3A)
    "tpu.region"() ({
      %run_scoped3A = tpu.sem_alloc : memref<!tpu.dma_semaphore, #tpu.memory_space<semaphore_mem>>
      %dma_start3A_361 = arith.constant 0 : i32
      %dma_start3A_362 = arith.constant 0 : i32
      %dma_start3A_363 = tpu.memref_slice %arg5[%arg1, %dma_start3A_361, %dma_start3A_362] : memref<16x500x40xi32, #tpu.memory_space<hbm>> -> memref<1x500x40xi32, #tpu.memory_space<hbm>>
      %dma_start3A_364 = tpu.memref_squeeze %dma_start3A_363 : memref<1x500x40xi32, #tpu.memory_space<hbm>> -> memref<500x40xi32, #tpu.memory_space<hbm>>
      %dma_start3A_365 = arith.constant 0 : i32
      %dma_start3A_366 = arith.constant 0 : i32
      %dma_start3A_367 = tpu.memref_slice %arg5[%arg1, %dma_start3A_365, %dma_start3A_366] : memref<16x500x40xi32, #tpu.memory_space<hbm>> -> memref<1x500x40xi32, #tpu.memory_space<hbm>>
      %dma_start3A_368 = tpu.memref_squeeze %dma_start3A_367 : memref<1x500x40xi32, #tpu.memory_space<hbm>> -> memref<500x40xi32, #tpu.memory_space<hbm>>
      tpu.enqueue_dma source(%dma_start3A_368 : memref<500x40xi32, #tpu.memory_space<hbm>>) target(%arg8 : memref<500x40xi32, #tpu.memory_space<vmem>>) target_semaphore(%run_scoped3A : memref<!tpu.dma_semaphore, #tpu.memory_space<semaphore_mem>>)
      %dma_wait3A_369 = arith.constant 0 : i32
      %dma_wait3A_370 = arith.constant 0 : i32
      %dma_wait3A_371 = tpu.memref_slice %arg5[%arg1, %dma_wait3A_369, %dma_wait3A_370] : memref<16x500x40xi32, #tpu.memory_space<hbm>> -> memref<1x500x40xi32, #tpu.memory_space<hbm>>
      %dma_wait3A_372 = tpu.memref_squeeze %dma_wait3A_371 : memref<1x500x40xi32, #tpu.memory_space<hbm>> -> memref<500x40xi32, #tpu.memory_space<hbm>>
      %dma_wait3A_373 = arith.constant 0 : i32
      %dma_wait3A_374 = arith.constant 0 : i32
      %dma_wait3A_375 = tpu.memref_slice %arg5[%arg1, %dma_wait3A_373, %dma_wait3A_374] : memref<16x500x40xi32, #tpu.memory_space<hbm>> -> memref<1x500x40xi32, #tpu.memory_space<hbm>>
      %dma_wait3A_376 = tpu.memref_squeeze %dma_wait3A_375 : memref<1x500x40xi32, #tpu.memory_space<hbm>> -> memref<500x40xi32, #tpu.memory_space<hbm>>
      tpu.wait_dma2 semaphore(%run_scoped3A : memref<!tpu.dma_semaphore, #tpu.memory_space<semaphore_mem>>) src(%dma_wait3A_376 : memref<500x40xi32, #tpu.memory_space<hbm>>) dst(%arg8 : memref<500x40xi32, #tpu.memory_space<vmem>>)
      tpu.yield
    }) : () -> ()
    "tpu.region"() ({
      %run_scoped3A = tpu.sem_alloc : memref<!tpu.dma_semaphore, #tpu.memory_space<semaphore_mem>>
      %dma_start3A_361 = arith.constant 0 : i32
      %dma_start3A_362 = arith.constant 0 : i32
      %dma_start3A_363 = tpu.memref_slice %arg6[%arg1, %dma_start3A_361, %dma_start3A_362] : memref<16x500x40xi32, #tpu.memory_space<hbm>> -> memref<1x500x40xi32, #tpu.memory_space<hbm>>
      %dma_start3A_364 = tpu.memref_squeeze %dma_start3A_363 : memref<1x500x40xi32, #tpu.memory_space<hbm>> -> memref<500x40xi32, #tpu.memory_space<hbm>>
      %dma_start3A_365 = arith.constant 0 : i32
      %dma_start3A_366 = arith.constant 0 : i32
      %dma_start3A_367 = tpu.memref_slice %arg6[%arg1, %dma_start3A_365, %dma_start3A_366] : memref<16x500x40xi32, #tpu.memory_space<hbm>> -> memref<1x500x40xi32, #tpu.memory_space<hbm>>
      %dma_start3A_368 = tpu.memref_squeeze %dma_start3A_367 : memref<1x500x40xi32, #tpu.memory_space<hbm>> -> memref<500x40xi32, #tpu.memory_space<hbm>>
      tpu.enqueue_dma source(%dma_start3A_368 : memref<500x40xi32, #tpu.memory_space<hbm>>) target(%arg9 : memref<500x40xi32, #tpu.memory_space<vmem>>) target_semaphore(%run_scoped3A : memref<!tpu.dma_semaphore, #tpu.memory_space<semaphore_mem>>)
      %dma_wait3A_369 = arith.constant 0 : i32
      %dma_wait3A_370 = arith.constant 0 : i32
      %dma_wait3A_371 = tpu.memref_slice %arg6[%arg1, %dma_wait3A_369, %dma_wait3A_370] : memref<16x500x40xi32, #tpu.memory_space<hbm>> -> memref<1x500x40xi32, #tpu.memory_space<hbm>>
      %dma_wait3A_372 = tpu.memref_squeeze %dma_wait3A_371 : memref<1x500x40xi32, #tpu.memory_space<hbm>> -> memref<500x40xi32, #tpu.memory_space<hbm>>
      %dma_wait3A_373 = arith.constant 0 : i32
      %dma_wait3A_374 = arith.constant 0 : i32
      %dma_wait3A_375 = tpu.memref_slice %arg6[%arg1, %dma_wait3A_373, %dma_wait3A_374] : memref<16x500x40xi32, #tpu.memory_space<hbm>> -> memref<1x500x40xi32, #tpu.memory_space<hbm>>
      %dma_wait3A_376 = tpu.memref_squeeze %dma_wait3A_375 : memref<1x500x40xi32, #tpu.memory_space<hbm>> -> memref<500x40xi32, #tpu.memory_space<hbm>>
      tpu.wait_dma2 semaphore(%run_scoped3A : memref<!tpu.dma_semaphore, #tpu.memory_space<semaphore_mem>>) src(%dma_wait3A_376 : memref<500x40xi32, #tpu.memory_space<hbm>>) dst(%arg9 : memref<500x40xi32, #tpu.memory_space<vmem>>)
      tpu.yield
    }) : () -> ()
    %mul3A = arith.constant 20000 : i32
    %mul3A_113 = arith.muli %arg1, %mul3A : i32
    %add3A_114 = arith.constant 0 : i32
    %add3A_115 = arith.addi %mul3A_113, %add3A_114 : i32
    %mul3A_116 = arith.constant 64 : i32
    %mul3A_117 = arith.muli %arg0, %mul3A_116 : i32
    %dma_start3A = tpu.memref_slice %arg4[%add3A_115, %mul3A_117] : memref<320000x128xf32, #tpu.memory_space<hbm>> -> memref<40x64xf32, #tpu.memory_space<hbm>>
    %dma_start3A_118 = tpu.memref_slice %arg4[%add3A_115, %mul3A_117] : memref<320000x128xf32, #tpu.memory_space<hbm>> -> memref<40x64xf32, #tpu.memory_space<hbm>>
    tpu.enqueue_dma source(%dma_start3A_118 : memref<40x64xf32, #tpu.memory_space<hbm>>) target(%arg10 : memref<40x64xf32, #tpu.memory_space<vmem>>) target_semaphore(%arg24 : memref<!tpu.dma_semaphore, #tpu.memory_space<semaphore_mem>>)
    %dma_start3A_119 = arith.constant 0 : i32
    %dma_start3A_120 = arith.constant 0 : i32
    %dma_start3A_121 = tpu.memref_slice %arg8[%dma_start3A_119, %dma_start3A_120] : memref<500x40xi32, #tpu.memory_space<vmem>> -> memref<1x40xi32, #tpu.memory_space<vmem>>
    %dma_start3A_122 = tpu.memref_squeeze %dma_start3A_121 : memref<1x40xi32, #tpu.memory_space<vmem>> -> memref<40xi32, #tpu.memory_space<vmem>>
    %dma_start3A_123 = arith.constant 0 : i32
    %dma_start3A_124 = arith.constant 0 : i32
    %dma_start3A_125 = tpu.memref_slice %arg2[%arg0, %dma_start3A_123, %dma_start3A_124] : memref<2x10000x64xf32, #tpu.memory_space<hbm>> -> memref<1x10000x64xf32, #tpu.memory_space<hbm>>
    %dma_start3A_126 = tpu.memref_squeeze %dma_start3A_125 : memref<1x10000x64xf32, #tpu.memory_space<hbm>> -> memref<10000x64xf32, #tpu.memory_space<hbm>>
    %dma_start3A_127 = arith.constant 0 : i32
    %dma_start3A_128 = arith.constant 0 : i32
    %dma_start3A_129 = tpu.memref_slice %dma_start3A_126[%dma_start3A_127, %dma_start3A_128] : memref<10000x64xf32, #tpu.memory_space<hbm>> -> memref<10000x64xf32, #tpu.memory_space<hbm>>
    tpu.enqueue_indirect_dma source(%dma_start3A_129 : memref<10000x64xf32, #tpu.memory_space<hbm>>) target(%arg13 : memref<40x64xf32, #tpu.memory_space<vmem>>) offsets(%dma_start3A_122 : memref<40xi32, #tpu.memory_space<vmem>>) semaphore(%arg27 : memref<!tpu.dma_semaphore, #tpu.memory_space<semaphore_mem>>)
    %dma_start3A_130 = arith.constant 0 : i32
    %dma_start3A_131 = arith.constant 0 : i32
    %dma_start3A_132 = tpu.memref_slice %arg9[%dma_start3A_130, %dma_start3A_131] : memref<500x40xi32, #tpu.memory_space<vmem>> -> memref<1x40xi32, #tpu.memory_space<vmem>>
    %dma_start3A_133 = tpu.memref_squeeze %dma_start3A_132 : memref<1x40xi32, #tpu.memory_space<vmem>> -> memref<40xi32, #tpu.memory_space<vmem>>
    %dma_start3A_134 = arith.constant 0 : i32
    %dma_start3A_135 = arith.constant 0 : i32
    %dma_start3A_136 = tpu.memref_slice %arg3[%arg0, %dma_start3A_134, %dma_start3A_135] : memref<2x10000x64xf32, #tpu.memory_space<hbm>> -> memref<1x10000x64xf32, #tpu.memory_space<hbm>>
    %dma_start3A_137 = tpu.memref_squeeze %dma_start3A_136 : memref<1x10000x64xf32, #tpu.memory_space<hbm>> -> memref<10000x64xf32, #tpu.memory_space<hbm>>
    %dma_start3A_138 = arith.constant 0 : i32
    %dma_start3A_139 = arith.constant 0 : i32
    %dma_start3A_140 = tpu.memref_slice %dma_start3A_137[%dma_start3A_138, %dma_start3A_139] : memref<10000x64xf32, #tpu.memory_space<hbm>> -> memref<10000x64xf32, #tpu.memory_space<hbm>>
    tpu.enqueue_indirect_dma source(%dma_start3A_140 : memref<10000x64xf32, #tpu.memory_space<hbm>>) target(%arg16 : memref<40x64xf32, #tpu.memory_space<vmem>>) offsets(%dma_start3A_133 : memref<40xi32, #tpu.memory_space<vmem>>) semaphore(%arg30 : memref<!tpu.dma_semaphore, #tpu.memory_space<semaphore_mem>>)
    %mul3A_141 = arith.constant 20000 : i32
    %mul3A_142 = arith.muli %arg1, %mul3A_141 : i32
    %add3A_143 = arith.constant 40 : i32
    %add3A_144 = arith.addi %mul3A_142, %add3A_143 : i32
    %mul3A_145 = arith.constant 64 : i32
    %mul3A_146 = arith.muli %arg0, %mul3A_145 : i32
    %dma_start3A_147 = tpu.memref_slice %arg4[%add3A_144, %mul3A_146] : memref<320000x128xf32, #tpu.memory_space<hbm>> -> memref<40x64xf32, #tpu.memory_space<hbm>>
    %dma_start3A_148 = tpu.memref_slice %arg4[%add3A_144, %mul3A_146] : memref<320000x128xf32, #tpu.memory_space<hbm>> -> memref<40x64xf32, #tpu.memory_space<hbm>>
    tpu.enqueue_dma source(%dma_start3A_148 : memref<40x64xf32, #tpu.memory_space<hbm>>) target(%arg11 : memref<40x64xf32, #tpu.memory_space<vmem>>) target_semaphore(%arg25 : memref<!tpu.dma_semaphore, #tpu.memory_space<semaphore_mem>>)
    %dma_start3A_149 = arith.constant 1 : i32
    %dma_start3A_150 = arith.constant 0 : i32
    %dma_start3A_151 = tpu.memref_slice %arg8[%dma_start3A_149, %dma_start3A_150] : memref<500x40xi32, #tpu.memory_space<vmem>> -> memref<1x40xi32, #tpu.memory_space<vmem>>
    %dma_start3A_152 = tpu.memref_squeeze %dma_start3A_151 : memref<1x40xi32, #tpu.memory_space<vmem>> -> memref<40xi32, #tpu.memory_space<vmem>>
    %dma_start3A_153 = arith.constant 0 : i32
    %dma_start3A_154 = arith.constant 0 : i32
    %dma_start3A_155 = tpu.memref_slice %arg2[%arg0, %dma_start3A_153, %dma_start3A_154] : memref<2x10000x64xf32, #tpu.memory_space<hbm>> -> memref<1x10000x64xf32, #tpu.memory_space<hbm>>
    %dma_start3A_156 = tpu.memref_squeeze %dma_start3A_155 : memref<1x10000x64xf32, #tpu.memory_space<hbm>> -> memref<10000x64xf32, #tpu.memory_space<hbm>>
    %dma_start3A_157 = arith.constant 0 : i32
    %dma_start3A_158 = arith.constant 0 : i32
    %dma_start3A_159 = tpu.memref_slice %dma_start3A_156[%dma_start3A_157, %dma_start3A_158] : memref<10000x64xf32, #tpu.memory_space<hbm>> -> memref<10000x64xf32, #tpu.memory_space<hbm>>
    tpu.enqueue_indirect_dma source(%dma_start3A_159 : memref<10000x64xf32, #tpu.memory_space<hbm>>) target(%arg14 : memref<40x64xf32, #tpu.memory_space<vmem>>) offsets(%dma_start3A_152 : memref<40xi32, #tpu.memory_space<vmem>>) semaphore(%arg28 : memref<!tpu.dma_semaphore, #tpu.memory_space<semaphore_mem>>)
    %dma_start3A_160 = arith.constant 1 : i32
    %dma_start3A_161 = arith.constant 0 : i32
    %dma_start3A_162 = tpu.memref_slice %arg9[%dma_start3A_160, %dma_start3A_161] : memref<500x40xi32, #tpu.memory_space<vmem>> -> memref<1x40xi32, #tpu.memory_space<vmem>>
    %dma_start3A_163 = tpu.memref_squeeze %dma_start3A_162 : memref<1x40xi32, #tpu.memory_space<vmem>> -> memref<40xi32, #tpu.memory_space<vmem>>
    %dma_start3A_164 = arith.constant 0 : i32
    %dma_start3A_165 = arith.constant 0 : i32
    %dma_start3A_166 = tpu.memref_slice %arg3[%arg0, %dma_start3A_164, %dma_start3A_165] : memref<2x10000x64xf32, #tpu.memory_space<hbm>> -> memref<1x10000x64xf32, #tpu.memory_space<hbm>>
    %dma_start3A_167 = tpu.memref_squeeze %dma_start3A_166 : memref<1x10000x64xf32, #tpu.memory_space<hbm>> -> memref<10000x64xf32, #tpu.memory_space<hbm>>
    %dma_start3A_168 = arith.constant 0 : i32
    %dma_start3A_169 = arith.constant 0 : i32
    %dma_start3A_170 = tpu.memref_slice %dma_start3A_167[%dma_start3A_168, %dma_start3A_169] : memref<10000x64xf32, #tpu.memory_space<hbm>> -> memref<10000x64xf32, #tpu.memory_space<hbm>>
    tpu.enqueue_indirect_dma source(%dma_start3A_170 : memref<10000x64xf32, #tpu.memory_space<hbm>>) target(%arg17 : memref<40x64xf32, #tpu.memory_space<vmem>>) offsets(%dma_start3A_163 : memref<40xi32, #tpu.memory_space<vmem>>) semaphore(%arg31 : memref<!tpu.dma_semaphore, #tpu.memory_space<semaphore_mem>>)
    %mul3A_171 = arith.constant 20000 : i32
    %mul3A_172 = arith.muli %arg1, %mul3A_171 : i32
    %add3A_173 = arith.constant 80 : i32
    %add3A_174 = arith.addi %mul3A_172, %add3A_173 : i32
    %mul3A_175 = arith.constant 64 : i32
    %mul3A_176 = arith.muli %arg0, %mul3A_175 : i32
    %dma_start3A_177 = tpu.memref_slice %arg4[%add3A_174, %mul3A_176] : memref<320000x128xf32, #tpu.memory_space<hbm>> -> memref<40x64xf32, #tpu.memory_space<hbm>>
    %dma_start3A_178 = tpu.memref_slice %arg4[%add3A_174, %mul3A_176] : memref<320000x128xf32, #tpu.memory_space<hbm>> -> memref<40x64xf32, #tpu.memory_space<hbm>>
    tpu.enqueue_dma source(%dma_start3A_178 : memref<40x64xf32, #tpu.memory_space<hbm>>) target(%arg12 : memref<40x64xf32, #tpu.memory_space<vmem>>) target_semaphore(%arg26 : memref<!tpu.dma_semaphore, #tpu.memory_space<semaphore_mem>>)
    %dma_start3A_179 = arith.constant 2 : i32
    %dma_start3A_180 = arith.constant 0 : i32
    %dma_start3A_181 = tpu.memref_slice %arg8[%dma_start3A_179, %dma_start3A_180] : memref<500x40xi32, #tpu.memory_space<vmem>> -> memref<1x40xi32, #tpu.memory_space<vmem>>
    %dma_start3A_182 = tpu.memref_squeeze %dma_start3A_181 : memref<1x40xi32, #tpu.memory_space<vmem>> -> memref<40xi32, #tpu.memory_space<vmem>>
    %dma_start3A_183 = arith.constant 0 : i32
    %dma_start3A_184 = arith.constant 0 : i32
    %dma_start3A_185 = tpu.memref_slice %arg2[%arg0, %dma_start3A_183, %dma_start3A_184] : memref<2x10000x64xf32, #tpu.memory_space<hbm>> -> memref<1x10000x64xf32, #tpu.memory_space<hbm>>
    %dma_start3A_186 = tpu.memref_squeeze %dma_start3A_185 : memref<1x10000x64xf32, #tpu.memory_space<hbm>> -> memref<10000x64xf32, #tpu.memory_space<hbm>>
    %dma_start3A_187 = arith.constant 0 : i32
    %dma_start3A_188 = arith.constant 0 : i32
    %dma_start3A_189 = tpu.memref_slice %dma_start3A_186[%dma_start3A_187, %dma_start3A_188] : memref<10000x64xf32, #tpu.memory_space<hbm>> -> memref<10000x64xf32, #tpu.memory_space<hbm>>
    tpu.enqueue_indirect_dma source(%dma_start3A_189 : memref<10000x64xf32, #tpu.memory_space<hbm>>) target(%arg15 : memref<40x64xf32, #tpu.memory_space<vmem>>) offsets(%dma_start3A_182 : memref<40xi32, #tpu.memory_space<vmem>>) semaphore(%arg29 : memref<!tpu.dma_semaphore, #tpu.memory_space<semaphore_mem>>)
    %dma_start3A_190 = arith.constant 2 : i32
    %dma_start3A_191 = arith.constant 0 : i32
    %dma_start3A_192 = tpu.memref_slice %arg9[%dma_start3A_190, %dma_start3A_191] : memref<500x40xi32, #tpu.memory_space<vmem>> -> memref<1x40xi32, #tpu.memory_space<vmem>>
    %dma_start3A_193 = tpu.memref_squeeze %dma_start3A_192 : memref<1x40xi32, #tpu.memory_space<vmem>> -> memref<40xi32, #tpu.memory_space<vmem>>
    %dma_start3A_194 = arith.constant 0 : i32
    %dma_start3A_195 = arith.constant 0 : i32
    %dma_start3A_196 = tpu.memref_slice %arg3[%arg0, %dma_start3A_194, %dma_start3A_195] : memref<2x10000x64xf32, #tpu.memory_space<hbm>> -> memref<1x10000x64xf32, #tpu.memory_space<hbm>>
    %dma_start3A_197 = tpu.memref_squeeze %dma_start3A_196 : memref<1x10000x64xf32, #tpu.memory_space<hbm>> -> memref<10000x64xf32, #tpu.memory_space<hbm>>
    %dma_start3A_198 = arith.constant 0 : i32
    %dma_start3A_199 = arith.constant 0 : i32
    %dma_start3A_200 = tpu.memref_slice %dma_start3A_197[%dma_start3A_198, %dma_start3A_199] : memref<10000x64xf32, #tpu.memory_space<hbm>> -> memref<10000x64xf32, #tpu.memory_space<hbm>>
    tpu.enqueue_indirect_dma source(%dma_start3A_200 : memref<10000x64xf32, #tpu.memory_space<hbm>>) target(%arg18 : memref<40x64xf32, #tpu.memory_space<vmem>>) offsets(%dma_start3A_193 : memref<40xi32, #tpu.memory_space<vmem>>) semaphore(%arg32 : memref<!tpu.dma_semaphore, #tpu.memory_space<semaphore_mem>>)
    %scan3A_201 = arith.constant 0 : i32
    %scan3A_202 = arith.constant 0 : i32
    %scan3A_203 = arith.constant 167 : i32
    %scan3A_204 = arith.addi %scan3A_202, %scan3A_203 : i32
    %scan3A_205 = arith.constant 1 : i32
    scf.for %scan3A_361 = %scan3A_202 to %scan3A_204 step %scan3A_205  : i32 {
      %mul3A_362 = arith.constant 3 : i32
      %mul3A_363 = arith.muli %scan3A_361, %mul3A_362 : i32
      %add3A_364 = arith.constant 0 : i32
      %add3A_365 = arith.addi %mul3A_363, %add3A_364 : i32
      %lt3A_366 = arith.constant 500 : i32
      %lt3A_367 = arith.cmpi slt, %add3A_365, %lt3A_366 : i32
      %convert_element_type3A_368 = arith.extui %lt3A_367 : i1 to i32
      %cond3A_369 = arith.constant 0 : i32
      %cond3A_370 = arith.cmpi ne, %convert_element_type3A_368, %cond3A_369 : i32
      scf.if %cond3A_370 {
        %dma_wait3A_389 = arith.constant 0 : i32
        %dma_wait3A_390 = arith.constant 0 : i32
        %dma_wait3A_391 = tpu.memref_slice %arg2[%arg0, %dma_wait3A_389, %dma_wait3A_390] : memref<2x10000x64xf32, #tpu.memory_space<hbm>> -> memref<1x10000x64xf32, #tpu.memory_space<hbm>>
        %dma_wait3A_392 = tpu.memref_squeeze %dma_wait3A_391 : memref<1x10000x64xf32, #tpu.memory_space<hbm>> -> memref<10000x64xf32, #tpu.memory_space<hbm>>
        %dma_wait3A_393 = arith.constant 0 : i32
        %dma_wait3A_394 = arith.constant 0 : i32
        %dma_wait3A_395 = tpu.memref_slice %dma_wait3A_392[%dma_wait3A_393, %dma_wait3A_394] : memref<10000x64xf32, #tpu.memory_space<hbm>> -> memref<40x64xf32, #tpu.memory_space<hbm>>
        %dma_wait3A_396 = arith.constant 0 : i32
        %dma_wait3A_397 = arith.constant 0 : i32
        %dma_wait3A_398 = tpu.memref_slice %arg2[%arg0, %dma_wait3A_396, %dma_wait3A_397] : memref<2x10000x64xf32, #tpu.memory_space<hbm>> -> memref<1x10000x64xf32, #tpu.memory_space<hbm>>
        %dma_wait3A_399 = tpu.memref_squeeze %dma_wait3A_398 : memref<1x10000x64xf32, #tpu.memory_space<hbm>> -> memref<10000x64xf32, #tpu.memory_space<hbm>>
        %dma_wait3A_400 = arith.constant 0 : i32
        %dma_wait3A_401 = arith.constant 0 : i32
        %dma_wait3A_402 = tpu.memref_slice %dma_wait3A_399[%dma_wait3A_400, %dma_wait3A_401] : memref<10000x64xf32, #tpu.memory_space<hbm>> -> memref<40x64xf32, #tpu.memory_space<hbm>>
        tpu.wait_dma2 semaphore(%arg24 : memref<!tpu.dma_semaphore, #tpu.memory_space<semaphore_mem>>) src(%dma_wait3A_402 : memref<40x64xf32, #tpu.memory_space<hbm>>) dst(%arg10 : memref<40x64xf32, #tpu.memory_space<vmem>>)
        %dma_wait3A_403 = arith.constant 0 : i32
        %dma_wait3A_404 = arith.constant 0 : i32
        %dma_wait3A_405 = tpu.memref_slice %arg2[%arg0, %dma_wait3A_403, %dma_wait3A_404] : memref<2x10000x64xf32, #tpu.memory_space<hbm>> -> memref<1x10000x64xf32, #tpu.memory_space<hbm>>
        %dma_wait3A_406 = tpu.memref_squeeze %dma_wait3A_405 : memref<1x10000x64xf32, #tpu.memory_space<hbm>> -> memref<10000x64xf32, #tpu.memory_space<hbm>>
        %dma_wait3A_407 = arith.constant 0 : i32
        %dma_wait3A_408 = arith.constant 0 : i32
        %dma_wait3A_409 = tpu.memref_slice %dma_wait3A_406[%dma_wait3A_407, %dma_wait3A_408] : memref<10000x64xf32, #tpu.memory_space<hbm>> -> memref<40x64xf32, #tpu.memory_space<hbm>>
        %dma_wait3A_410 = arith.constant 0 : i32
        %dma_wait3A_411 = arith.constant 0 : i32
        %dma_wait3A_412 = tpu.memref_slice %arg2[%arg0, %dma_wait3A_410, %dma_wait3A_411] : memref<2x10000x64xf32, #tpu.memory_space<hbm>> -> memref<1x10000x64xf32, #tpu.memory_space<hbm>>
        %dma_wait3A_413 = tpu.memref_squeeze %dma_wait3A_412 : memref<1x10000x64xf32, #tpu.memory_space<hbm>> -> memref<10000x64xf32, #tpu.memory_space<hbm>>
        %dma_wait3A_414 = arith.constant 0 : i32
        %dma_wait3A_415 = arith.constant 0 : i32
        %dma_wait3A_416 = tpu.memref_slice %dma_wait3A_413[%dma_wait3A_414, %dma_wait3A_415] : memref<10000x64xf32, #tpu.memory_space<hbm>> -> memref<40x64xf32, #tpu.memory_space<hbm>>
        tpu.wait_dma2 semaphore(%arg27 : memref<!tpu.dma_semaphore, #tpu.memory_space<semaphore_mem>>) src(%dma_wait3A_416 : memref<40x64xf32, #tpu.memory_space<hbm>>) dst(%arg13 : memref<40x64xf32, #tpu.memory_space<vmem>>)
        %dma_wait3A_417 = arith.constant 0 : i32
        %dma_wait3A_418 = arith.constant 0 : i32
        %dma_wait3A_419 = tpu.memref_slice %arg2[%arg0, %dma_wait3A_417, %dma_wait3A_418] : memref<2x10000x64xf32, #tpu.memory_space<hbm>> -> memref<1x10000x64xf32, #tpu.memory_space<hbm>>
        %dma_wait3A_420 = tpu.memref_squeeze %dma_wait3A_419 : memref<1x10000x64xf32, #tpu.memory_space<hbm>> -> memref<10000x64xf32, #tpu.memory_space<hbm>>
        %dma_wait3A_421 = arith.constant 0 : i32
        %dma_wait3A_422 = arith.constant 0 : i32
        %dma_wait3A_423 = tpu.memref_slice %dma_wait3A_420[%dma_wait3A_421, %dma_wait3A_422] : memref<10000x64xf32, #tpu.memory_space<hbm>> -> memref<40x64xf32, #tpu.memory_space<hbm>>
        %dma_wait3A_424 = arith.constant 0 : i32
        %dma_wait3A_425 = arith.constant 0 : i32
        %dma_wait3A_426 = tpu.memref_slice %arg2[%arg0, %dma_wait3A_424, %dma_wait3A_425] : memref<2x10000x64xf32, #tpu.memory_space<hbm>> -> memref<1x10000x64xf32, #tpu.memory_space<hbm>>
        %dma_wait3A_427 = tpu.memref_squeeze %dma_wait3A_426 : memref<1x10000x64xf32, #tpu.memory_space<hbm>> -> memref<10000x64xf32, #tpu.memory_space<hbm>>
        %dma_wait3A_428 = arith.constant 0 : i32
        %dma_wait3A_429 = arith.constant 0 : i32
        %dma_wait3A_430 = tpu.memref_slice %dma_wait3A_427[%dma_wait3A_428, %dma_wait3A_429] : memref<10000x64xf32, #tpu.memory_space<hbm>> -> memref<40x64xf32, #tpu.memory_space<hbm>>
        tpu.wait_dma2 semaphore(%arg30 : memref<!tpu.dma_semaphore, #tpu.memory_space<semaphore_mem>>) src(%dma_wait3A_430 : memref<40x64xf32, #tpu.memory_space<hbm>>) dst(%arg16 : memref<40x64xf32, #tpu.memory_space<vmem>>)
        %gt3A = arith.constant 0 : i32
        %gt3A_431 = arith.cmpi sgt, %scan3A_361, %gt3A : i32
        %convert_element_type3A_432 = arith.extui %gt3A_431 : i1 to i32
        %cond3A_433 = arith.constant 0 : i32
        %cond3A_434 = arith.cmpi ne, %convert_element_type3A_432, %cond3A_433 : i32
        scf.if %cond3A_434 {
          %dma_wait3A_454 = arith.constant 0 : i32
          %dma_wait3A_455 = arith.constant 0 : i32
          %dma_wait3A_456 = tpu.memref_slice %arg2[%arg0, %dma_wait3A_454, %dma_wait3A_455] : memref<2x10000x64xf32, #tpu.memory_space<hbm>> -> memref<1x10000x64xf32, #tpu.memory_space<hbm>>
          %dma_wait3A_457 = tpu.memref_squeeze %dma_wait3A_456 : memref<1x10000x64xf32, #tpu.memory_space<hbm>> -> memref<10000x64xf32, #tpu.memory_space<hbm>>
          %dma_wait3A_458 = arith.constant 0 : i32
          %dma_wait3A_459 = arith.constant 0 : i32
          %dma_wait3A_460 = tpu.memref_slice %dma_wait3A_457[%dma_wait3A_458, %dma_wait3A_459] : memref<10000x64xf32, #tpu.memory_space<hbm>> -> memref<40x64xf32, #tpu.memory_space<hbm>>
          %dma_wait3A_461 = arith.constant 0 : i32
          %dma_wait3A_462 = arith.constant 0 : i32
          %dma_wait3A_463 = tpu.memref_slice %arg2[%arg0, %dma_wait3A_461, %dma_wait3A_462] : memref<2x10000x64xf32, #tpu.memory_space<hbm>> -> memref<1x10000x64xf32, #tpu.memory_space<hbm>>
          %dma_wait3A_464 = tpu.memref_squeeze %dma_wait3A_463 : memref<1x10000x64xf32, #tpu.memory_space<hbm>> -> memref<10000x64xf32, #tpu.memory_space<hbm>>
          %dma_wait3A_465 = arith.constant 0 : i32
          %dma_wait3A_466 = arith.constant 0 : i32
          %dma_wait3A_467 = tpu.memref_slice %dma_wait3A_464[%dma_wait3A_465, %dma_wait3A_466] : memref<10000x64xf32, #tpu.memory_space<hbm>> -> memref<40x64xf32, #tpu.memory_space<hbm>>
          tpu.wait_dma2 semaphore(%arg33 : memref<!tpu.dma_semaphore, #tpu.memory_space<semaphore_mem>>) src(%dma_wait3A_467 : memref<40x64xf32, #tpu.memory_space<hbm>>) dst(%arg19 : memref<40x64xf32, #tpu.memory_space<vmem>>)
        } else {
        }
        %scan3A_435 = arith.constant 0 : i32
        %scan3A_436 = arith.constant 0 : i32
        %scan3A_437 = arith.constant 40 : i32
        %scan3A_438 = arith.addi %scan3A_436, %scan3A_437 : i32
        %scan3A_439 = arith.constant 1 : i32
        scf.for %scan3A_454 = %scan3A_436 to %scan3A_438 step %scan3A_439  : i32 {
          %get3A = arith.index_cast %scan3A_454 : i32 to index
          %get3A_455 = arith.constant 0 : index
          %get3A_456 = tpu.vector_load %arg10[%get3A, %get3A_455] {strides = array<i32>} : memref<40x64xf32, #tpu.memory_space<vmem>>, vector<1x16xf32>,
          %get3A_457 = vector.shape_cast %get3A_456 : vector<1x16xf32> to vector<16xf32>
          %get3A_458 = arith.index_cast %scan3A_454 : i32 to index
          %get3A_459 = arith.constant 0 : index
          %get3A_460 = tpu.vector_load %arg13[%get3A_458, %get3A_459] {strides = array<i32>} : memref<40x64xf32, #tpu.memory_space<vmem>>, vector<1x16xf32>,
          %get3A_461 = vector.shape_cast %get3A_460 : vector<1x16xf32> to vector<16xf32>
          %add3A_462 = arith.addf %get3A_457, %get3A_461 : vector<16xf32>
          %get3A_463 = arith.index_cast %scan3A_454 : i32 to index
          %get3A_464 = arith.constant 0 : index
          %get3A_465 = tpu.vector_load %arg16[%get3A_463, %get3A_464] {strides = array<i32>} : memref<40x64xf32, #tpu.memory_space<vmem>>, vector<1x16xf32>,
          %get3A_466 = vector.shape_cast %get3A_465 : vector<1x16xf32> to vector<16xf32>
          %add3A_467 = arith.addf %add3A_462, %get3A_466 : vector<16xf32>
          %max3A = arith.constant 0.000000e+00 : f32
          %max3A_468 = vector.broadcast %max3A : f32 to vector<16xf32>
          %max3A_469 = arith.maximumf %add3A_467, %max3A_468 : vector<16xf32>
          %swap3A = arith.index_cast %scan3A_454 : i32 to index
          %swap3A_470 = arith.constant 0 : index
          %swap3A_471 = tpu.vector_load %arg19[%swap3A, %swap3A_470] {strides = array<i32>} : memref<40x64xf32, #tpu.memory_space<vmem>>, vector<1x16xf32>,
          %swap3A_472 = vector.shape_cast %swap3A_471 : vector<1x16xf32> to vector<16xf32>
          %swap3A_473 = vector.shape_cast %max3A_469 : vector<16xf32> to vector<1x16xf32>
          tpu.vector_store %arg19[%swap3A, %swap3A_470], %swap3A_473 {strides = array<i32>} : memref<40x64xf32, #tpu.memory_space<vmem>>, vector<1x16xf32>,
          %get3A_474 = arith.index_cast %scan3A_454 : i32 to index
          %get3A_475 = arith.constant 16 : index
          %get3A_476 = tpu.vector_load %arg10[%get3A_474, %get3A_475] {strides = array<i32>} : memref<40x64xf32, #tpu.memory_space<vmem>>, vector<1x16xf32>,
          %get3A_477 = vector.shape_cast %get3A_476 : vector<1x16xf32> to vector<16xf32>
          %get3A_478 = arith.index_cast %scan3A_454 : i32 to index
          %get3A_479 = arith.constant 16 : index
          %get3A_480 = tpu.vector_load %arg13[%get3A_478, %get3A_479] {strides = array<i32>} : memref<40x64xf32, #tpu.memory_space<vmem>>, vector<1x16xf32>,
          %get3A_481 = vector.shape_cast %get3A_480 : vector<1x16xf32> to vector<16xf32>
          %add3A_482 = arith.addf %get3A_477, %get3A_481 : vector<16xf32>
          %get3A_483 = arith.index_cast %scan3A_454 : i32 to index
          %get3A_484 = arith.constant 16 : index
          %get3A_485 = tpu.vector_load %arg16[%get3A_483, %get3A_484] {strides = array<i32>} : memref<40x64xf32, #tpu.memory_space<vmem>>, vector<1x16xf32>,
          %get3A_486 = vector.shape_cast %get3A_485 : vector<1x16xf32> to vector<16xf32>
          %add3A_487 = arith.addf %add3A_482, %get3A_486 : vector<16xf32>
          %max3A_488 = arith.constant 0.000000e+00 : f32
          %max3A_489 = vector.broadcast %max3A_488 : f32 to vector<16xf32>
          %max3A_490 = arith.maximumf %add3A_487, %max3A_489 : vector<16xf32>
          %swap3A_491 = arith.index_cast %scan3A_454 : i32 to index
          %swap3A_492 = arith.constant 16 : index
          %swap3A_493 = tpu.vector_load %arg19[%swap3A_491, %swap3A_492] {strides = array<i32>} : memref<40x64xf32, #tpu.memory_space<vmem>>, vector<1x16xf32>,
          %swap3A_494 = vector.shape_cast %swap3A_493 : vector<1x16xf32> to vector<16xf32>
          %swap3A_495 = vector.shape_cast %max3A_490 : vector<16xf32> to vector<1x16xf32>
          tpu.vector_store %arg19[%swap3A_491, %swap3A_492], %swap3A_495 {strides = array<i32>} : memref<40x64xf32, #tpu.memory_space<vmem>>, vector<1x16xf32>,
          %get3A_496 = arith.index_cast %scan3A_454 : i32 to index
          %get3A_497 = arith.constant 32 : index
          %get3A_498 = tpu.vector_load %arg10[%get3A_496, %get3A_497] {strides = array<i32>} : memref<40x64xf32, #tpu.memory_space<vmem>>, vector<1x16xf32>,
          %get3A_499 = vector.shape_cast %get3A_498 : vector<1x16xf32> to vector<16xf32>
          %get3A_500 = arith.index_cast %scan3A_454 : i32 to index
          %get3A_501 = arith.constant 32 : index
          %get3A_502 = tpu.vector_load %arg13[%get3A_500, %get3A_501] {strides = array<i32>} : memref<40x64xf32, #tpu.memory_space<vmem>>, vector<1x16xf32>,
          %get3A_503 = vector.shape_cast %get3A_502 : vector<1x16xf32> to vector<16xf32>
          %add3A_504 = arith.addf %get3A_499, %get3A_503 : vector<16xf32>
          %get3A_505 = arith.index_cast %scan3A_454 : i32 to index
          %get3A_506 = arith.constant 32 : index
          %get3A_507 = tpu.vector_load %arg16[%get3A_505, %get3A_506] {strides = array<i32>} : memref<40x64xf32, #tpu.memory_space<vmem>>, vector<1x16xf32>,
          %get3A_508 = vector.shape_cast %get3A_507 : vector<1x16xf32> to vector<16xf32>
          %add3A_509 = arith.addf %add3A_504, %get3A_508 : vector<16xf32>
          %max3A_510 = arith.constant 0.000000e+00 : f32
          %max3A_511 = vector.broadcast %max3A_510 : f32 to vector<16xf32>
          %max3A_512 = arith.maximumf %add3A_509, %max3A_511 : vector<16xf32>
          %swap3A_513 = arith.index_cast %scan3A_454 : i32 to index
          %swap3A_514 = arith.constant 32 : index
          %swap3A_515 = tpu.vector_load %arg19[%swap3A_513, %swap3A_514] {strides = array<i32>} : memref<40x64xf32, #tpu.memory_space<vmem>>, vector<1x16xf32>,
          %swap3A_516 = vector.shape_cast %swap3A_515 : vector<1x16xf32> to vector<16xf32>
          %swap3A_517 = vector.shape_cast %max3A_512 : vector<16xf32> to vector<1x16xf32>
          tpu.vector_store %arg19[%swap3A_513, %swap3A_514], %swap3A_517 {strides = array<i32>} : memref<40x64xf32, #tpu.memory_space<vmem>>, vector<1x16xf32>,
          %get3A_518 = arith.index_cast %scan3A_454 : i32 to index
          %get3A_519 = arith.constant 48 : index
          %get3A_520 = tpu.vector_load %arg10[%get3A_518, %get3A_519] {strides = array<i32>} : memref<40x64xf32, #tpu.memory_space<vmem>>, vector<1x16xf32>,
          %get3A_521 = vector.shape_cast %get3A_520 : vector<1x16xf32> to vector<16xf32>
          %get3A_522 = arith.index_cast %scan3A_454 : i32 to index
          %get3A_523 = arith.constant 48 : index
          %get3A_524 = tpu.vector_load %arg13[%get3A_522, %get3A_523] {strides = array<i32>} : memref<40x64xf32, #tpu.memory_space<vmem>>, vector<1x16xf32>,
          %get3A_525 = vector.shape_cast %get3A_524 : vector<1x16xf32> to vector<16xf32>
          %add3A_526 = arith.addf %get3A_521, %get3A_525 : vector<16xf32>
          %get3A_527 = arith.index_cast %scan3A_454 : i32 to index
          %get3A_528 = arith.constant 48 : index
          %get3A_529 = tpu.vector_load %arg16[%get3A_527, %get3A_528] {strides = array<i32>} : memref<40x64xf32, #tpu.memory_space<vmem>>, vector<1x16xf32>,
          %get3A_530 = vector.shape_cast %get3A_529 : vector<1x16xf32> to vector<16xf32>
          %add3A_531 = arith.addf %add3A_526, %get3A_530 : vector<16xf32>
          %max3A_532 = arith.constant 0.000000e+00 : f32
          %max3A_533 = vector.broadcast %max3A_532 : f32 to vector<16xf32>
          %max3A_534 = arith.maximumf %add3A_531, %max3A_533 : vector<16xf32>
          %swap3A_535 = arith.index_cast %scan3A_454 : i32 to index
          %swap3A_536 = arith.constant 48 : index
          %swap3A_537 = tpu.vector_load %arg19[%swap3A_535, %swap3A_536] {strides = array<i32>} : memref<40x64xf32, #tpu.memory_space<vmem>>, vector<1x16xf32>,
          %swap3A_538 = vector.shape_cast %swap3A_537 : vector<1x16xf32> to vector<16xf32>
          %swap3A_539 = vector.shape_cast %max3A_534 : vector<16xf32> to vector<1x16xf32>
          tpu.vector_store %arg19[%swap3A_535, %swap3A_536], %swap3A_539 {strides = array<i32>} : memref<40x64xf32, #tpu.memory_space<vmem>>, vector<1x16xf32>,
        }
        %scan3A_440 = arith.constant 40 : i32
        %dma_start3A_441 = arith.constant 0 : i32
        %dma_start3A_442 = tpu.memref_slice %arg8[%add3A_365, %dma_start3A_441] : memref<500x40xi32, #tpu.memory_space<vmem>> -> memref<1x40xi32, #tpu.memory_space<vmem>>
        %dma_start3A_443 = tpu.memref_squeeze %dma_start3A_442 : memref<1x40xi32, #tpu.memory_space<vmem>> -> memref<40xi32, #tpu.memory_space<vmem>>
        %dma_start3A_444 = arith.constant 0 : i32
        %dma_start3A_445 = arith.constant 0 : i32
        %dma_start3A_446 = tpu.memref_slice %arg23[%dma_start3A_444, %dma_start3A_445] : memref<10000x64xf32, #tpu.memory_space<vmem_shared>> -> memref<10000x64xf32, #tpu.memory_space<vmem_shared>>
        tpu.enqueue_indirect_dma source(%arg19 : memref<40x64xf32, #tpu.memory_space<vmem>>) target(%dma_start3A_446 : memref<10000x64xf32, #tpu.memory_space<vmem_shared>>) offsets(%dma_start3A_443 : memref<40xi32, #tpu.memory_space<vmem>>) semaphore(%arg33 : memref<!tpu.dma_semaphore, #tpu.memory_space<semaphore_mem>>) {add = true}
        %add3A_447 = arith.constant 3 : i32
        %add3A_448 = arith.addi %add3A_365, %add3A_447 : i32
        %lt3A_449 = arith.constant 500 : i32
        %lt3A_450 = arith.cmpi slt, %add3A_448, %lt3A_449 : i32
        %convert_element_type3A_451 = arith.extui %lt3A_450 : i1 to i32
        %cond3A_452 = arith.constant 0 : i32
        %cond3A_453 = arith.cmpi ne, %convert_element_type3A_451, %cond3A_452 : i32
        scf.if %cond3A_453 {
          %add3A_454 = arith.constant 3 : i32
          %add3A_455 = arith.addi %add3A_365, %add3A_454 : i32
          %mul3A_456 = arith.constant 20000 : i32
          %mul3A_457 = arith.muli %arg1, %mul3A_456 : i32
          %mul3A_458 = arith.constant 40 : i32
          %mul3A_459 = arith.muli %add3A_455, %mul3A_458 : i32
          %add3A_460 = arith.addi %mul3A_457, %mul3A_459 : i32
          %mul3A_461 = arith.constant 64 : i32
          %mul3A_462 = arith.muli %arg0, %mul3A_461 : i32
          %dma_start3A_463 = tpu.memref_slice %arg4[%add3A_460, %mul3A_462] : memref<320000x128xf32, #tpu.memory_space<hbm>> -> memref<40x64xf32, #tpu.memory_space<hbm>>
          %dma_start3A_464 = tpu.memref_slice %arg4[%add3A_460, %mul3A_462] : memref<320000x128xf32, #tpu.memory_space<hbm>> -> memref<40x64xf32, #tpu.memory_space<hbm>>
          tpu.enqueue_dma source(%dma_start3A_464 : memref<40x64xf32, #tpu.memory_space<hbm>>) target(%arg10 : memref<40x64xf32, #tpu.memory_space<vmem>>) target_semaphore(%arg24 : memref<!tpu.dma_semaphore, #tpu.memory_space<semaphore_mem>>)
          %dma_start3A_465 = arith.constant 0 : i32
          %dma_start3A_466 = tpu.memref_slice %arg8[%add3A_455, %dma_start3A_465] : memref<500x40xi32, #tpu.memory_space<vmem>> -> memref<1x40xi32, #tpu.memory_space<vmem>>
          %dma_start3A_467 = tpu.memref_squeeze %dma_start3A_466 : memref<1x40xi32, #tpu.memory_space<vmem>> -> memref<40xi32, #tpu.memory_space<vmem>>
          %dma_start3A_468 = arith.constant 0 : i32
          %dma_start3A_469 = arith.constant 0 : i32
          %dma_start3A_470 = tpu.memref_slice %arg2[%arg0, %dma_start3A_468, %dma_start3A_469] : memref<2x10000x64xf32, #tpu.memory_space<hbm>> -> memref<1x10000x64xf32, #tpu.memory_space<hbm>>
          %dma_start3A_471 = tpu.memref_squeeze %dma_start3A_470 : memref<1x10000x64xf32, #tpu.memory_space<hbm>> -> memref<10000x64xf32, #tpu.memory_space<hbm>>
          %dma_start3A_472 = arith.constant 0 : i32
          %dma_start3A_473 = arith.constant 0 : i32
          %dma_start3A_474 = tpu.memref_slice %dma_start3A_471[%dma_start3A_472, %dma_start3A_473] : memref<10000x64xf32, #tpu.memory_space<hbm>> -> memref<10000x64xf32, #tpu.memory_space<hbm>>
          tpu.enqueue_indirect_dma source(%dma_start3A_474 : memref<10000x64xf32, #tpu.memory_space<hbm>>) target(%arg13 : memref<40x64xf32, #tpu.memory_space<vmem>>) offsets(%dma_start3A_467 : memref<40xi32, #tpu.memory_space<vmem>>) semaphore(%arg27 : memref<!tpu.dma_semaphore, #tpu.memory_space<semaphore_mem>>)
          %dma_start3A_475 = arith.constant 0 : i32
          %dma_start3A_476 = tpu.memref_slice %arg9[%add3A_455, %dma_start3A_475] : memref<500x40xi32, #tpu.memory_space<vmem>> -> memref<1x40xi32, #tpu.memory_space<vmem>>
          %dma_start3A_477 = tpu.memref_squeeze %dma_start3A_476 : memref<1x40xi32, #tpu.memory_space<vmem>> -> memref<40xi32, #tpu.memory_space<vmem>>
          %dma_start3A_478 = arith.constant 0 : i32
          %dma_start3A_479 = arith.constant 0 : i32
          %dma_start3A_480 = tpu.memref_slice %arg3[%arg0, %dma_start3A_478, %dma_start3A_479] : memref<2x10000x64xf32, #tpu.memory_space<hbm>> -> memref<1x10000x64xf32, #tpu.memory_space<hbm>>
          %dma_start3A_481 = tpu.memref_squeeze %dma_start3A_480 : memref<1x10000x64xf32, #tpu.memory_space<hbm>> -> memref<10000x64xf32, #tpu.memory_space<hbm>>
          %dma_start3A_482 = arith.constant 0 : i32
          %dma_start3A_483 = arith.constant 0 : i32
          %dma_start3A_484 = tpu.memref_slice %dma_start3A_481[%dma_start3A_482, %dma_start3A_483] : memref<10000x64xf32, #tpu.memory_space<hbm>> -> memref<10000x64xf32, #tpu.memory_space<hbm>>
          tpu.enqueue_indirect_dma source(%dma_start3A_484 : memref<10000x64xf32, #tpu.memory_space<hbm>>) target(%arg16 : memref<40x64xf32, #tpu.memory_space<vmem>>) offsets(%dma_start3A_477 : memref<40xi32, #tpu.memory_space<vmem>>) semaphore(%arg30 : memref<!tpu.dma_semaphore, #tpu.memory_space<semaphore_mem>>)
        } else {
        }
      } else {
      }
      %mul3A_371 = arith.constant 3 : i32
      %mul3A_372 = arith.muli %scan3A_361, %mul3A_371 : i32
      %add3A_373 = arith.constant 1 : i32
      %add3A_374 = arith.addi %mul3A_372, %add3A_373 : i32
      %lt3A_375 = arith.constant 500 : i32
      %lt3A_376 = arith.cmpi slt, %add3A_374, %lt3A_375 : i32
      %convert_element_type3A_377 = arith.extui %lt3A_376 : i1 to i32
      %cond3A_378 = arith.constant 0 : i32
      %cond3A_379 = arith.cmpi ne, %convert_element_type3A_377, %cond3A_378 : i32
      scf.if %cond3A_379 {
        %dma_wait3A_389 = arith.constant 0 : i32
        %dma_wait3A_390 = arith.constant 0 : i32
        %dma_wait3A_391 = tpu.memref_slice %arg2[%arg0, %dma_wait3A_389, %dma_wait3A_390] : memref<2x10000x64xf32, #tpu.memory_space<hbm>> -> memref<1x10000x64xf32, #tpu.memory_space<hbm>>
        %dma_wait3A_392 = tpu.memref_squeeze %dma_wait3A_391 : memref<1x10000x64xf32, #tpu.memory_space<hbm>> -> memref<10000x64xf32, #tpu.memory_space<hbm>>
        %dma_wait3A_393 = arith.constant 0 : i32
        %dma_wait3A_394 = arith.constant 0 : i32
        %dma_wait3A_395 = tpu.memref_slice %dma_wait3A_392[%dma_wait3A_393, %dma_wait3A_394] : memref<10000x64xf32, #tpu.memory_space<hbm>> -> memref<40x64xf32, #tpu.memory_space<hbm>>
        %dma_wait3A_396 = arith.constant 0 : i32
        %dma_wait3A_397 = arith.constant 0 : i32
        %dma_wait3A_398 = tpu.memref_slice %arg2[%arg0, %dma_wait3A_396, %dma_wait3A_397] : memref<2x10000x64xf32, #tpu.memory_space<hbm>> -> memref<1x10000x64xf32, #tpu.memory_space<hbm>>
        %dma_wait3A_399 = tpu.memref_squeeze %dma_wait3A_398 : memref<1x10000x64xf32, #tpu.memory_space<hbm>> -> memref<10000x64xf32, #tpu.memory_space<hbm>>
        %dma_wait3A_400 = arith.constant 0 : i32
        %dma_wait3A_401 = arith.constant 0 : i32
        %dma_wait3A_402 = tpu.memref_slice %dma_wait3A_399[%dma_wait3A_400, %dma_wait3A_401] : memref<10000x64xf32, #tpu.memory_space<hbm>> -> memref<40x64xf32, #tpu.memory_space<hbm>>
        tpu.wait_dma2 semaphore(%arg25 : memref<!tpu.dma_semaphore, #tpu.memory_space<semaphore_mem>>) src(%dma_wait3A_402 : memref<40x64xf32, #tpu.memory_space<hbm>>) dst(%arg11 : memref<40x64xf32, #tpu.memory_space<vmem>>)
        %dma_wait3A_403 = arith.constant 0 : i32
        %dma_wait3A_404 = arith.constant 0 : i32
        %dma_wait3A_405 = tpu.memref_slice %arg2[%arg0, %dma_wait3A_403, %dma_wait3A_404] : memref<2x10000x64xf32, #tpu.memory_space<hbm>> -> memref<1x10000x64xf32, #tpu.memory_space<hbm>>
        %dma_wait3A_406 = tpu.memref_squeeze %dma_wait3A_405 : memref<1x10000x64xf32, #tpu.memory_space<hbm>> -> memref<10000x64xf32, #tpu.memory_space<hbm>>
        %dma_wait3A_407 = arith.constant 0 : i32
        %dma_wait3A_408 = arith.constant 0 : i32
        %dma_wait3A_409 = tpu.memref_slice %dma_wait3A_406[%dma_wait3A_407, %dma_wait3A_408] : memref<10000x64xf32, #tpu.memory_space<hbm>> -> memref<40x64xf32, #tpu.memory_space<hbm>>
        %dma_wait3A_410 = arith.constant 0 : i32
        %dma_wait3A_411 = arith.constant 0 : i32
        %dma_wait3A_412 = tpu.memref_slice %arg2[%arg0, %dma_wait3A_410, %dma_wait3A_411] : memref<2x10000x64xf32, #tpu.memory_space<hbm>> -> memref<1x10000x64xf32, #tpu.memory_space<hbm>>
        %dma_wait3A_413 = tpu.memref_squeeze %dma_wait3A_412 : memref<1x10000x64xf32, #tpu.memory_space<hbm>> -> memref<10000x64xf32, #tpu.memory_space<hbm>>
        %dma_wait3A_414 = arith.constant 0 : i32
        %dma_wait3A_415 = arith.constant 0 : i32
        %dma_wait3A_416 = tpu.memref_slice %dma_wait3A_413[%dma_wait3A_414, %dma_wait3A_415] : memref<10000x64xf32, #tpu.memory_space<hbm>> -> memref<40x64xf32, #tpu.memory_space<hbm>>
        tpu.wait_dma2 semaphore(%arg28 : memref<!tpu.dma_semaphore, #tpu.memory_space<semaphore_mem>>) src(%dma_wait3A_416 : memref<40x64xf32, #tpu.memory_space<hbm>>) dst(%arg14 : memref<40x64xf32, #tpu.memory_space<vmem>>)
        %dma_wait3A_417 = arith.constant 0 : i32
        %dma_wait3A_418 = arith.constant 0 : i32
        %dma_wait3A_419 = tpu.memref_slice %arg2[%arg0, %dma_wait3A_417, %dma_wait3A_418] : memref<2x10000x64xf32, #tpu.memory_space<hbm>> -> memref<1x10000x64xf32, #tpu.memory_space<hbm>>
        %dma_wait3A_420 = tpu.memref_squeeze %dma_wait3A_419 : memref<1x10000x64xf32, #tpu.memory_space<hbm>> -> memref<10000x64xf32, #tpu.memory_space<hbm>>
        %dma_wait3A_421 = arith.constant 0 : i32
        %dma_wait3A_422 = arith.constant 0 : i32
        %dma_wait3A_423 = tpu.memref_slice %dma_wait3A_420[%dma_wait3A_421, %dma_wait3A_422] : memref<10000x64xf32, #tpu.memory_space<hbm>> -> memref<40x64xf32, #tpu.memory_space<hbm>>
        %dma_wait3A_424 = arith.constant 0 : i32
        %dma_wait3A_425 = arith.constant 0 : i32
        %dma_wait3A_426 = tpu.memref_slice %arg2[%arg0, %dma_wait3A_424, %dma_wait3A_425] : memref<2x10000x64xf32, #tpu.memory_space<hbm>> -> memref<1x10000x64xf32, #tpu.memory_space<hbm>>
        %dma_wait3A_427 = tpu.memref_squeeze %dma_wait3A_426 : memref<1x10000x64xf32, #tpu.memory_space<hbm>> -> memref<10000x64xf32, #tpu.memory_space<hbm>>
        %dma_wait3A_428 = arith.constant 0 : i32
        %dma_wait3A_429 = arith.constant 0 : i32
        %dma_wait3A_430 = tpu.memref_slice %dma_wait3A_427[%dma_wait3A_428, %dma_wait3A_429] : memref<10000x64xf32, #tpu.memory_space<hbm>> -> memref<40x64xf32, #tpu.memory_space<hbm>>
        tpu.wait_dma2 semaphore(%arg31 : memref<!tpu.dma_semaphore, #tpu.memory_space<semaphore_mem>>) src(%dma_wait3A_430 : memref<40x64xf32, #tpu.memory_space<hbm>>) dst(%arg17 : memref<40x64xf32, #tpu.memory_space<vmem>>)
        %gt3A = arith.constant 0 : i32
        %gt3A_431 = arith.cmpi sgt, %scan3A_361, %gt3A : i32
        %convert_element_type3A_432 = arith.extui %gt3A_431 : i1 to i32
        %cond3A_433 = arith.constant 0 : i32
        %cond3A_434 = arith.cmpi ne, %convert_element_type3A_432, %cond3A_433 : i32
        scf.if %cond3A_434 {
          %dma_wait3A_454 = arith.constant 0 : i32
          %dma_wait3A_455 = arith.constant 0 : i32
          %dma_wait3A_456 = tpu.memref_slice %arg2[%arg0, %dma_wait3A_454, %dma_wait3A_455] : memref<2x10000x64xf32, #tpu.memory_space<hbm>> -> memref<1x10000x64xf32, #tpu.memory_space<hbm>>
          %dma_wait3A_457 = tpu.memref_squeeze %dma_wait3A_456 : memref<1x10000x64xf32, #tpu.memory_space<hbm>> -> memref<10000x64xf32, #tpu.memory_space<hbm>>
          %dma_wait3A_458 = arith.constant 0 : i32
          %dma_wait3A_459 = arith.constant 0 : i32
          %dma_wait3A_460 = tpu.memref_slice %dma_wait3A_457[%dma_wait3A_458, %dma_wait3A_459] : memref<10000x64xf32, #tpu.memory_space<hbm>> -> memref<40x64xf32, #tpu.memory_space<hbm>>
          %dma_wait3A_461 = arith.constant 0 : i32
          %dma_wait3A_462 = arith.constant 0 : i32
          %dma_wait3A_463 = tpu.memref_slice %arg2[%arg0, %dma_wait3A_461, %dma_wait3A_462] : memref<2x10000x64xf32, #tpu.memory_space<hbm>> -> memref<1x10000x64xf32, #tpu.memory_space<hbm>>
          %dma_wait3A_464 = tpu.memref_squeeze %dma_wait3A_463 : memref<1x10000x64xf32, #tpu.memory_space<hbm>> -> memref<10000x64xf32, #tpu.memory_space<hbm>>
          %dma_wait3A_465 = arith.constant 0 : i32
          %dma_wait3A_466 = arith.constant 0 : i32
          %dma_wait3A_467 = tpu.memref_slice %dma_wait3A_464[%dma_wait3A_465, %dma_wait3A_466] : memref<10000x64xf32, #tpu.memory_space<hbm>> -> memref<40x64xf32, #tpu.memory_space<hbm>>
          tpu.wait_dma2 semaphore(%arg34 : memref<!tpu.dma_semaphore, #tpu.memory_space<semaphore_mem>>) src(%dma_wait3A_467 : memref<40x64xf32, #tpu.memory_space<hbm>>) dst(%arg20 : memref<40x64xf32, #tpu.memory_space<vmem>>)
        } else {
        }
        %scan3A_435 = arith.constant 0 : i32
        %scan3A_436 = arith.constant 0 : i32
        %scan3A_437 = arith.constant 40 : i32
        %scan3A_438 = arith.addi %scan3A_436, %scan3A_437 : i32
        %scan3A_439 = arith.constant 1 : i32
        scf.for %scan3A_454 = %scan3A_436 to %scan3A_438 step %scan3A_439  : i32 {
          %get3A = arith.index_cast %scan3A_454 : i32 to index
          %get3A_455 = arith.constant 0 : index
          %get3A_456 = tpu.vector_load %arg11[%get3A, %get3A_455] {strides = array<i32>} : memref<40x64xf32, #tpu.memory_space<vmem>>, vector<1x16xf32>,
          %get3A_457 = vector.shape_cast %get3A_456 : vector<1x16xf32> to vector<16xf32>
          %get3A_458 = arith.index_cast %scan3A_454 : i32 to index
          %get3A_459 = arith.constant 0 : index
          %get3A_460 = tpu.vector_load %arg14[%get3A_458, %get3A_459] {strides = array<i32>} : memref<40x64xf32, #tpu.memory_space<vmem>>, vector<1x16xf32>,
          %get3A_461 = vector.shape_cast %get3A_460 : vector<1x16xf32> to vector<16xf32>
          %add3A_462 = arith.addf %get3A_457, %get3A_461 : vector<16xf32>
          %get3A_463 = arith.index_cast %scan3A_454 : i32 to index
          %get3A_464 = arith.constant 0 : index
          %get3A_465 = tpu.vector_load %arg17[%get3A_463, %get3A_464] {strides = array<i32>} : memref<40x64xf32, #tpu.memory_space<vmem>>, vector<1x16xf32>,
          %get3A_466 = vector.shape_cast %get3A_465 : vector<1x16xf32> to vector<16xf32>
          %add3A_467 = arith.addf %add3A_462, %get3A_466 : vector<16xf32>
          %max3A = arith.constant 0.000000e+00 : f32
          %max3A_468 = vector.broadcast %max3A : f32 to vector<16xf32>
          %max3A_469 = arith.maximumf %add3A_467, %max3A_468 : vector<16xf32>
          %swap3A = arith.index_cast %scan3A_454 : i32 to index
          %swap3A_470 = arith.constant 0 : index
          %swap3A_471 = tpu.vector_load %arg20[%swap3A, %swap3A_470] {strides = array<i32>} : memref<40x64xf32, #tpu.memory_space<vmem>>, vector<1x16xf32>,
          %swap3A_472 = vector.shape_cast %swap3A_471 : vector<1x16xf32> to vector<16xf32>
          %swap3A_473 = vector.shape_cast %max3A_469 : vector<16xf32> to vector<1x16xf32>
          tpu.vector_store %arg20[%swap3A, %swap3A_470], %swap3A_473 {strides = array<i32>} : memref<40x64xf32, #tpu.memory_space<vmem>>, vector<1x16xf32>,
          %get3A_474 = arith.index_cast %scan3A_454 : i32 to index
          %get3A_475 = arith.constant 16 : index
          %get3A_476 = tpu.vector_load %arg11[%get3A_474, %get3A_475] {strides = array<i32>} : memref<40x64xf32, #tpu.memory_space<vmem>>, vector<1x16xf32>,
          %get3A_477 = vector.shape_cast %get3A_476 : vector<1x16xf32> to vector<16xf32>
          %get3A_478 = arith.index_cast %scan3A_454 : i32 to index
          %get3A_479 = arith.constant 16 : index
          %get3A_480 = tpu.vector_load %arg14[%get3A_478, %get3A_479] {strides = array<i32>} : memref<40x64xf32, #tpu.memory_space<vmem>>, vector<1x16xf32>,
          %get3A_481 = vector.shape_cast %get3A_480 : vector<1x16xf32> to vector<16xf32>
          %add3A_482 = arith.addf %get3A_477, %get3A_481 : vector<16xf32>
          %get3A_483 = arith.index_cast %scan3A_454 : i32 to index
          %get3A_484 = arith.constant 16 : index
          %get3A_485 = tpu.vector_load %arg17[%get3A_483, %get3A_484] {strides = array<i32>} : memref<40x64xf32, #tpu.memory_space<vmem>>, vector<1x16xf32>,
          %get3A_486 = vector.shape_cast %get3A_485 : vector<1x16xf32> to vector<16xf32>
          %add3A_487 = arith.addf %add3A_482, %get3A_486 : vector<16xf32>
          %max3A_488 = arith.constant 0.000000e+00 : f32
          %max3A_489 = vector.broadcast %max3A_488 : f32 to vector<16xf32>
          %max3A_490 = arith.maximumf %add3A_487, %max3A_489 : vector<16xf32>
          %swap3A_491 = arith.index_cast %scan3A_454 : i32 to index
          %swap3A_492 = arith.constant 16 : index
          %swap3A_493 = tpu.vector_load %arg20[%swap3A_491, %swap3A_492] {strides = array<i32>} : memref<40x64xf32, #tpu.memory_space<vmem>>, vector<1x16xf32>,
          %swap3A_494 = vector.shape_cast %swap3A_493 : vector<1x16xf32> to vector<16xf32>
          %swap3A_495 = vector.shape_cast %max3A_490 : vector<16xf32> to vector<1x16xf32>
          tpu.vector_store %arg20[%swap3A_491, %swap3A_492], %swap3A_495 {strides = array<i32>} : memref<40x64xf32, #tpu.memory_space<vmem>>, vector<1x16xf32>,
          %get3A_496 = arith.index_cast %scan3A_454 : i32 to index
          %get3A_497 = arith.constant 32 : index
          %get3A_498 = tpu.vector_load %arg11[%get3A_496, %get3A_497] {strides = array<i32>} : memref<40x64xf32, #tpu.memory_space<vmem>>, vector<1x16xf32>,
          %get3A_499 = vector.shape_cast %get3A_498 : vector<1x16xf32> to vector<16xf32>
          %get3A_500 = arith.index_cast %scan3A_454 : i32 to index
          %get3A_501 = arith.constant 32 : index
          %get3A_502 = tpu.vector_load %arg14[%get3A_500, %get3A_501] {strides = array<i32>} : memref<40x64xf32, #tpu.memory_space<vmem>>, vector<1x16xf32>,
          %get3A_503 = vector.shape_cast %get3A_502 : vector<1x16xf32> to vector<16xf32>
          %add3A_504 = arith.addf %get3A_499, %get3A_503 : vector<16xf32>
          %get3A_505 = arith.index_cast %scan3A_454 : i32 to index
          %get3A_506 = arith.constant 32 : index
          %get3A_507 = tpu.vector_load %arg17[%get3A_505, %get3A_506] {strides = array<i32>} : memref<40x64xf32, #tpu.memory_space<vmem>>, vector<1x16xf32>,
          %get3A_508 = vector.shape_cast %get3A_507 : vector<1x16xf32> to vector<16xf32>
          %add3A_509 = arith.addf %add3A_504, %get3A_508 : vector<16xf32>
          %max3A_510 = arith.constant 0.000000e+00 : f32
          %max3A_511 = vector.broadcast %max3A_510 : f32 to vector<16xf32>
          %max3A_512 = arith.maximumf %add3A_509, %max3A_511 : vector<16xf32>
          %swap3A_513 = arith.index_cast %scan3A_454 : i32 to index
          %swap3A_514 = arith.constant 32 : index
          %swap3A_515 = tpu.vector_load %arg20[%swap3A_513, %swap3A_514] {strides = array<i32>} : memref<40x64xf32, #tpu.memory_space<vmem>>, vector<1x16xf32>,
          %swap3A_516 = vector.shape_cast %swap3A_515 : vector<1x16xf32> to vector<16xf32>
          %swap3A_517 = vector.shape_cast %max3A_512 : vector<16xf32> to vector<1x16xf32>
          tpu.vector_store %arg20[%swap3A_513, %swap3A_514], %swap3A_517 {strides = array<i32>} : memref<40x64xf32, #tpu.memory_space<vmem>>, vector<1x16xf32>,
          %get3A_518 = arith.index_cast %scan3A_454 : i32 to index
          %get3A_519 = arith.constant 48 : index
          %get3A_520 = tpu.vector_load %arg11[%get3A_518, %get3A_519] {strides = array<i32>} : memref<40x64xf32, #tpu.memory_space<vmem>>, vector<1x16xf32>,
          %get3A_521 = vector.shape_cast %get3A_520 : vector<1x16xf32> to vector<16xf32>
          %get3A_522 = arith.index_cast %scan3A_454 : i32 to index
          %get3A_523 = arith.constant 48 : index
          %get3A_524 = tpu.vector_load %arg14[%get3A_522, %get3A_523] {strides = array<i32>} : memref<40x64xf32, #tpu.memory_space<vmem>>, vector<1x16xf32>,
          %get3A_525 = vector.shape_cast %get3A_524 : vector<1x16xf32> to vector<16xf32>
          %add3A_526 = arith.addf %get3A_521, %get3A_525 : vector<16xf32>
          %get3A_527 = arith.index_cast %scan3A_454 : i32 to index
          %get3A_528 = arith.constant 48 : index
          %get3A_529 = tpu.vector_load %arg17[%get3A_527, %get3A_528] {strides = array<i32>} : memref<40x64xf32, #tpu.memory_space<vmem>>, vector<1x16xf32>,
          %get3A_530 = vector.shape_cast %get3A_529 : vector<1x16xf32> to vector<16xf32>
          %add3A_531 = arith.addf %add3A_526, %get3A_530 : vector<16xf32>
          %max3A_532 = arith.constant 0.000000e+00 : f32
          %max3A_533 = vector.broadcast %max3A_532 : f32 to vector<16xf32>
          %max3A_534 = arith.maximumf %add3A_531, %max3A_533 : vector<16xf32>
          %swap3A_535 = arith.index_cast %scan3A_454 : i32 to index
          %swap3A_536 = arith.constant 48 : index
          %swap3A_537 = tpu.vector_load %arg20[%swap3A_535, %swap3A_536] {strides = array<i32>} : memref<40x64xf32, #tpu.memory_space<vmem>>, vector<1x16xf32>,
          %swap3A_538 = vector.shape_cast %swap3A_537 : vector<1x16xf32> to vector<16xf32>
          %swap3A_539 = vector.shape_cast %max3A_534 : vector<16xf32> to vector<1x16xf32>
          tpu.vector_store %arg20[%swap3A_535, %swap3A_536], %swap3A_539 {strides = array<i32>} : memref<40x64xf32, #tpu.memory_space<vmem>>, vector<1x16xf32>,
        }
        %scan3A_440 = arith.constant 40 : i32
        %dma_start3A_441 = arith.constant 0 : i32
        %dma_start3A_442 = tpu.memref_slice %arg8[%add3A_374, %dma_start3A_441] : memref<500x40xi32, #tpu.memory_space<vmem>> -> memref<1x40xi32, #tpu.memory_space<vmem>>
        %dma_start3A_443 = tpu.memref_squeeze %dma_start3A_442 : memref<1x40xi32, #tpu.memory_space<vmem>> -> memref<40xi32, #tpu.memory_space<vmem>>
        %dma_start3A_444 = arith.constant 0 : i32
        %dma_start3A_445 = arith.constant 0 : i32
        %dma_start3A_446 = tpu.memref_slice %arg23[%dma_start3A_444, %dma_start3A_445] : memref<10000x64xf32, #tpu.memory_space<vmem_shared>> -> memref<10000x64xf32, #tpu.memory_space<vmem_shared>>
        tpu.enqueue_indirect_dma source(%arg20 : memref<40x64xf32, #tpu.memory_space<vmem>>) target(%dma_start3A_446 : memref<10000x64xf32, #tpu.memory_space<vmem_shared>>) offsets(%dma_start3A_443 : memref<40xi32, #tpu.memory_space<vmem>>) semaphore(%arg34 : memref<!tpu.dma_semaphore, #tpu.memory_space<semaphore_mem>>) {add = true}
        %add3A_447 = arith.constant 3 : i32
        %add3A_448 = arith.addi %add3A_374, %add3A_447 : i32
        %lt3A_449 = arith.constant 500 : i32
        %lt3A_450 = arith.cmpi slt, %add3A_448, %lt3A_449 : i32
        %convert_element_type3A_451 = arith.extui %lt3A_450 : i1 to i32
        %cond3A_452 = arith.constant 0 : i32
        %cond3A_453 = arith.cmpi ne, %convert_element_type3A_451, %cond3A_452 : i32
        scf.if %cond3A_453 {
          %add3A_454 = arith.constant 3 : i32
          %add3A_455 = arith.addi %add3A_374, %add3A_454 : i32
          %mul3A_456 = arith.constant 20000 : i32
          %mul3A_457 = arith.muli %arg1, %mul3A_456 : i32
          %mul3A_458 = arith.constant 40 : i32
          %mul3A_459 = arith.muli %add3A_455, %mul3A_458 : i32
          %add3A_460 = arith.addi %mul3A_457, %mul3A_459 : i32
          %mul3A_461 = arith.constant 64 : i32
          %mul3A_462 = arith.muli %arg0, %mul3A_461 : i32
          %dma_start3A_463 = tpu.memref_slice %arg4[%add3A_460, %mul3A_462] : memref<320000x128xf32, #tpu.memory_space<hbm>> -> memref<40x64xf32, #tpu.memory_space<hbm>>
          %dma_start3A_464 = tpu.memref_slice %arg4[%add3A_460, %mul3A_462] : memref<320000x128xf32, #tpu.memory_space<hbm>> -> memref<40x64xf32, #tpu.memory_space<hbm>>
          tpu.enqueue_dma source(%dma_start3A_464 : memref<40x64xf32, #tpu.memory_space<hbm>>) target(%arg11 : memref<40x64xf32, #tpu.memory_space<vmem>>) target_semaphore(%arg25 : memref<!tpu.dma_semaphore, #tpu.memory_space<semaphore_mem>>)
          %dma_start3A_465 = arith.constant 0 : i32
          %dma_start3A_466 = tpu.memref_slice %arg8[%add3A_455, %dma_start3A_465] : memref<500x40xi32, #tpu.memory_space<vmem>> -> memref<1x40xi32, #tpu.memory_space<vmem>>
          %dma_start3A_467 = tpu.memref_squeeze %dma_start3A_466 : memref<1x40xi32, #tpu.memory_space<vmem>> -> memref<40xi32, #tpu.memory_space<vmem>>
          %dma_start3A_468 = arith.constant 0 : i32
          %dma_start3A_469 = arith.constant 0 : i32
          %dma_start3A_470 = tpu.memref_slice %arg2[%arg0, %dma_start3A_468, %dma_start3A_469] : memref<2x10000x64xf32, #tpu.memory_space<hbm>> -> memref<1x10000x64xf32, #tpu.memory_space<hbm>>
          %dma_start3A_471 = tpu.memref_squeeze %dma_start3A_470 : memref<1x10000x64xf32, #tpu.memory_space<hbm>> -> memref<10000x64xf32, #tpu.memory_space<hbm>>
          %dma_start3A_472 = arith.constant 0 : i32
          %dma_start3A_473 = arith.constant 0 : i32
          %dma_start3A_474 = tpu.memref_slice %dma_start3A_471[%dma_start3A_472, %dma_start3A_473] : memref<10000x64xf32, #tpu.memory_space<hbm>> -> memref<10000x64xf32, #tpu.memory_space<hbm>>
          tpu.enqueue_indirect_dma source(%dma_start3A_474 : memref<10000x64xf32, #tpu.memory_space<hbm>>) target(%arg14 : memref<40x64xf32, #tpu.memory_space<vmem>>) offsets(%dma_start3A_467 : memref<40xi32, #tpu.memory_space<vmem>>) semaphore(%arg28 : memref<!tpu.dma_semaphore, #tpu.memory_space<semaphore_mem>>)
          %dma_start3A_475 = arith.constant 0 : i32
          %dma_start3A_476 = tpu.memref_slice %arg9[%add3A_455, %dma_start3A_475] : memref<500x40xi32, #tpu.memory_space<vmem>> -> memref<1x40xi32, #tpu.memory_space<vmem>>
          %dma_start3A_477 = tpu.memref_squeeze %dma_start3A_476 : memref<1x40xi32, #tpu.memory_space<vmem>> -> memref<40xi32, #tpu.memory_space<vmem>>
          %dma_start3A_478 = arith.constant 0 : i32
          %dma_start3A_479 = arith.constant 0 : i32
          %dma_start3A_480 = tpu.memref_slice %arg3[%arg0, %dma_start3A_478, %dma_start3A_479] : memref<2x10000x64xf32, #tpu.memory_space<hbm>> -> memref<1x10000x64xf32, #tpu.memory_space<hbm>>
          %dma_start3A_481 = tpu.memref_squeeze %dma_start3A_480 : memref<1x10000x64xf32, #tpu.memory_space<hbm>> -> memref<10000x64xf32, #tpu.memory_space<hbm>>
          %dma_start3A_482 = arith.constant 0 : i32
          %dma_start3A_483 = arith.constant 0 : i32
          %dma_start3A_484 = tpu.memref_slice %dma_start3A_481[%dma_start3A_482, %dma_start3A_483] : memref<10000x64xf32, #tpu.memory_space<hbm>> -> memref<10000x64xf32, #tpu.memory_space<hbm>>
          tpu.enqueue_indirect_dma source(%dma_start3A_484 : memref<10000x64xf32, #tpu.memory_space<hbm>>) target(%arg17 : memref<40x64xf32, #tpu.memory_space<vmem>>) offsets(%dma_start3A_477 : memref<40xi32, #tpu.memory_space<vmem>>) semaphore(%arg31 : memref<!tpu.dma_semaphore, #tpu.memory_space<semaphore_mem>>)
        } else {
        }
      } else {
      }
      %mul3A_380 = arith.constant 3 : i32
      %mul3A_381 = arith.muli %scan3A_361, %mul3A_380 : i32
      %add3A_382 = arith.constant 2 : i32
      %add3A_383 = arith.addi %mul3A_381, %add3A_382 : i32
      %lt3A_384 = arith.constant 500 : i32
      %lt3A_385 = arith.cmpi slt, %add3A_383, %lt3A_384 : i32
      %convert_element_type3A_386 = arith.extui %lt3A_385 : i1 to i32
      %cond3A_387 = arith.constant 0 : i32
      %cond3A_388 = arith.cmpi ne, %convert_element_type3A_386, %cond3A_387 : i32
      scf.if %cond3A_388 {
        %dma_wait3A_389 = arith.constant 0 : i32
        %dma_wait3A_390 = arith.constant 0 : i32
        %dma_wait3A_391 = tpu.memref_slice %arg2[%arg0, %dma_wait3A_389, %dma_wait3A_390] : memref<2x10000x64xf32, #tpu.memory_space<hbm>> -> memref<1x10000x64xf32, #tpu.memory_space<hbm>>
        %dma_wait3A_392 = tpu.memref_squeeze %dma_wait3A_391 : memref<1x10000x64xf32, #tpu.memory_space<hbm>> -> memref<10000x64xf32, #tpu.memory_space<hbm>>
        %dma_wait3A_393 = arith.constant 0 : i32
        %dma_wait3A_394 = arith.constant 0 : i32
        %dma_wait3A_395 = tpu.memref_slice %dma_wait3A_392[%dma_wait3A_393, %dma_wait3A_394] : memref<10000x64xf32, #tpu.memory_space<hbm>> -> memref<40x64xf32, #tpu.memory_space<hbm>>
        %dma_wait3A_396 = arith.constant 0 : i32
        %dma_wait3A_397 = arith.constant 0 : i32
        %dma_wait3A_398 = tpu.memref_slice %arg2[%arg0, %dma_wait3A_396, %dma_wait3A_397] : memref<2x10000x64xf32, #tpu.memory_space<hbm>> -> memref<1x10000x64xf32, #tpu.memory_space<hbm>>
        %dma_wait3A_399 = tpu.memref_squeeze %dma_wait3A_398 : memref<1x10000x64xf32, #tpu.memory_space<hbm>> -> memref<10000x64xf32, #tpu.memory_space<hbm>>
        %dma_wait3A_400 = arith.constant 0 : i32
        %dma_wait3A_401 = arith.constant 0 : i32
        %dma_wait3A_402 = tpu.memref_slice %dma_wait3A_399[%dma_wait3A_400, %dma_wait3A_401] : memref<10000x64xf32, #tpu.memory_space<hbm>> -> memref<40x64xf32, #tpu.memory_space<hbm>>
        tpu.wait_dma2 semaphore(%arg26 : memref<!tpu.dma_semaphore, #tpu.memory_space<semaphore_mem>>) src(%dma_wait3A_402 : memref<40x64xf32, #tpu.memory_space<hbm>>) dst(%arg12 : memref<40x64xf32, #tpu.memory_space<vmem>>)
        %dma_wait3A_403 = arith.constant 0 : i32
        %dma_wait3A_404 = arith.constant 0 : i32
        %dma_wait3A_405 = tpu.memref_slice %arg2[%arg0, %dma_wait3A_403, %dma_wait3A_404] : memref<2x10000x64xf32, #tpu.memory_space<hbm>> -> memref<1x10000x64xf32, #tpu.memory_space<hbm>>
        %dma_wait3A_406 = tpu.memref_squeeze %dma_wait3A_405 : memref<1x10000x64xf32, #tpu.memory_space<hbm>> -> memref<10000x64xf32, #tpu.memory_space<hbm>>
        %dma_wait3A_407 = arith.constant 0 : i32
        %dma_wait3A_408 = arith.constant 0 : i32
        %dma_wait3A_409 = tpu.memref_slice %dma_wait3A_406[%dma_wait3A_407, %dma_wait3A_408] : memref<10000x64xf32, #tpu.memory_space<hbm>> -> memref<40x64xf32, #tpu.memory_space<hbm>>
        %dma_wait3A_410 = arith.constant 0 : i32
        %dma_wait3A_411 = arith.constant 0 : i32
        %dma_wait3A_412 = tpu.memref_slice %arg2[%arg0, %dma_wait3A_410, %dma_wait3A_411] : memref<2x10000x64xf32, #tpu.memory_space<hbm>> -> memref<1x10000x64xf32, #tpu.memory_space<hbm>>
        %dma_wait3A_413 = tpu.memref_squeeze %dma_wait3A_412 : memref<1x10000x64xf32, #tpu.memory_space<hbm>> -> memref<10000x64xf32, #tpu.memory_space<hbm>>
        %dma_wait3A_414 = arith.constant 0 : i32
        %dma_wait3A_415 = arith.constant 0 : i32
        %dma_wait3A_416 = tpu.memref_slice %dma_wait3A_413[%dma_wait3A_414, %dma_wait3A_415] : memref<10000x64xf32, #tpu.memory_space<hbm>> -> memref<40x64xf32, #tpu.memory_space<hbm>>
        tpu.wait_dma2 semaphore(%arg29 : memref<!tpu.dma_semaphore, #tpu.memory_space<semaphore_mem>>) src(%dma_wait3A_416 : memref<40x64xf32, #tpu.memory_space<hbm>>) dst(%arg15 : memref<40x64xf32, #tpu.memory_space<vmem>>)
        %dma_wait3A_417 = arith.constant 0 : i32
        %dma_wait3A_418 = arith.constant 0 : i32
        %dma_wait3A_419 = tpu.memref_slice %arg2[%arg0, %dma_wait3A_417, %dma_wait3A_418] : memref<2x10000x64xf32, #tpu.memory_space<hbm>> -> memref<1x10000x64xf32, #tpu.memory_space<hbm>>
        %dma_wait3A_420 = tpu.memref_squeeze %dma_wait3A_419 : memref<1x10000x64xf32, #tpu.memory_space<hbm>> -> memref<10000x64xf32, #tpu.memory_space<hbm>>
        %dma_wait3A_421 = arith.constant 0 : i32
        %dma_wait3A_422 = arith.constant 0 : i32
        %dma_wait3A_423 = tpu.memref_slice %dma_wait3A_420[%dma_wait3A_421, %dma_wait3A_422] : memref<10000x64xf32, #tpu.memory_space<hbm>> -> memref<40x64xf32, #tpu.memory_space<hbm>>
        %dma_wait3A_424 = arith.constant 0 : i32
        %dma_wait3A_425 = arith.constant 0 : i32
        %dma_wait3A_426 = tpu.memref_slice %arg2[%arg0, %dma_wait3A_424, %dma_wait3A_425] : memref<2x10000x64xf32, #tpu.memory_space<hbm>> -> memref<1x10000x64xf32, #tpu.memory_space<hbm>>
        %dma_wait3A_427 = tpu.memref_squeeze %dma_wait3A_426 : memref<1x10000x64xf32, #tpu.memory_space<hbm>> -> memref<10000x64xf32, #tpu.memory_space<hbm>>
        %dma_wait3A_428 = arith.constant 0 : i32
        %dma_wait3A_429 = arith.constant 0 : i32
        %dma_wait3A_430 = tpu.memref_slice %dma_wait3A_427[%dma_wait3A_428, %dma_wait3A_429] : memref<10000x64xf32, #tpu.memory_space<hbm>> -> memref<40x64xf32, #tpu.memory_space<hbm>>
        tpu.wait_dma2 semaphore(%arg32 : memref<!tpu.dma_semaphore, #tpu.memory_space<semaphore_mem>>) src(%dma_wait3A_430 : memref<40x64xf32, #tpu.memory_space<hbm>>) dst(%arg18 : memref<40x64xf32, #tpu.memory_space<vmem>>)
        %gt3A = arith.constant 0 : i32
        %gt3A_431 = arith.cmpi sgt, %scan3A_361, %gt3A : i32
        %convert_element_type3A_432 = arith.extui %gt3A_431 : i1 to i32
        %cond3A_433 = arith.constant 0 : i32
        %cond3A_434 = arith.cmpi ne, %convert_element_type3A_432, %cond3A_433 : i32
        scf.if %cond3A_434 {
          %dma_wait3A_454 = arith.constant 0 : i32
          %dma_wait3A_455 = arith.constant 0 : i32
          %dma_wait3A_456 = tpu.memref_slice %arg2[%arg0, %dma_wait3A_454, %dma_wait3A_455] : memref<2x10000x64xf32, #tpu.memory_space<hbm>> -> memref<1x10000x64xf32, #tpu.memory_space<hbm>>
          %dma_wait3A_457 = tpu.memref_squeeze %dma_wait3A_456 : memref<1x10000x64xf32, #tpu.memory_space<hbm>> -> memref<10000x64xf32, #tpu.memory_space<hbm>>
          %dma_wait3A_458 = arith.constant 0 : i32
          %dma_wait3A_459 = arith.constant 0 : i32
          %dma_wait3A_460 = tpu.memref_slice %dma_wait3A_457[%dma_wait3A_458, %dma_wait3A_459] : memref<10000x64xf32, #tpu.memory_space<hbm>> -> memref<40x64xf32, #tpu.memory_space<hbm>>
          %dma_wait3A_461 = arith.constant 0 : i32
          %dma_wait3A_462 = arith.constant 0 : i32
          %dma_wait3A_463 = tpu.memref_slice %arg2[%arg0, %dma_wait3A_461, %dma_wait3A_462] : memref<2x10000x64xf32, #tpu.memory_space<hbm>> -> memref<1x10000x64xf32, #tpu.memory_space<hbm>>
          %dma_wait3A_464 = tpu.memref_squeeze %dma_wait3A_463 : memref<1x10000x64xf32, #tpu.memory_space<hbm>> -> memref<10000x64xf32, #tpu.memory_space<hbm>>
          %dma_wait3A_465 = arith.constant 0 : i32
          %dma_wait3A_466 = arith.constant 0 : i32
          %dma_wait3A_467 = tpu.memref_slice %dma_wait3A_464[%dma_wait3A_465, %dma_wait3A_466] : memref<10000x64xf32, #tpu.memory_space<hbm>> -> memref<40x64xf32, #tpu.memory_space<hbm>>
          tpu.wait_dma2 semaphore(%arg35 : memref<!tpu.dma_semaphore, #tpu.memory_space<semaphore_mem>>) src(%dma_wait3A_467 : memref<40x64xf32, #tpu.memory_space<hbm>>) dst(%arg21 : memref<40x64xf32, #tpu.memory_space<vmem>>)
        } else {
        }
        %scan3A_435 = arith.constant 0 : i32
        %scan3A_436 = arith.constant 0 : i32
        %scan3A_437 = arith.constant 40 : i32
        %scan3A_438 = arith.addi %scan3A_436, %scan3A_437 : i32
        %scan3A_439 = arith.constant 1 : i32
        scf.for %scan3A_454 = %scan3A_436 to %scan3A_438 step %scan3A_439  : i32 {
          %get3A = arith.index_cast %scan3A_454 : i32 to index
          %get3A_455 = arith.constant 0 : index
          %get3A_456 = tpu.vector_load %arg12[%get3A, %get3A_455] {strides = array<i32>} : memref<40x64xf32, #tpu.memory_space<vmem>>, vector<1x16xf32>,
          %get3A_457 = vector.shape_cast %get3A_456 : vector<1x16xf32> to vector<16xf32>
          %get3A_458 = arith.index_cast %scan3A_454 : i32 to index
          %get3A_459 = arith.constant 0 : index
          %get3A_460 = tpu.vector_load %arg15[%get3A_458, %get3A_459] {strides = array<i32>} : memref<40x64xf32, #tpu.memory_space<vmem>>, vector<1x16xf32>,
          %get3A_461 = vector.shape_cast %get3A_460 : vector<1x16xf32> to vector<16xf32>
          %add3A_462 = arith.addf %get3A_457, %get3A_461 : vector<16xf32>
          %get3A_463 = arith.index_cast %scan3A_454 : i32 to index
          %get3A_464 = arith.constant 0 : index
          %get3A_465 = tpu.vector_load %arg18[%get3A_463, %get3A_464] {strides = array<i32>} : memref<40x64xf32, #tpu.memory_space<vmem>>, vector<1x16xf32>,
          %get3A_466 = vector.shape_cast %get3A_465 : vector<1x16xf32> to vector<16xf32>
          %add3A_467 = arith.addf %add3A_462, %get3A_466 : vector<16xf32>
          %max3A = arith.constant 0.000000e+00 : f32
          %max3A_468 = vector.broadcast %max3A : f32 to vector<16xf32>
          %max3A_469 = arith.maximumf %add3A_467, %max3A_468 : vector<16xf32>
          %swap3A = arith.index_cast %scan3A_454 : i32 to index
          %swap3A_470 = arith.constant 0 : index
          %swap3A_471 = tpu.vector_load %arg21[%swap3A, %swap3A_470] {strides = array<i32>} : memref<40x64xf32, #tpu.memory_space<vmem>>, vector<1x16xf32>,
          %swap3A_472 = vector.shape_cast %swap3A_471 : vector<1x16xf32> to vector<16xf32>
          %swap3A_473 = vector.shape_cast %max3A_469 : vector<16xf32> to vector<1x16xf32>
          tpu.vector_store %arg21[%swap3A, %swap3A_470], %swap3A_473 {strides = array<i32>} : memref<40x64xf32, #tpu.memory_space<vmem>>, vector<1x16xf32>,
          %get3A_474 = arith.index_cast %scan3A_454 : i32 to index
          %get3A_475 = arith.constant 16 : index
          %get3A_476 = tpu.vector_load %arg12[%get3A_474, %get3A_475] {strides = array<i32>} : memref<40x64xf32, #tpu.memory_space<vmem>>, vector<1x16xf32>,
          %get3A_477 = vector.shape_cast %get3A_476 : vector<1x16xf32> to vector<16xf32>
          %get3A_478 = arith.index_cast %scan3A_454 : i32 to index
          %get3A_479 = arith.constant 16 : index
          %get3A_480 = tpu.vector_load %arg15[%get3A_478, %get3A_479] {strides = array<i32>} : memref<40x64xf32, #tpu.memory_space<vmem>>, vector<1x16xf32>,
          %get3A_481 = vector.shape_cast %get3A_480 : vector<1x16xf32> to vector<16xf32>
          %add3A_482 = arith.addf %get3A_477, %get3A_481 : vector<16xf32>
          %get3A_483 = arith.index_cast %scan3A_454 : i32 to index
          %get3A_484 = arith.constant 16 : index
          %get3A_485 = tpu.vector_load %arg18[%get3A_483, %get3A_484] {strides = array<i32>} : memref<40x64xf32, #tpu.memory_space<vmem>>, vector<1x16xf32>,
          %get3A_486 = vector.shape_cast %get3A_485 : vector<1x16xf32> to vector<16xf32>
          %add3A_487 = arith.addf %add3A_482, %get3A_486 : vector<16xf32>
          %max3A_488 = arith.constant 0.000000e+00 : f32
          %max3A_489 = vector.broadcast %max3A_488 : f32 to vector<16xf32>
          %max3A_490 = arith.maximumf %add3A_487, %max3A_489 : vector<16xf32>
          %swap3A_491 = arith.index_cast %scan3A_454 : i32 to index
          %swap3A_492 = arith.constant 16 : index
          %swap3A_493 = tpu.vector_load %arg21[%swap3A_491, %swap3A_492] {strides = array<i32>} : memref<40x64xf32, #tpu.memory_space<vmem>>, vector<1x16xf32>,
          %swap3A_494 = vector.shape_cast %swap3A_493 : vector<1x16xf32> to vector<16xf32>
          %swap3A_495 = vector.shape_cast %max3A_490 : vector<16xf32> to vector<1x16xf32>
          tpu.vector_store %arg21[%swap3A_491, %swap3A_492], %swap3A_495 {strides = array<i32>} : memref<40x64xf32, #tpu.memory_space<vmem>>, vector<1x16xf32>,
          %get3A_496 = arith.index_cast %scan3A_454 : i32 to index
          %get3A_497 = arith.constant 32 : index
          %get3A_498 = tpu.vector_load %arg12[%get3A_496, %get3A_497] {strides = array<i32>} : memref<40x64xf32, #tpu.memory_space<vmem>>, vector<1x16xf32>,
          %get3A_499 = vector.shape_cast %get3A_498 : vector<1x16xf32> to vector<16xf32>
          %get3A_500 = arith.index_cast %scan3A_454 : i32 to index
          %get3A_501 = arith.constant 32 : index
          %get3A_502 = tpu.vector_load %arg15[%get3A_500, %get3A_501] {strides = array<i32>} : memref<40x64xf32, #tpu.memory_space<vmem>>, vector<1x16xf32>,
          %get3A_503 = vector.shape_cast %get3A_502 : vector<1x16xf32> to vector<16xf32>
          %add3A_504 = arith.addf %get3A_499, %get3A_503 : vector<16xf32>
          %get3A_505 = arith.index_cast %scan3A_454 : i32 to index
          %get3A_506 = arith.constant 32 : index
          %get3A_507 = tpu.vector_load %arg18[%get3A_505, %get3A_506] {strides = array<i32>} : memref<40x64xf32, #tpu.memory_space<vmem>>, vector<1x16xf32>,
          %get3A_508 = vector.shape_cast %get3A_507 : vector<1x16xf32> to vector<16xf32>
          %add3A_509 = arith.addf %add3A_504, %get3A_508 : vector<16xf32>
          %max3A_510 = arith.constant 0.000000e+00 : f32
          %max3A_511 = vector.broadcast %max3A_510 : f32 to vector<16xf32>
          %max3A_512 = arith.maximumf %add3A_509, %max3A_511 : vector<16xf32>
          %swap3A_513 = arith.index_cast %scan3A_454 : i32 to index
          %swap3A_514 = arith.constant 32 : index
          %swap3A_515 = tpu.vector_load %arg21[%swap3A_513, %swap3A_514] {strides = array<i32>} : memref<40x64xf32, #tpu.memory_space<vmem>>, vector<1x16xf32>,
          %swap3A_516 = vector.shape_cast %swap3A_515 : vector<1x16xf32> to vector<16xf32>
          %swap3A_517 = vector.shape_cast %max3A_512 : vector<16xf32> to vector<1x16xf32>
          tpu.vector_store %arg21[%swap3A_513, %swap3A_514], %swap3A_517 {strides = array<i32>} : memref<40x64xf32, #tpu.memory_space<vmem>>, vector<1x16xf32>,
          %get3A_518 = arith.index_cast %scan3A_454 : i32 to index
          %get3A_519 = arith.constant 48 : index
          %get3A_520 = tpu.vector_load %arg12[%get3A_518, %get3A_519] {strides = array<i32>} : memref<40x64xf32, #tpu.memory_space<vmem>>, vector<1x16xf32>,
          %get3A_521 = vector.shape_cast %get3A_520 : vector<1x16xf32> to vector<16xf32>
          %get3A_522 = arith.index_cast %scan3A_454 : i32 to index
          %get3A_523 = arith.constant 48 : index
          %get3A_524 = tpu.vector_load %arg15[%get3A_522, %get3A_523] {strides = array<i32>} : memref<40x64xf32, #tpu.memory_space<vmem>>, vector<1x16xf32>,
          %get3A_525 = vector.shape_cast %get3A_524 : vector<1x16xf32> to vector<16xf32>
          %add3A_526 = arith.addf %get3A_521, %get3A_525 : vector<16xf32>
          %get3A_527 = arith.index_cast %scan3A_454 : i32 to index
          %get3A_528 = arith.constant 48 : index
          %get3A_529 = tpu.vector_load %arg18[%get3A_527, %get3A_528] {strides = array<i32>} : memref<40x64xf32, #tpu.memory_space<vmem>>, vector<1x16xf32>,
          %get3A_530 = vector.shape_cast %get3A_529 : vector<1x16xf32> to vector<16xf32>
          %add3A_531 = arith.addf %add3A_526, %get3A_530 : vector<16xf32>
          %max3A_532 = arith.constant 0.000000e+00 : f32
          %max3A_533 = vector.broadcast %max3A_532 : f32 to vector<16xf32>
          %max3A_534 = arith.maximumf %add3A_531, %max3A_533 : vector<16xf32>
          %swap3A_535 = arith.index_cast %scan3A_454 : i32 to index
          %swap3A_536 = arith.constant 48 : index
          %swap3A_537 = tpu.vector_load %arg21[%swap3A_535, %swap3A_536] {strides = array<i32>} : memref<40x64xf32, #tpu.memory_space<vmem>>, vector<1x16xf32>,
          %swap3A_538 = vector.shape_cast %swap3A_537 : vector<1x16xf32> to vector<16xf32>
          %swap3A_539 = vector.shape_cast %max3A_534 : vector<16xf32> to vector<1x16xf32>
          tpu.vector_store %arg21[%swap3A_535, %swap3A_536], %swap3A_539 {strides = array<i32>} : memref<40x64xf32, #tpu.memory_space<vmem>>, vector<1x16xf32>,
        }
        %scan3A_440 = arith.constant 40 : i32
        %dma_start3A_441 = arith.constant 0 : i32
        %dma_start3A_442 = tpu.memref_slice %arg8[%add3A_383, %dma_start3A_441] : memref<500x40xi32, #tpu.memory_space<vmem>> -> memref<1x40xi32, #tpu.memory_space<vmem>>
        %dma_start3A_443 = tpu.memref_squeeze %dma_start3A_442 : memref<1x40xi32, #tpu.memory_space<vmem>> -> memref<40xi32, #tpu.memory_space<vmem>>
        %dma_start3A_444 = arith.constant 0 : i32
        %dma_start3A_445 = arith.constant 0 : i32
        %dma_start3A_446 = tpu.memref_slice %arg23[%dma_start3A_444, %dma_start3A_445] : memref<10000x64xf32, #tpu.memory_space<vmem_shared>> -> memref<10000x64xf32, #tpu.memory_space<vmem_shared>>
        tpu.enqueue_indirect_dma source(%arg21 : memref<40x64xf32, #tpu.memory_space<vmem>>) target(%dma_start3A_446 : memref<10000x64xf32, #tpu.memory_space<vmem_shared>>) offsets(%dma_start3A_443 : memref<40xi32, #tpu.memory_space<vmem>>) semaphore(%arg35 : memref<!tpu.dma_semaphore, #tpu.memory_space<semaphore_mem>>) {add = true}
        %add3A_447 = arith.constant 3 : i32
        %add3A_448 = arith.addi %add3A_383, %add3A_447 : i32
        %lt3A_449 = arith.constant 500 : i32
        %lt3A_450 = arith.cmpi slt, %add3A_448, %lt3A_449 : i32
        %convert_element_type3A_451 = arith.extui %lt3A_450 : i1 to i32
        %cond3A_452 = arith.constant 0 : i32
        %cond3A_453 = arith.cmpi ne, %convert_element_type3A_451, %cond3A_452 : i32
        scf.if %cond3A_453 {
          %add3A_454 = arith.constant 3 : i32
          %add3A_455 = arith.addi %add3A_383, %add3A_454 : i32
          %mul3A_456 = arith.constant 20000 : i32
          %mul3A_457 = arith.muli %arg1, %mul3A_456 : i32
          %mul3A_458 = arith.constant 40 : i32
          %mul3A_459 = arith.muli %add3A_455, %mul3A_458 : i32
          %add3A_460 = arith.addi %mul3A_457, %mul3A_459 : i32
          %mul3A_461 = arith.constant 64 : i32
          %mul3A_462 = arith.muli %arg0, %mul3A_461 : i32
          %dma_start3A_463 = tpu.memref_slice %arg4[%add3A_460, %mul3A_462] : memref<320000x128xf32, #tpu.memory_space<hbm>> -> memref<40x64xf32, #tpu.memory_space<hbm>>
          %dma_start3A_464 = tpu.memref_slice %arg4[%add3A_460, %mul3A_462] : memref<320000x128xf32, #tpu.memory_space<hbm>> -> memref<40x64xf32, #tpu.memory_space<hbm>>
          tpu.enqueue_dma source(%dma_start3A_464 : memref<40x64xf32, #tpu.memory_space<hbm>>) target(%arg12 : memref<40x64xf32, #tpu.memory_space<vmem>>) target_semaphore(%arg26 : memref<!tpu.dma_semaphore, #tpu.memory_space<semaphore_mem>>)
          %dma_start3A_465 = arith.constant 0 : i32
          %dma_start3A_466 = tpu.memref_slice %arg8[%add3A_455, %dma_start3A_465] : memref<500x40xi32, #tpu.memory_space<vmem>> -> memref<1x40xi32, #tpu.memory_space<vmem>>
          %dma_start3A_467 = tpu.memref_squeeze %dma_start3A_466 : memref<1x40xi32, #tpu.memory_space<vmem>> -> memref<40xi32, #tpu.memory_space<vmem>>
          %dma_start3A_468 = arith.constant 0 : i32
          %dma_start3A_469 = arith.constant 0 : i32
          %dma_start3A_470 = tpu.memref_slice %arg2[%arg0, %dma_start3A_468, %dma_start3A_469] : memref<2x10000x64xf32, #tpu.memory_space<hbm>> -> memref<1x10000x64xf32, #tpu.memory_space<hbm>>
          %dma_start3A_471 = tpu.memref_squeeze %dma_start3A_470 : memref<1x10000x64xf32, #tpu.memory_space<hbm>> -> memref<10000x64xf32, #tpu.memory_space<hbm>>
          %dma_start3A_472 = arith.constant 0 : i32
          %dma_start3A_473 = arith.constant 0 : i32
          %dma_start3A_474 = tpu.memref_slice %dma_start3A_471[%dma_start3A_472, %dma_start3A_473] : memref<10000x64xf32, #tpu.memory_space<hbm>> -> memref<10000x64xf32, #tpu.memory_space<hbm>>
          tpu.enqueue_indirect_dma source(%dma_start3A_474 : memref<10000x64xf32, #tpu.memory_space<hbm>>) target(%arg15 : memref<40x64xf32, #tpu.memory_space<vmem>>) offsets(%dma_start3A_467 : memref<40xi32, #tpu.memory_space<vmem>>) semaphore(%arg29 : memref<!tpu.dma_semaphore, #tpu.memory_space<semaphore_mem>>)
          %dma_start3A_475 = arith.constant 0 : i32
          %dma_start3A_476 = tpu.memref_slice %arg9[%add3A_455, %dma_start3A_475] : memref<500x40xi32, #tpu.memory_space<vmem>> -> memref<1x40xi32, #tpu.memory_space<vmem>>
          %dma_start3A_477 = tpu.memref_squeeze %dma_start3A_476 : memref<1x40xi32, #tpu.memory_space<vmem>> -> memref<40xi32, #tpu.memory_space<vmem>>
          %dma_start3A_478 = arith.constant 0 : i32
          %dma_start3A_479 = arith.constant 0 : i32
          %dma_start3A_480 = tpu.memref_slice %arg3[%arg0, %dma_start3A_478, %dma_start3A_479] : memref<2x10000x64xf32, #tpu.memory_space<hbm>> -> memref<1x10000x64xf32, #tpu.memory_space<hbm>>
          %dma_start3A_481 = tpu.memref_squeeze %dma_start3A_480 : memref<1x10000x64xf32, #tpu.memory_space<hbm>> -> memref<10000x64xf32, #tpu.memory_space<hbm>>
          %dma_start3A_482 = arith.constant 0 : i32
          %dma_start3A_483 = arith.constant 0 : i32
          %dma_start3A_484 = tpu.memref_slice %dma_start3A_481[%dma_start3A_482, %dma_start3A_483] : memref<10000x64xf32, #tpu.memory_space<hbm>> -> memref<10000x64xf32, #tpu.memory_space<hbm>>
          tpu.enqueue_indirect_dma source(%dma_start3A_484 : memref<10000x64xf32, #tpu.memory_space<hbm>>) target(%arg18 : memref<40x64xf32, #tpu.memory_space<vmem>>) offsets(%dma_start3A_477 : memref<40xi32, #tpu.memory_space<vmem>>) semaphore(%arg32 : memref<!tpu.dma_semaphore, #tpu.memory_space<semaphore_mem>>)
        } else {
        }
      } else {
      }
    }
    %scan3A_206 = arith.constant 167 : i32
    %dma_wait3A = arith.constant 0 : i32
    %dma_wait3A_207 = arith.constant 0 : i32
    %dma_wait3A_208 = tpu.memref_slice %arg2[%arg0, %dma_wait3A, %dma_wait3A_207] : memref<2x10000x64xf32, #tpu.memory_space<hbm>> -> memref<1x10000x64xf32, #tpu.memory_space<hbm>>
    %dma_wait3A_209 = tpu.memref_squeeze %dma_wait3A_208 : memref<1x10000x64xf32, #tpu.memory_space<hbm>> -> memref<10000x64xf32, #tpu.memory_space<hbm>>
    %dma_wait3A_210 = arith.constant 0 : i32
    %dma_wait3A_211 = arith.constant 0 : i32
    %dma_wait3A_212 = tpu.memref_slice %dma_wait3A_209[%dma_wait3A_210, %dma_wait3A_211] : memref<10000x64xf32, #tpu.memory_space<hbm>> -> memref<40x64xf32, #tpu.memory_space<hbm>>
    %dma_wait3A_213 = arith.constant 0 : i32
    %dma_wait3A_214 = arith.constant 0 : i32
    %dma_wait3A_215 = tpu.memref_slice %arg2[%arg0, %dma_wait3A_213, %dma_wait3A_214] : memref<2x10000x64xf32, #tpu.memory_space<hbm>> -> memref<1x10000x64xf32, #tpu.memory_space<hbm>>
    %dma_wait3A_216 = tpu.memref_squeeze %dma_wait3A_215 : memref<1x10000x64xf32, #tpu.memory_space<hbm>> -> memref<10000x64xf32, #tpu.memory_space<hbm>>
    %dma_wait3A_217 = arith.constant 0 : i32
    %dma_wait3A_218 = arith.constant 0 : i32
    %dma_wait3A_219 = tpu.memref_slice %dma_wait3A_216[%dma_wait3A_217, %dma_wait3A_218] : memref<10000x64xf32, #tpu.memory_space<hbm>> -> memref<40x64xf32, #tpu.memory_space<hbm>>
    tpu.wait_dma2 semaphore(%arg33 : memref<!tpu.dma_semaphore, #tpu.memory_space<semaphore_mem>>) src(%dma_wait3A_219 : memref<40x64xf32, #tpu.memory_space<hbm>>) dst(%arg19 : memref<40x64xf32, #tpu.memory_space<vmem>>)
    %dma_wait3A_220 = arith.constant 0 : i32
    %dma_wait3A_221 = arith.constant 0 : i32
    %dma_wait3A_222 = tpu.memref_slice %arg2[%arg0, %dma_wait3A_220, %dma_wait3A_221] : memref<2x10000x64xf32, #tpu.memory_space<hbm>> -> memref<1x10000x64xf32, #tpu.memory_space<hbm>>
    %dma_wait3A_223 = tpu.memref_squeeze %dma_wait3A_222 : memref<1x10000x64xf32, #tpu.memory_space<hbm>> -> memref<10000x64xf32, #tpu.memory_space<hbm>>
    %dma_wait3A_224 = arith.constant 0 : i32
    %dma_wait3A_225 = arith.constant 0 : i32
    %dma_wait3A_226 = tpu.memref_slice %dma_wait3A_223[%dma_wait3A_224, %dma_wait3A_225] : memref<10000x64xf32, #tpu.memory_space<hbm>> -> memref<40x64xf32, #tpu.memory_space<hbm>>
    %dma_wait3A_227 = arith.constant 0 : i32
    %dma_wait3A_228 = arith.constant 0 : i32
    %dma_wait3A_229 = tpu.memref_slice %arg2[%arg0, %dma_wait3A_227, %dma_wait3A_228] : memref<2x10000x64xf32, #tpu.memory_space<hbm>> -> memref<1x10000x64xf32, #tpu.memory_space<hbm>>
    %dma_wait3A_230 = tpu.memref_squeeze %dma_wait3A_229 : memref<1x10000x64xf32, #tpu.memory_space<hbm>> -> memref<10000x64xf32, #tpu.memory_space<hbm>>
    %dma_wait3A_231 = arith.constant 0 : i32
    %dma_wait3A_232 = arith.constant 0 : i32
    %dma_wait3A_233 = tpu.memref_slice %dma_wait3A_230[%dma_wait3A_231, %dma_wait3A_232] : memref<10000x64xf32, #tpu.memory_space<hbm>> -> memref<40x64xf32, #tpu.memory_space<hbm>>
    tpu.wait_dma2 semaphore(%arg34 : memref<!tpu.dma_semaphore, #tpu.memory_space<semaphore_mem>>) src(%dma_wait3A_233 : memref<40x64xf32, #tpu.memory_space<hbm>>) dst(%arg20 : memref<40x64xf32, #tpu.memory_space<vmem>>)
    %dma_wait3A_234 = arith.constant 0 : i32
    %dma_wait3A_235 = arith.constant 0 : i32
    %dma_wait3A_236 = tpu.memref_slice %arg2[%arg0, %dma_wait3A_234, %dma_wait3A_235] : memref<2x10000x64xf32, #tpu.memory_space<hbm>> -> memref<1x10000x64xf32, #tpu.memory_space<hbm>>
    %dma_wait3A_237 = tpu.memref_squeeze %dma_wait3A_236 : memref<1x10000x64xf32, #tpu.memory_space<hbm>> -> memref<10000x64xf32, #tpu.memory_space<hbm>>
    %dma_wait3A_238 = arith.constant 0 : i32
    %dma_wait3A_239 = arith.constant 0 : i32
    %dma_wait3A_240 = tpu.memref_slice %dma_wait3A_237[%dma_wait3A_238, %dma_wait3A_239] : memref<10000x64xf32, #tpu.memory_space<hbm>> -> memref<40x64xf32, #tpu.memory_space<hbm>>
    %dma_wait3A_241 = arith.constant 0 : i32
    %dma_wait3A_242 = arith.constant 0 : i32
    %dma_wait3A_243 = tpu.memref_slice %arg2[%arg0, %dma_wait3A_241, %dma_wait3A_242] : memref<2x10000x64xf32, #tpu.memory_space<hbm>> -> memref<1x10000x64xf32, #tpu.memory_space<hbm>>
    %dma_wait3A_244 = tpu.memref_squeeze %dma_wait3A_243 : memref<1x10000x64xf32, #tpu.memory_space<hbm>> -> memref<10000x64xf32, #tpu.memory_space<hbm>>
    %dma_wait3A_245 = arith.constant 0 : i32
    %dma_wait3A_246 = arith.constant 0 : i32
    %dma_wait3A_247 = tpu.memref_slice %dma_wait3A_244[%dma_wait3A_245, %dma_wait3A_246] : memref<10000x64xf32, #tpu.memory_space<hbm>> -> memref<40x64xf32, #tpu.memory_space<hbm>>
    tpu.wait_dma2 semaphore(%arg35 : memref<!tpu.dma_semaphore, #tpu.memory_space<semaphore_mem>>) src(%dma_wait3A_247 : memref<40x64xf32, #tpu.memory_space<hbm>>) dst(%arg21 : memref<40x64xf32, #tpu.memory_space<vmem>>)
    %barrier3A_248 = arith.constant 0 : index
    tpu.barrier barrier_id(%barrier3A_248)
    %add3A_249 = arith.constant 0 : i32
    %add3A_250 = arith.addi %add3A_249, %arg1 : i32
    %lt3A_251 = arith.constant 250 : i32
    %lt3A_252 = arith.cmpi slt, %add3A_250, %lt3A_251 : i32
    %convert_element_type3A_253 = arith.extui %lt3A_252 : i1 to i32
    %cond3A_254 = arith.constant 0 : i32
    %cond3A_255 = arith.cmpi ne, %convert_element_type3A_253, %cond3A_254 : i32
    scf.if %cond3A_255 {
      %mul3A_361 = arith.constant 40 : i32
      %mul3A_362 = arith.muli %add3A_250, %mul3A_361 : i32
      "tpu.region"() ({
        %run_scoped3A = tpu.sem_alloc : memref<!tpu.dma_semaphore, #tpu.memory_space<semaphore_mem>>
        %dma_start3A_365 = arith.constant 0 : i32
        %dma_start3A_366 = tpu.memref_slice %arg23[%mul3A_362, %dma_start3A_365] : memref<10000x64xf32, #tpu.memory_space<vmem_shared>> -> memref<40x64xf32, #tpu.memory_space<vmem_shared>>
        %dma_start3A_367 = arith.constant 0 : i32
        %dma_start3A_368 = tpu.memref_slice %arg23[%mul3A_362, %dma_start3A_367] : memref<10000x64xf32, #tpu.memory_space<vmem_shared>> -> memref<40x64xf32, #tpu.memory_space<vmem_shared>>
        tpu.enqueue_dma source(%dma_start3A_368 : memref<40x64xf32, #tpu.memory_space<vmem_shared>>) target(%arg22 : memref<40x64xf32, #tpu.memory_space<vmem>>) target_semaphore(%run_scoped3A : memref<!tpu.dma_semaphore, #tpu.memory_space<semaphore_mem>>)
        %dma_wait3A_369 = arith.constant 0 : i32
        %dma_wait3A_370 = tpu.memref_slice %arg23[%mul3A_362, %dma_wait3A_369] : memref<10000x64xf32, #tpu.memory_space<vmem_shared>> -> memref<40x64xf32, #tpu.memory_space<vmem_shared>>
        %dma_wait3A_371 = arith.constant 0 : i32
        %dma_wait3A_372 = tpu.memref_slice %arg23[%mul3A_362, %dma_wait3A_371] : memref<10000x64xf32, #tpu.memory_space<vmem_shared>> -> memref<40x64xf32, #tpu.memory_space<vmem_shared>>
        tpu.wait_dma2 semaphore(%run_scoped3A : memref<!tpu.dma_semaphore, #tpu.memory_space<semaphore_mem>>) src(%dma_wait3A_372 : memref<40x64xf32, #tpu.memory_space<vmem_shared>>) dst(%arg22 : memref<40x64xf32, #tpu.memory_space<vmem>>)
        tpu.yield
      }) : () -> ()
      %mul3A_363 = arith.constant 40 : i32
      %mul3A_364 = arith.muli %add3A_250, %mul3A_363 : i32
      "tpu.region"() ({
        %run_scoped3A = tpu.sem_alloc : memref<!tpu.dma_semaphore, #tpu.memory_space<semaphore_mem>>
        %dma_start3A_365 = arith.constant 0 : i32
        %dma_start3A_366 = tpu.memref_slice %arg7[%arg0, %mul3A_364, %dma_start3A_365] : memref<2x10000x64xf32, #tpu.memory_space<hbm>> -> memref<1x40x64xf32, #tpu.memory_space<hbm>>
        %dma_start3A_367 = tpu.memref_squeeze %dma_start3A_366 : memref<1x40x64xf32, #tpu.memory_space<hbm>> -> memref<40x64xf32, #tpu.memory_space<hbm>>
        %dma_start3A_368 = arith.constant 0 : i32
        %dma_start3A_369 = tpu.memref_slice %arg7[%arg0, %mul3A_364, %dma_start3A_368] : memref<2x10000x64xf32, #tpu.memory_space<hbm>> -> memref<1x40x64xf32, #tpu.memory_space<hbm>>
        %dma_start3A_370 = tpu.memref_squeeze %dma_start3A_369 : memref<1x40x64xf32, #tpu.memory_space<hbm>> -> memref<40x64xf32, #tpu.memory_space<hbm>>
        tpu.enqueue_dma source(%arg22 : memref<40x64xf32, #tpu.memory_space<vmem>>) target(%dma_start3A_370 : memref<40x64xf32, #tpu.memory_space<hbm>>) target_semaphore(%run_scoped3A : memref<!tpu.dma_semaphore, #tpu.memory_space<semaphore_mem>>)
        %dma_wait3A_371 = arith.constant 0 : i32
        %dma_wait3A_372 = tpu.memref_slice %arg7[%arg0, %mul3A_364, %dma_wait3A_371] : memref<2x10000x64xf32, #tpu.memory_space<hbm>> -> memref<1x40x64xf32, #tpu.memory_space<hbm>>
        %dma_wait3A_373 = tpu.memref_squeeze %dma_wait3A_372 : memref<1x40x64xf32, #tpu.memory_space<hbm>> -> memref<40x64xf32, #tpu.memory_space<hbm>>
        %dma_wait3A_374 = arith.constant 0 : i32
        %dma_wait3A_375 = tpu.memref_slice %arg7[%arg0, %mul3A_364, %dma_wait3A_374] : memref<2x10000x64xf32, #tpu.memory_space<hbm>> -> memref<1x40x64xf32, #tpu.memory_space<hbm>>
        %dma_wait3A_376 = tpu.memref_squeeze %dma_wait3A_375 : memref<1x40x64xf32, #tpu.memory_space<hbm>> -> memref<40x64xf32, #tpu.memory_space<hbm>>
        tpu.wait_dma2 semaphore(%run_scoped3A : memref<!tpu.dma_semaphore, #tpu.memory_space<semaphore_mem>>) src(%arg22 : memref<40x64xf32, #tpu.memory_space<vmem>>) dst(%dma_wait3A_376 : memref<40x64xf32, #tpu.memory_space<hbm>>)
        tpu.yield
      }) : () -> ()
    } else {
    }
    %add3A_256 = arith.constant 16 : i32
    %add3A_257 = arith.addi %add3A_256, %arg1 : i32
    %lt3A_258 = arith.constant 250 : i32
    %lt3A_259 = arith.cmpi slt, %add3A_257, %lt3A_258 : i32
    %convert_element_type3A_260 = arith.extui %lt3A_259 : i1 to i32
    %cond3A_261 = arith.constant 0 : i32
    %cond3A_262 = arith.cmpi ne, %convert_element_type3A_260, %cond3A_261 : i32
    scf.if %cond3A_262 {
      %mul3A_361 = arith.constant 40 : i32
      %mul3A_362 = arith.muli %add3A_257, %mul3A_361 : i32
      "tpu.region"() ({
        %run_scoped3A = tpu.sem_alloc : memref<!tpu.dma_semaphore, #tpu.memory_space<semaphore_mem>>
        %dma_start3A_365 = arith.constant 0 : i32
        %dma_start3A_366 = tpu.memref_slice %arg23[%mul3A_362, %dma_start3A_365] : memref<10000x64xf32, #tpu.memory_space<vmem_shared>> -> memref<40x64xf32, #tpu.memory_space<vmem_shared>>
        %dma_start3A_367 = arith.constant 0 : i32
        %dma_start3A_368 = tpu.memref_slice %arg23[%mul3A_362, %dma_start3A_367] : memref<10000x64xf32, #tpu.memory_space<vmem_shared>> -> memref<40x64xf32, #tpu.memory_space<vmem_shared>>
        tpu.enqueue_dma source(%dma_start3A_368 : memref<40x64xf32, #tpu.memory_space<vmem_shared>>) target(%arg22 : memref<40x64xf32, #tpu.memory_space<vmem>>) target_semaphore(%run_scoped3A : memref<!tpu.dma_semaphore, #tpu.memory_space<semaphore_mem>>)
        %dma_wait3A_369 = arith.constant 0 : i32
        %dma_wait3A_370 = tpu.memref_slice %arg23[%mul3A_362, %dma_wait3A_369] : memref<10000x64xf32, #tpu.memory_space<vmem_shared>> -> memref<40x64xf32, #tpu.memory_space<vmem_shared>>
        %dma_wait3A_371 = arith.constant 0 : i32
        %dma_wait3A_372 = tpu.memref_slice %arg23[%mul3A_362, %dma_wait3A_371] : memref<10000x64xf32, #tpu.memory_space<vmem_shared>> -> memref<40x64xf32, #tpu.memory_space<vmem_shared>>
        tpu.wait_dma2 semaphore(%run_scoped3A : memref<!tpu.dma_semaphore, #tpu.memory_space<semaphore_mem>>) src(%dma_wait3A_372 : memref<40x64xf32, #tpu.memory_space<vmem_shared>>) dst(%arg22 : memref<40x64xf32, #tpu.memory_space<vmem>>)
        tpu.yield
      }) : () -> ()
      %mul3A_363 = arith.constant 40 : i32
      %mul3A_364 = arith.muli %add3A_257, %mul3A_363 : i32
      "tpu.region"() ({
        %run_scoped3A = tpu.sem_alloc : memref<!tpu.dma_semaphore, #tpu.memory_space<semaphore_mem>>
        %dma_start3A_365 = arith.constant 0 : i32
        %dma_start3A_366 = tpu.memref_slice %arg7[%arg0, %mul3A_364, %dma_start3A_365] : memref<2x10000x64xf32, #tpu.memory_space<hbm>> -> memref<1x40x64xf32, #tpu.memory_space<hbm>>
        %dma_start3A_367 = tpu.memref_squeeze %dma_start3A_366 : memref<1x40x64xf32, #tpu.memory_space<hbm>> -> memref<40x64xf32, #tpu.memory_space<hbm>>
        %dma_start3A_368 = arith.constant 0 : i32
        %dma_start3A_369 = tpu.memref_slice %arg7[%arg0, %mul3A_364, %dma_start3A_368] : memref<2x10000x64xf32, #tpu.memory_space<hbm>> -> memref<1x40x64xf32, #tpu.memory_space<hbm>>
        %dma_start3A_370 = tpu.memref_squeeze %dma_start3A_369 : memref<1x40x64xf32, #tpu.memory_space<hbm>> -> memref<40x64xf32, #tpu.memory_space<hbm>>
        tpu.enqueue_dma source(%arg22 : memref<40x64xf32, #tpu.memory_space<vmem>>) target(%dma_start3A_370 : memref<40x64xf32, #tpu.memory_space<hbm>>) target_semaphore(%run_scoped3A : memref<!tpu.dma_semaphore, #tpu.memory_space<semaphore_mem>>)
        %dma_wait3A_371 = arith.constant 0 : i32
        %dma_wait3A_372 = tpu.memref_slice %arg7[%arg0, %mul3A_364, %dma_wait3A_371] : memref<2x10000x64xf32, #tpu.memory_space<hbm>> -> memref<1x40x64xf32, #tpu.memory_space<hbm>>
        %dma_wait3A_373 = tpu.memref_squeeze %dma_wait3A_372 : memref<1x40x64xf32, #tpu.memory_space<hbm>> -> memref<40x64xf32, #tpu.memory_space<hbm>>
        %dma_wait3A_374 = arith.constant 0 : i32
        %dma_wait3A_375 = tpu.memref_slice %arg7[%arg0, %mul3A_364, %dma_wait3A_374] : memref<2x10000x64xf32, #tpu.memory_space<hbm>> -> memref<1x40x64xf32, #tpu.memory_space<hbm>>
        %dma_wait3A_376 = tpu.memref_squeeze %dma_wait3A_375 : memref<1x40x64xf32, #tpu.memory_space<hbm>> -> memref<40x64xf32, #tpu.memory_space<hbm>>
        tpu.wait_dma2 semaphore(%run_scoped3A : memref<!tpu.dma_semaphore, #tpu.memory_space<semaphore_mem>>) src(%arg22 : memref<40x64xf32, #tpu.memory_space<vmem>>) dst(%dma_wait3A_376 : memref<40x64xf32, #tpu.memory_space<hbm>>)
        tpu.yield
      }) : () -> ()
    } else {
    }
    %add3A_263 = arith.constant 32 : i32
    %add3A_264 = arith.addi %add3A_263, %arg1 : i32
    %lt3A_265 = arith.constant 250 : i32
    %lt3A_266 = arith.cmpi slt, %add3A_264, %lt3A_265 : i32
    %convert_element_type3A_267 = arith.extui %lt3A_266 : i1 to i32
    %cond3A_268 = arith.constant 0 : i32
    %cond3A_269 = arith.cmpi ne, %convert_element_type3A_267, %cond3A_268 : i32
    scf.if %cond3A_269 {
      %mul3A_361 = arith.constant 40 : i32
      %mul3A_362 = arith.muli %add3A_264, %mul3A_361 : i32
      "tpu.region"() ({
        %run_scoped3A = tpu.sem_alloc : memref<!tpu.dma_semaphore, #tpu.memory_space<semaphore_mem>>
        %dma_start3A_365 = arith.constant 0 : i32
        %dma_start3A_366 = tpu.memref_slice %arg23[%mul3A_362, %dma_start3A_365] : memref<10000x64xf32, #tpu.memory_space<vmem_shared>> -> memref<40x64xf32, #tpu.memory_space<vmem_shared>>
        %dma_start3A_367 = arith.constant 0 : i32
        %dma_start3A_368 = tpu.memref_slice %arg23[%mul3A_362, %dma_start3A_367] : memref<10000x64xf32, #tpu.memory_space<vmem_shared>> -> memref<40x64xf32, #tpu.memory_space<vmem_shared>>
        tpu.enqueue_dma source(%dma_start3A_368 : memref<40x64xf32, #tpu.memory_space<vmem_shared>>) target(%arg22 : memref<40x64xf32, #tpu.memory_space<vmem>>) target_semaphore(%run_scoped3A : memref<!tpu.dma_semaphore, #tpu.memory_space<semaphore_mem>>)
        %dma_wait3A_369 = arith.constant 0 : i32
        %dma_wait3A_370 = tpu.memref_slice %arg23[%mul3A_362, %dma_wait3A_369] : memref<10000x64xf32, #tpu.memory_space<vmem_shared>> -> memref<40x64xf32, #tpu.memory_space<vmem_shared>>
        %dma_wait3A_371 = arith.constant 0 : i32
        %dma_wait3A_372 = tpu.memref_slice %arg23[%mul3A_362, %dma_wait3A_371] : memref<10000x64xf32, #tpu.memory_space<vmem_shared>> -> memref<40x64xf32, #tpu.memory_space<vmem_shared>>
        tpu.wait_dma2 semaphore(%run_scoped3A : memref<!tpu.dma_semaphore, #tpu.memory_space<semaphore_mem>>) src(%dma_wait3A_372 : memref<40x64xf32, #tpu.memory_space<vmem_shared>>) dst(%arg22 : memref<40x64xf32, #tpu.memory_space<vmem>>)
        tpu.yield
      }) : () -> ()
      %mul3A_363 = arith.constant 40 : i32
      %mul3A_364 = arith.muli %add3A_264, %mul3A_363 : i32
      "tpu.region"() ({
        %run_scoped3A = tpu.sem_alloc : memref<!tpu.dma_semaphore, #tpu.memory_space<semaphore_mem>>
        %dma_start3A_365 = arith.constant 0 : i32
        %dma_start3A_366 = tpu.memref_slice %arg7[%arg0, %mul3A_364, %dma_start3A_365] : memref<2x10000x64xf32, #tpu.memory_space<hbm>> -> memref<1x40x64xf32, #tpu.memory_space<hbm>>
        %dma_start3A_367 = tpu.memref_squeeze %dma_start3A_366 : memref<1x40x64xf32, #tpu.memory_space<hbm>> -> memref<40x64xf32, #tpu.memory_space<hbm>>
        %dma_start3A_368 = arith.constant 0 : i32
        %dma_start3A_369 = tpu.memref_slice %arg7[%arg0, %mul3A_364, %dma_start3A_368] : memref<2x10000x64xf32, #tpu.memory_space<hbm>> -> memref<1x40x64xf32, #tpu.memory_space<hbm>>
        %dma_start3A_370 = tpu.memref_squeeze %dma_start3A_369 : memref<1x40x64xf32, #tpu.memory_space<hbm>> -> memref<40x64xf32, #tpu.memory_space<hbm>>
        tpu.enqueue_dma source(%arg22 : memref<40x64xf32, #tpu.memory_space<vmem>>) target(%dma_start3A_370 : memref<40x64xf32, #tpu.memory_space<hbm>>) target_semaphore(%run_scoped3A : memref<!tpu.dma_semaphore, #tpu.memory_space<semaphore_mem>>)
        %dma_wait3A_371 = arith.constant 0 : i32
        %dma_wait3A_372 = tpu.memref_slice %arg7[%arg0, %mul3A_364, %dma_wait3A_371] : memref<2x10000x64xf32, #tpu.memory_space<hbm>> -> memref<1x40x64xf32, #tpu.memory_space<hbm>>
        %dma_wait3A_373 = tpu.memref_squeeze %dma_wait3A_372 : memref<1x40x64xf32, #tpu.memory_space<hbm>> -> memref<40x64xf32, #tpu.memory_space<hbm>>
        %dma_wait3A_374 = arith.constant 0 : i32
        %dma_wait3A_375 = tpu.memref_slice %arg7[%arg0, %mul3A_364, %dma_wait3A_374] : memref<2x10000x64xf32, #tpu.memory_space<hbm>> -> memref<1x40x64xf32, #tpu.memory_space<hbm>>
        %dma_wait3A_376 = tpu.memref_squeeze %dma_wait3A_375 : memref<1x40x64xf32, #tpu.memory_space<hbm>> -> memref<40x64xf32, #tpu.memory_space<hbm>>
        tpu.wait_dma2 semaphore(%run_scoped3A : memref<!tpu.dma_semaphore, #tpu.memory_space<semaphore_mem>>) src(%arg22 : memref<40x64xf32, #tpu.memory_space<vmem>>) dst(%dma_wait3A_376 : memref<40x64xf32, #tpu.memory_space<hbm>>)
        tpu.yield
      }) : () -> ()
    } else {
    }
    %add3A_270 = arith.constant 48 : i32
    %add3A_271 = arith.addi %add3A_270, %arg1 : i32
    %lt3A_272 = arith.constant 250 : i32
    %lt3A_273 = arith.cmpi slt, %add3A_271, %lt3A_272 : i32
    %convert_element_type3A_274 = arith.extui %lt3A_273 : i1 to i32
    %cond3A_275 = arith.constant 0 : i32
    %cond3A_276 = arith.cmpi ne, %convert_element_type3A_274, %cond3A_275 : i32
    scf.if %cond3A_276 {
      %mul3A_361 = arith.constant 40 : i32
      %mul3A_362 = arith.muli %add3A_271, %mul3A_361 : i32
      "tpu.region"() ({
        %run_scoped3A = tpu.sem_alloc : memref<!tpu.dma_semaphore, #tpu.memory_space<semaphore_mem>>
        %dma_start3A_365 = arith.constant 0 : i32
        %dma_start3A_366 = tpu.memref_slice %arg23[%mul3A_362, %dma_start3A_365] : memref<10000x64xf32, #tpu.memory_space<vmem_shared>> -> memref<40x64xf32, #tpu.memory_space<vmem_shared>>
        %dma_start3A_367 = arith.constant 0 : i32
        %dma_start3A_368 = tpu.memref_slice %arg23[%mul3A_362, %dma_start3A_367] : memref<10000x64xf32, #tpu.memory_space<vmem_shared>> -> memref<40x64xf32, #tpu.memory_space<vmem_shared>>
        tpu.enqueue_dma source(%dma_start3A_368 : memref<40x64xf32, #tpu.memory_space<vmem_shared>>) target(%arg22 : memref<40x64xf32, #tpu.memory_space<vmem>>) target_semaphore(%run_scoped3A : memref<!tpu.dma_semaphore, #tpu.memory_space<semaphore_mem>>)
        %dma_wait3A_369 = arith.constant 0 : i32
        %dma_wait3A_370 = tpu.memref_slice %arg23[%mul3A_362, %dma_wait3A_369] : memref<10000x64xf32, #tpu.memory_space<vmem_shared>> -> memref<40x64xf32, #tpu.memory_space<vmem_shared>>
        %dma_wait3A_371 = arith.constant 0 : i32
        %dma_wait3A_372 = tpu.memref_slice %arg23[%mul3A_362, %dma_wait3A_371] : memref<10000x64xf32, #tpu.memory_space<vmem_shared>> -> memref<40x64xf32, #tpu.memory_space<vmem_shared>>
        tpu.wait_dma2 semaphore(%run_scoped3A : memref<!tpu.dma_semaphore, #tpu.memory_space<semaphore_mem>>) src(%dma_wait3A_372 : memref<40x64xf32, #tpu.memory_space<vmem_shared>>) dst(%arg22 : memref<40x64xf32, #tpu.memory_space<vmem>>)
        tpu.yield
      }) : () -> ()
      %mul3A_363 = arith.constant 40 : i32
      %mul3A_364 = arith.muli %add3A_271, %mul3A_363 : i32
      "tpu.region"() ({
        %run_scoped3A = tpu.sem_alloc : memref<!tpu.dma_semaphore, #tpu.memory_space<semaphore_mem>>
        %dma_start3A_365 = arith.constant 0 : i32
        %dma_start3A_366 = tpu.memref_slice %arg7[%arg0, %mul3A_364, %dma_start3A_365] : memref<2x10000x64xf32, #tpu.memory_space<hbm>> -> memref<1x40x64xf32, #tpu.memory_space<hbm>>
        %dma_start3A_367 = tpu.memref_squeeze %dma_start3A_366 : memref<1x40x64xf32, #tpu.memory_space<hbm>> -> memref<40x64xf32, #tpu.memory_space<hbm>>
        %dma_start3A_368 = arith.constant 0 : i32
        %dma_start3A_369 = tpu.memref_slice %arg7[%arg0, %mul3A_364, %dma_start3A_368] : memref<2x10000x64xf32, #tpu.memory_space<hbm>> -> memref<1x40x64xf32, #tpu.memory_space<hbm>>
        %dma_start3A_370 = tpu.memref_squeeze %dma_start3A_369 : memref<1x40x64xf32, #tpu.memory_space<hbm>> -> memref<40x64xf32, #tpu.memory_space<hbm>>
        tpu.enqueue_dma source(%arg22 : memref<40x64xf32, #tpu.memory_space<vmem>>) target(%dma_start3A_370 : memref<40x64xf32, #tpu.memory_space<hbm>>) target_semaphore(%run_scoped3A : memref<!tpu.dma_semaphore, #tpu.memory_space<semaphore_mem>>)
        %dma_wait3A_371 = arith.constant 0 : i32
        %dma_wait3A_372 = tpu.memref_slice %arg7[%arg0, %mul3A_364, %dma_wait3A_371] : memref<2x10000x64xf32, #tpu.memory_space<hbm>> -> memref<1x40x64xf32, #tpu.memory_space<hbm>>
        %dma_wait3A_373 = tpu.memref_squeeze %dma_wait3A_372 : memref<1x40x64xf32, #tpu.memory_space<hbm>> -> memref<40x64xf32, #tpu.memory_space<hbm>>
        %dma_wait3A_374 = arith.constant 0 : i32
        %dma_wait3A_375 = tpu.memref_slice %arg7[%arg0, %mul3A_364, %dma_wait3A_374] : memref<2x10000x64xf32, #tpu.memory_space<hbm>> -> memref<1x40x64xf32, #tpu.memory_space<hbm>>
        %dma_wait3A_376 = tpu.memref_squeeze %dma_wait3A_375 : memref<1x40x64xf32, #tpu.memory_space<hbm>> -> memref<40x64xf32, #tpu.memory_space<hbm>>
        tpu.wait_dma2 semaphore(%run_scoped3A : memref<!tpu.dma_semaphore, #tpu.memory_space<semaphore_mem>>) src(%arg22 : memref<40x64xf32, #tpu.memory_space<vmem>>) dst(%dma_wait3A_376 : memref<40x64xf32, #tpu.memory_space<hbm>>)
        tpu.yield
      }) : () -> ()
    } else {
    }
    %add3A_277 = arith.constant 64 : i32
    %add3A_278 = arith.addi %add3A_277, %arg1 : i32
    %lt3A_279 = arith.constant 250 : i32
    %lt3A_280 = arith.cmpi slt, %add3A_278, %lt3A_279 : i32
    %convert_element_type3A_281 = arith.extui %lt3A_280 : i1 to i32
    %cond3A_282 = arith.constant 0 : i32
    %cond3A_283 = arith.cmpi ne, %convert_element_type3A_281, %cond3A_282 : i32
    scf.if %cond3A_283 {
      %mul3A_361 = arith.constant 40 : i32
      %mul3A_362 = arith.muli %add3A_278, %mul3A_361 : i32
      "tpu.region"() ({
        %run_scoped3A = tpu.sem_alloc : memref<!tpu.dma_semaphore, #tpu.memory_space<semaphore_mem>>
        %dma_start3A_365 = arith.constant 0 : i32
        %dma_start3A_366 = tpu.memref_slice %arg23[%mul3A_362, %dma_start3A_365] : memref<10000x64xf32, #tpu.memory_space<vmem_shared>> -> memref<40x64xf32, #tpu.memory_space<vmem_shared>>
        %dma_start3A_367 = arith.constant 0 : i32
        %dma_start3A_368 = tpu.memref_slice %arg23[%mul3A_362, %dma_start3A_367] : memref<10000x64xf32, #tpu.memory_space<vmem_shared>> -> memref<40x64xf32, #tpu.memory_space<vmem_shared>>
        tpu.enqueue_dma source(%dma_start3A_368 : memref<40x64xf32, #tpu.memory_space<vmem_shared>>) target(%arg22 : memref<40x64xf32, #tpu.memory_space<vmem>>) target_semaphore(%run_scoped3A : memref<!tpu.dma_semaphore, #tpu.memory_space<semaphore_mem>>)
        %dma_wait3A_369 = arith.constant 0 : i32
        %dma_wait3A_370 = tpu.memref_slice %arg23[%mul3A_362, %dma_wait3A_369] : memref<10000x64xf32, #tpu.memory_space<vmem_shared>> -> memref<40x64xf32, #tpu.memory_space<vmem_shared>>
        %dma_wait3A_371 = arith.constant 0 : i32
        %dma_wait3A_372 = tpu.memref_slice %arg23[%mul3A_362, %dma_wait3A_371] : memref<10000x64xf32, #tpu.memory_space<vmem_shared>> -> memref<40x64xf32, #tpu.memory_space<vmem_shared>>
        tpu.wait_dma2 semaphore(%run_scoped3A : memref<!tpu.dma_semaphore, #tpu.memory_space<semaphore_mem>>) src(%dma_wait3A_372 : memref<40x64xf32, #tpu.memory_space<vmem_shared>>) dst(%arg22 : memref<40x64xf32, #tpu.memory_space<vmem>>)
        tpu.yield
      }) : () -> ()
      %mul3A_363 = arith.constant 40 : i32
      %mul3A_364 = arith.muli %add3A_278, %mul3A_363 : i32
      "tpu.region"() ({
        %run_scoped3A = tpu.sem_alloc : memref<!tpu.dma_semaphore, #tpu.memory_space<semaphore_mem>>
        %dma_start3A_365 = arith.constant 0 : i32
        %dma_start3A_366 = tpu.memref_slice %arg7[%arg0, %mul3A_364, %dma_start3A_365] : memref<2x10000x64xf32, #tpu.memory_space<hbm>> -> memref<1x40x64xf32, #tpu.memory_space<hbm>>
        %dma_start3A_367 = tpu.memref_squeeze %dma_start3A_366 : memref<1x40x64xf32, #tpu.memory_space<hbm>> -> memref<40x64xf32, #tpu.memory_space<hbm>>
        %dma_start3A_368 = arith.constant 0 : i32
        %dma_start3A_369 = tpu.memref_slice %arg7[%arg0, %mul3A_364, %dma_start3A_368] : memref<2x10000x64xf32, #tpu.memory_space<hbm>> -> memref<1x40x64xf32, #tpu.memory_space<hbm>>
        %dma_start3A_370 = tpu.memref_squeeze %dma_start3A_369 : memref<1x40x64xf32, #tpu.memory_space<hbm>> -> memref<40x64xf32, #tpu.memory_space<hbm>>
        tpu.enqueue_dma source(%arg22 : memref<40x64xf32, #tpu.memory_space<vmem>>) target(%dma_start3A_370 : memref<40x64xf32, #tpu.memory_space<hbm>>) target_semaphore(%run_scoped3A : memref<!tpu.dma_semaphore, #tpu.memory_space<semaphore_mem>>)
        %dma_wait3A_371 = arith.constant 0 : i32
        %dma_wait3A_372 = tpu.memref_slice %arg7[%arg0, %mul3A_364, %dma_wait3A_371] : memref<2x10000x64xf32, #tpu.memory_space<hbm>> -> memref<1x40x64xf32, #tpu.memory_space<hbm>>
        %dma_wait3A_373 = tpu.memref_squeeze %dma_wait3A_372 : memref<1x40x64xf32, #tpu.memory_space<hbm>> -> memref<40x64xf32, #tpu.memory_space<hbm>>
        %dma_wait3A_374 = arith.constant 0 : i32
        %dma_wait3A_375 = tpu.memref_slice %arg7[%arg0, %mul3A_364, %dma_wait3A_374] : memref<2x10000x64xf32, #tpu.memory_space<hbm>> -> memref<1x40x64xf32, #tpu.memory_space<hbm>>
        %dma_wait3A_376 = tpu.memref_squeeze %dma_wait3A_375 : memref<1x40x64xf32, #tpu.memory_space<hbm>> -> memref<40x64xf32, #tpu.memory_space<hbm>>
        tpu.wait_dma2 semaphore(%run_scoped3A : memref<!tpu.dma_semaphore, #tpu.memory_space<semaphore_mem>>) src(%arg22 : memref<40x64xf32, #tpu.memory_space<vmem>>) dst(%dma_wait3A_376 : memref<40x64xf32, #tpu.memory_space<hbm>>)
        tpu.yield
      }) : () -> ()
    } else {
    }
    %add3A_284 = arith.constant 80 : i32
    %add3A_285 = arith.addi %add3A_284, %arg1 : i32
    %lt3A_286 = arith.constant 250 : i32
    %lt3A_287 = arith.cmpi slt, %add3A_285, %lt3A_286 : i32
    %convert_element_type3A_288 = arith.extui %lt3A_287 : i1 to i32
    %cond3A_289 = arith.constant 0 : i32
    %cond3A_290 = arith.cmpi ne, %convert_element_type3A_288, %cond3A_289 : i32
    scf.if %cond3A_290 {
      %mul3A_361 = arith.constant 40 : i32
      %mul3A_362 = arith.muli %add3A_285, %mul3A_361 : i32
      "tpu.region"() ({
        %run_scoped3A = tpu.sem_alloc : memref<!tpu.dma_semaphore, #tpu.memory_space<semaphore_mem>>
        %dma_start3A_365 = arith.constant 0 : i32
        %dma_start3A_366 = tpu.memref_slice %arg23[%mul3A_362, %dma_start3A_365] : memref<10000x64xf32, #tpu.memory_space<vmem_shared>> -> memref<40x64xf32, #tpu.memory_space<vmem_shared>>
        %dma_start3A_367 = arith.constant 0 : i32
        %dma_start3A_368 = tpu.memref_slice %arg23[%mul3A_362, %dma_start3A_367] : memref<10000x64xf32, #tpu.memory_space<vmem_shared>> -> memref<40x64xf32, #tpu.memory_space<vmem_shared>>
        tpu.enqueue_dma source(%dma_start3A_368 : memref<40x64xf32, #tpu.memory_space<vmem_shared>>) target(%arg22 : memref<40x64xf32, #tpu.memory_space<vmem>>) target_semaphore(%run_scoped3A : memref<!tpu.dma_semaphore, #tpu.memory_space<semaphore_mem>>)
        %dma_wait3A_369 = arith.constant 0 : i32
        %dma_wait3A_370 = tpu.memref_slice %arg23[%mul3A_362, %dma_wait3A_369] : memref<10000x64xf32, #tpu.memory_space<vmem_shared>> -> memref<40x64xf32, #tpu.memory_space<vmem_shared>>
        %dma_wait3A_371 = arith.constant 0 : i32
        %dma_wait3A_372 = tpu.memref_slice %arg23[%mul3A_362, %dma_wait3A_371] : memref<10000x64xf32, #tpu.memory_space<vmem_shared>> -> memref<40x64xf32, #tpu.memory_space<vmem_shared>>
        tpu.wait_dma2 semaphore(%run_scoped3A : memref<!tpu.dma_semaphore, #tpu.memory_space<semaphore_mem>>) src(%dma_wait3A_372 : memref<40x64xf32, #tpu.memory_space<vmem_shared>>) dst(%arg22 : memref<40x64xf32, #tpu.memory_space<vmem>>)
        tpu.yield
      }) : () -> ()
      %mul3A_363 = arith.constant 40 : i32
      %mul3A_364 = arith.muli %add3A_285, %mul3A_363 : i32
      "tpu.region"() ({
        %run_scoped3A = tpu.sem_alloc : memref<!tpu.dma_semaphore, #tpu.memory_space<semaphore_mem>>
        %dma_start3A_365 = arith.constant 0 : i32
        %dma_start3A_366 = tpu.memref_slice %arg7[%arg0, %mul3A_364, %dma_start3A_365] : memref<2x10000x64xf32, #tpu.memory_space<hbm>> -> memref<1x40x64xf32, #tpu.memory_space<hbm>>
        %dma_start3A_367 = tpu.memref_squeeze %dma_start3A_366 : memref<1x40x64xf32, #tpu.memory_space<hbm>> -> memref<40x64xf32, #tpu.memory_space<hbm>>
        %dma_start3A_368 = arith.constant 0 : i32
        %dma_start3A_369 = tpu.memref_slice %arg7[%arg0, %mul3A_364, %dma_start3A_368] : memref<2x10000x64xf32, #tpu.memory_space<hbm>> -> memref<1x40x64xf32, #tpu.memory_space<hbm>>
        %dma_start3A_370 = tpu.memref_squeeze %dma_start3A_369 : memref<1x40x64xf32, #tpu.memory_space<hbm>> -> memref<40x64xf32, #tpu.memory_space<hbm>>
        tpu.enqueue_dma source(%arg22 : memref<40x64xf32, #tpu.memory_space<vmem>>) target(%dma_start3A_370 : memref<40x64xf32, #tpu.memory_space<hbm>>) target_semaphore(%run_scoped3A : memref<!tpu.dma_semaphore, #tpu.memory_space<semaphore_mem>>)
        %dma_wait3A_371 = arith.constant 0 : i32
        %dma_wait3A_372 = tpu.memref_slice %arg7[%arg0, %mul3A_364, %dma_wait3A_371] : memref<2x10000x64xf32, #tpu.memory_space<hbm>> -> memref<1x40x64xf32, #tpu.memory_space<hbm>>
        %dma_wait3A_373 = tpu.memref_squeeze %dma_wait3A_372 : memref<1x40x64xf32, #tpu.memory_space<hbm>> -> memref<40x64xf32, #tpu.memory_space<hbm>>
        %dma_wait3A_374 = arith.constant 0 : i32
        %dma_wait3A_375 = tpu.memref_slice %arg7[%arg0, %mul3A_364, %dma_wait3A_374] : memref<2x10000x64xf32, #tpu.memory_space<hbm>> -> memref<1x40x64xf32, #tpu.memory_space<hbm>>
        %dma_wait3A_376 = tpu.memref_squeeze %dma_wait3A_375 : memref<1x40x64xf32, #tpu.memory_space<hbm>> -> memref<40x64xf32, #tpu.memory_space<hbm>>
        tpu.wait_dma2 semaphore(%run_scoped3A : memref<!tpu.dma_semaphore, #tpu.memory_space<semaphore_mem>>) src(%arg22 : memref<40x64xf32, #tpu.memory_space<vmem>>) dst(%dma_wait3A_376 : memref<40x64xf32, #tpu.memory_space<hbm>>)
        tpu.yield
      }) : () -> ()
    } else {
    }
    %add3A_291 = arith.constant 96 : i32
    %add3A_292 = arith.addi %add3A_291, %arg1 : i32
    %lt3A_293 = arith.constant 250 : i32
    %lt3A_294 = arith.cmpi slt, %add3A_292, %lt3A_293 : i32
    %convert_element_type3A_295 = arith.extui %lt3A_294 : i1 to i32
    %cond3A_296 = arith.constant 0 : i32
    %cond3A_297 = arith.cmpi ne, %convert_element_type3A_295, %cond3A_296 : i32
    scf.if %cond3A_297 {
      %mul3A_361 = arith.constant 40 : i32
      %mul3A_362 = arith.muli %add3A_292, %mul3A_361 : i32
      "tpu.region"() ({
        %run_scoped3A = tpu.sem_alloc : memref<!tpu.dma_semaphore, #tpu.memory_space<semaphore_mem>>
        %dma_start3A_365 = arith.constant 0 : i32
        %dma_start3A_366 = tpu.memref_slice %arg23[%mul3A_362, %dma_start3A_365] : memref<10000x64xf32, #tpu.memory_space<vmem_shared>> -> memref<40x64xf32, #tpu.memory_space<vmem_shared>>
        %dma_start3A_367 = arith.constant 0 : i32
        %dma_start3A_368 = tpu.memref_slice %arg23[%mul3A_362, %dma_start3A_367] : memref<10000x64xf32, #tpu.memory_space<vmem_shared>> -> memref<40x64xf32, #tpu.memory_space<vmem_shared>>
        tpu.enqueue_dma source(%dma_start3A_368 : memref<40x64xf32, #tpu.memory_space<vmem_shared>>) target(%arg22 : memref<40x64xf32, #tpu.memory_space<vmem>>) target_semaphore(%run_scoped3A : memref<!tpu.dma_semaphore, #tpu.memory_space<semaphore_mem>>)
        %dma_wait3A_369 = arith.constant 0 : i32
        %dma_wait3A_370 = tpu.memref_slice %arg23[%mul3A_362, %dma_wait3A_369] : memref<10000x64xf32, #tpu.memory_space<vmem_shared>> -> memref<40x64xf32, #tpu.memory_space<vmem_shared>>
        %dma_wait3A_371 = arith.constant 0 : i32
        %dma_wait3A_372 = tpu.memref_slice %arg23[%mul3A_362, %dma_wait3A_371] : memref<10000x64xf32, #tpu.memory_space<vmem_shared>> -> memref<40x64xf32, #tpu.memory_space<vmem_shared>>
        tpu.wait_dma2 semaphore(%run_scoped3A : memref<!tpu.dma_semaphore, #tpu.memory_space<semaphore_mem>>) src(%dma_wait3A_372 : memref<40x64xf32, #tpu.memory_space<vmem_shared>>) dst(%arg22 : memref<40x64xf32, #tpu.memory_space<vmem>>)
        tpu.yield
      }) : () -> ()
      %mul3A_363 = arith.constant 40 : i32
      %mul3A_364 = arith.muli %add3A_292, %mul3A_363 : i32
      "tpu.region"() ({
        %run_scoped3A = tpu.sem_alloc : memref<!tpu.dma_semaphore, #tpu.memory_space<semaphore_mem>>
        %dma_start3A_365 = arith.constant 0 : i32
        %dma_start3A_366 = tpu.memref_slice %arg7[%arg0, %mul3A_364, %dma_start3A_365] : memref<2x10000x64xf32, #tpu.memory_space<hbm>> -> memref<1x40x64xf32, #tpu.memory_space<hbm>>
        %dma_start3A_367 = tpu.memref_squeeze %dma_start3A_366 : memref<1x40x64xf32, #tpu.memory_space<hbm>> -> memref<40x64xf32, #tpu.memory_space<hbm>>
        %dma_start3A_368 = arith.constant 0 : i32
        %dma_start3A_369 = tpu.memref_slice %arg7[%arg0, %mul3A_364, %dma_start3A_368] : memref<2x10000x64xf32, #tpu.memory_space<hbm>> -> memref<1x40x64xf32, #tpu.memory_space<hbm>>
        %dma_start3A_370 = tpu.memref_squeeze %dma_start3A_369 : memref<1x40x64xf32, #tpu.memory_space<hbm>> -> memref<40x64xf32, #tpu.memory_space<hbm>>
        tpu.enqueue_dma source(%arg22 : memref<40x64xf32, #tpu.memory_space<vmem>>) target(%dma_start3A_370 : memref<40x64xf32, #tpu.memory_space<hbm>>) target_semaphore(%run_scoped3A : memref<!tpu.dma_semaphore, #tpu.memory_space<semaphore_mem>>)
        %dma_wait3A_371 = arith.constant 0 : i32
        %dma_wait3A_372 = tpu.memref_slice %arg7[%arg0, %mul3A_364, %dma_wait3A_371] : memref<2x10000x64xf32, #tpu.memory_space<hbm>> -> memref<1x40x64xf32, #tpu.memory_space<hbm>>
        %dma_wait3A_373 = tpu.memref_squeeze %dma_wait3A_372 : memref<1x40x64xf32, #tpu.memory_space<hbm>> -> memref<40x64xf32, #tpu.memory_space<hbm>>
        %dma_wait3A_374 = arith.constant 0 : i32
        %dma_wait3A_375 = tpu.memref_slice %arg7[%arg0, %mul3A_364, %dma_wait3A_374] : memref<2x10000x64xf32, #tpu.memory_space<hbm>> -> memref<1x40x64xf32, #tpu.memory_space<hbm>>
        %dma_wait3A_376 = tpu.memref_squeeze %dma_wait3A_375 : memref<1x40x64xf32, #tpu.memory_space<hbm>> -> memref<40x64xf32, #tpu.memory_space<hbm>>
        tpu.wait_dma2 semaphore(%run_scoped3A : memref<!tpu.dma_semaphore, #tpu.memory_space<semaphore_mem>>) src(%arg22 : memref<40x64xf32, #tpu.memory_space<vmem>>) dst(%dma_wait3A_376 : memref<40x64xf32, #tpu.memory_space<hbm>>)
        tpu.yield
      }) : () -> ()
    } else {
    }
    %add3A_298 = arith.constant 112 : i32
    %add3A_299 = arith.addi %add3A_298, %arg1 : i32
    %lt3A_300 = arith.constant 250 : i32
    %lt3A_301 = arith.cmpi slt, %add3A_299, %lt3A_300 : i32
    %convert_element_type3A_302 = arith.extui %lt3A_301 : i1 to i32
    %cond3A_303 = arith.constant 0 : i32
    %cond3A_304 = arith.cmpi ne, %convert_element_type3A_302, %cond3A_303 : i32
    scf.if %cond3A_304 {
      %mul3A_361 = arith.constant 40 : i32
      %mul3A_362 = arith.muli %add3A_299, %mul3A_361 : i32
      "tpu.region"() ({
        %run_scoped3A = tpu.sem_alloc : memref<!tpu.dma_semaphore, #tpu.memory_space<semaphore_mem>>
        %dma_start3A_365 = arith.constant 0 : i32
        %dma_start3A_366 = tpu.memref_slice %arg23[%mul3A_362, %dma_start3A_365] : memref<10000x64xf32, #tpu.memory_space<vmem_shared>> -> memref<40x64xf32, #tpu.memory_space<vmem_shared>>
        %dma_start3A_367 = arith.constant 0 : i32
        %dma_start3A_368 = tpu.memref_slice %arg23[%mul3A_362, %dma_start3A_367] : memref<10000x64xf32, #tpu.memory_space<vmem_shared>> -> memref<40x64xf32, #tpu.memory_space<vmem_shared>>
        tpu.enqueue_dma source(%dma_start3A_368 : memref<40x64xf32, #tpu.memory_space<vmem_shared>>) target(%arg22 : memref<40x64xf32, #tpu.memory_space<vmem>>) target_semaphore(%run_scoped3A : memref<!tpu.dma_semaphore, #tpu.memory_space<semaphore_mem>>)
        %dma_wait3A_369 = arith.constant 0 : i32
        %dma_wait3A_370 = tpu.memref_slice %arg23[%mul3A_362, %dma_wait3A_369] : memref<10000x64xf32, #tpu.memory_space<vmem_shared>> -> memref<40x64xf32, #tpu.memory_space<vmem_shared>>
        %dma_wait3A_371 = arith.constant 0 : i32
        %dma_wait3A_372 = tpu.memref_slice %arg23[%mul3A_362, %dma_wait3A_371] : memref<10000x64xf32, #tpu.memory_space<vmem_shared>> -> memref<40x64xf32, #tpu.memory_space<vmem_shared>>
        tpu.wait_dma2 semaphore(%run_scoped3A : memref<!tpu.dma_semaphore, #tpu.memory_space<semaphore_mem>>) src(%dma_wait3A_372 : memref<40x64xf32, #tpu.memory_space<vmem_shared>>) dst(%arg22 : memref<40x64xf32, #tpu.memory_space<vmem>>)
        tpu.yield
      }) : () -> ()
      %mul3A_363 = arith.constant 40 : i32
      %mul3A_364 = arith.muli %add3A_299, %mul3A_363 : i32
      "tpu.region"() ({
        %run_scoped3A = tpu.sem_alloc : memref<!tpu.dma_semaphore, #tpu.memory_space<semaphore_mem>>
        %dma_start3A_365 = arith.constant 0 : i32
        %dma_start3A_366 = tpu.memref_slice %arg7[%arg0, %mul3A_364, %dma_start3A_365] : memref<2x10000x64xf32, #tpu.memory_space<hbm>> -> memref<1x40x64xf32, #tpu.memory_space<hbm>>
        %dma_start3A_367 = tpu.memref_squeeze %dma_start3A_366 : memref<1x40x64xf32, #tpu.memory_space<hbm>> -> memref<40x64xf32, #tpu.memory_space<hbm>>
        %dma_start3A_368 = arith.constant 0 : i32
        %dma_start3A_369 = tpu.memref_slice %arg7[%arg0, %mul3A_364, %dma_start3A_368] : memref<2x10000x64xf32, #tpu.memory_space<hbm>> -> memref<1x40x64xf32, #tpu.memory_space<hbm>>
        %dma_start3A_370 = tpu.memref_squeeze %dma_start3A_369 : memref<1x40x64xf32, #tpu.memory_space<hbm>> -> memref<40x64xf32, #tpu.memory_space<hbm>>
        tpu.enqueue_dma source(%arg22 : memref<40x64xf32, #tpu.memory_space<vmem>>) target(%dma_start3A_370 : memref<40x64xf32, #tpu.memory_space<hbm>>) target_semaphore(%run_scoped3A : memref<!tpu.dma_semaphore, #tpu.memory_space<semaphore_mem>>)
        %dma_wait3A_371 = arith.constant 0 : i32
        %dma_wait3A_372 = tpu.memref_slice %arg7[%arg0, %mul3A_364, %dma_wait3A_371] : memref<2x10000x64xf32, #tpu.memory_space<hbm>> -> memref<1x40x64xf32, #tpu.memory_space<hbm>>
        %dma_wait3A_373 = tpu.memref_squeeze %dma_wait3A_372 : memref<1x40x64xf32, #tpu.memory_space<hbm>> -> memref<40x64xf32, #tpu.memory_space<hbm>>
        %dma_wait3A_374 = arith.constant 0 : i32
        %dma_wait3A_375 = tpu.memref_slice %arg7[%arg0, %mul3A_364, %dma_wait3A_374] : memref<2x10000x64xf32, #tpu.memory_space<hbm>> -> memref<1x40x64xf32, #tpu.memory_space<hbm>>
        %dma_wait3A_376 = tpu.memref_squeeze %dma_wait3A_375 : memref<1x40x64xf32, #tpu.memory_space<hbm>> -> memref<40x64xf32, #tpu.memory_space<hbm>>
        tpu.wait_dma2 semaphore(%run_scoped3A : memref<!tpu.dma_semaphore, #tpu.memory_space<semaphore_mem>>) src(%arg22 : memref<40x64xf32, #tpu.memory_space<vmem>>) dst(%dma_wait3A_376 : memref<40x64xf32, #tpu.memory_space<hbm>>)
        tpu.yield
      }) : () -> ()
    } else {
    }
    %add3A_305 = arith.constant 128 : i32
    %add3A_306 = arith.addi %add3A_305, %arg1 : i32
    %lt3A_307 = arith.constant 250 : i32
    %lt3A_308 = arith.cmpi slt, %add3A_306, %lt3A_307 : i32
    %convert_element_type3A_309 = arith.extui %lt3A_308 : i1 to i32
    %cond3A_310 = arith.constant 0 : i32
    %cond3A_311 = arith.cmpi ne, %convert_element_type3A_309, %cond3A_310 : i32
    scf.if %cond3A_311 {
      %mul3A_361 = arith.constant 40 : i32
      %mul3A_362 = arith.muli %add3A_306, %mul3A_361 : i32
      "tpu.region"() ({
        %run_scoped3A = tpu.sem_alloc : memref<!tpu.dma_semaphore, #tpu.memory_space<semaphore_mem>>
        %dma_start3A_365 = arith.constant 0 : i32
        %dma_start3A_366 = tpu.memref_slice %arg23[%mul3A_362, %dma_start3A_365] : memref<10000x64xf32, #tpu.memory_space<vmem_shared>> -> memref<40x64xf32, #tpu.memory_space<vmem_shared>>
        %dma_start3A_367 = arith.constant 0 : i32
        %dma_start3A_368 = tpu.memref_slice %arg23[%mul3A_362, %dma_start3A_367] : memref<10000x64xf32, #tpu.memory_space<vmem_shared>> -> memref<40x64xf32, #tpu.memory_space<vmem_shared>>
        tpu.enqueue_dma source(%dma_start3A_368 : memref<40x64xf32, #tpu.memory_space<vmem_shared>>) target(%arg22 : memref<40x64xf32, #tpu.memory_space<vmem>>) target_semaphore(%run_scoped3A : memref<!tpu.dma_semaphore, #tpu.memory_space<semaphore_mem>>)
        %dma_wait3A_369 = arith.constant 0 : i32
        %dma_wait3A_370 = tpu.memref_slice %arg23[%mul3A_362, %dma_wait3A_369] : memref<10000x64xf32, #tpu.memory_space<vmem_shared>> -> memref<40x64xf32, #tpu.memory_space<vmem_shared>>
        %dma_wait3A_371 = arith.constant 0 : i32
        %dma_wait3A_372 = tpu.memref_slice %arg23[%mul3A_362, %dma_wait3A_371] : memref<10000x64xf32, #tpu.memory_space<vmem_shared>> -> memref<40x64xf32, #tpu.memory_space<vmem_shared>>
        tpu.wait_dma2 semaphore(%run_scoped3A : memref<!tpu.dma_semaphore, #tpu.memory_space<semaphore_mem>>) src(%dma_wait3A_372 : memref<40x64xf32, #tpu.memory_space<vmem_shared>>) dst(%arg22 : memref<40x64xf32, #tpu.memory_space<vmem>>)
        tpu.yield
      }) : () -> ()
      %mul3A_363 = arith.constant 40 : i32
      %mul3A_364 = arith.muli %add3A_306, %mul3A_363 : i32
      "tpu.region"() ({
        %run_scoped3A = tpu.sem_alloc : memref<!tpu.dma_semaphore, #tpu.memory_space<semaphore_mem>>
        %dma_start3A_365 = arith.constant 0 : i32
        %dma_start3A_366 = tpu.memref_slice %arg7[%arg0, %mul3A_364, %dma_start3A_365] : memref<2x10000x64xf32, #tpu.memory_space<hbm>> -> memref<1x40x64xf32, #tpu.memory_space<hbm>>
        %dma_start3A_367 = tpu.memref_squeeze %dma_start3A_366 : memref<1x40x64xf32, #tpu.memory_space<hbm>> -> memref<40x64xf32, #tpu.memory_space<hbm>>
        %dma_start3A_368 = arith.constant 0 : i32
        %dma_start3A_369 = tpu.memref_slice %arg7[%arg0, %mul3A_364, %dma_start3A_368] : memref<2x10000x64xf32, #tpu.memory_space<hbm>> -> memref<1x40x64xf32, #tpu.memory_space<hbm>>
        %dma_start3A_370 = tpu.memref_squeeze %dma_start3A_369 : memref<1x40x64xf32, #tpu.memory_space<hbm>> -> memref<40x64xf32, #tpu.memory_space<hbm>>
        tpu.enqueue_dma source(%arg22 : memref<40x64xf32, #tpu.memory_space<vmem>>) target(%dma_start3A_370 : memref<40x64xf32, #tpu.memory_space<hbm>>) target_semaphore(%run_scoped3A : memref<!tpu.dma_semaphore, #tpu.memory_space<semaphore_mem>>)
        %dma_wait3A_371 = arith.constant 0 : i32
        %dma_wait3A_372 = tpu.memref_slice %arg7[%arg0, %mul3A_364, %dma_wait3A_371] : memref<2x10000x64xf32, #tpu.memory_space<hbm>> -> memref<1x40x64xf32, #tpu.memory_space<hbm>>
        %dma_wait3A_373 = tpu.memref_squeeze %dma_wait3A_372 : memref<1x40x64xf32, #tpu.memory_space<hbm>> -> memref<40x64xf32, #tpu.memory_space<hbm>>
        %dma_wait3A_374 = arith.constant 0 : i32
        %dma_wait3A_375 = tpu.memref_slice %arg7[%arg0, %mul3A_364, %dma_wait3A_374] : memref<2x10000x64xf32, #tpu.memory_space<hbm>> -> memref<1x40x64xf32, #tpu.memory_space<hbm>>
        %dma_wait3A_376 = tpu.memref_squeeze %dma_wait3A_375 : memref<1x40x64xf32, #tpu.memory_space<hbm>> -> memref<40x64xf32, #tpu.memory_space<hbm>>
        tpu.wait_dma2 semaphore(%run_scoped3A : memref<!tpu.dma_semaphore, #tpu.memory_space<semaphore_mem>>) src(%arg22 : memref<40x64xf32, #tpu.memory_space<vmem>>) dst(%dma_wait3A_376 : memref<40x64xf32, #tpu.memory_space<hbm>>)
        tpu.yield
      }) : () -> ()
    } else {
    }
    %add3A_312 = arith.constant 144 : i32
    %add3A_313 = arith.addi %add3A_312, %arg1 : i32
    %lt3A_314 = arith.constant 250 : i32
    %lt3A_315 = arith.cmpi slt, %add3A_313, %lt3A_314 : i32
    %convert_element_type3A_316 = arith.extui %lt3A_315 : i1 to i32
    %cond3A_317 = arith.constant 0 : i32
    %cond3A_318 = arith.cmpi ne, %convert_element_type3A_316, %cond3A_317 : i32
    scf.if %cond3A_318 {
      %mul3A_361 = arith.constant 40 : i32
      %mul3A_362 = arith.muli %add3A_313, %mul3A_361 : i32
      "tpu.region"() ({
        %run_scoped3A = tpu.sem_alloc : memref<!tpu.dma_semaphore, #tpu.memory_space<semaphore_mem>>
        %dma_start3A_365 = arith.constant 0 : i32
        %dma_start3A_366 = tpu.memref_slice %arg23[%mul3A_362, %dma_start3A_365] : memref<10000x64xf32, #tpu.memory_space<vmem_shared>> -> memref<40x64xf32, #tpu.memory_space<vmem_shared>>
        %dma_start3A_367 = arith.constant 0 : i32
        %dma_start3A_368 = tpu.memref_slice %arg23[%mul3A_362, %dma_start3A_367] : memref<10000x64xf32, #tpu.memory_space<vmem_shared>> -> memref<40x64xf32, #tpu.memory_space<vmem_shared>>
        tpu.enqueue_dma source(%dma_start3A_368 : memref<40x64xf32, #tpu.memory_space<vmem_shared>>) target(%arg22 : memref<40x64xf32, #tpu.memory_space<vmem>>) target_semaphore(%run_scoped3A : memref<!tpu.dma_semaphore, #tpu.memory_space<semaphore_mem>>)
        %dma_wait3A_369 = arith.constant 0 : i32
        %dma_wait3A_370 = tpu.memref_slice %arg23[%mul3A_362, %dma_wait3A_369] : memref<10000x64xf32, #tpu.memory_space<vmem_shared>> -> memref<40x64xf32, #tpu.memory_space<vmem_shared>>
        %dma_wait3A_371 = arith.constant 0 : i32
        %dma_wait3A_372 = tpu.memref_slice %arg23[%mul3A_362, %dma_wait3A_371] : memref<10000x64xf32, #tpu.memory_space<vmem_shared>> -> memref<40x64xf32, #tpu.memory_space<vmem_shared>>
        tpu.wait_dma2 semaphore(%run_scoped3A : memref<!tpu.dma_semaphore, #tpu.memory_space<semaphore_mem>>) src(%dma_wait3A_372 : memref<40x64xf32, #tpu.memory_space<vmem_shared>>) dst(%arg22 : memref<40x64xf32, #tpu.memory_space<vmem>>)
        tpu.yield
      }) : () -> ()
      %mul3A_363 = arith.constant 40 : i32
      %mul3A_364 = arith.muli %add3A_313, %mul3A_363 : i32
      "tpu.region"() ({
        %run_scoped3A = tpu.sem_alloc : memref<!tpu.dma_semaphore, #tpu.memory_space<semaphore_mem>>
        %dma_start3A_365 = arith.constant 0 : i32
        %dma_start3A_366 = tpu.memref_slice %arg7[%arg0, %mul3A_364, %dma_start3A_365] : memref<2x10000x64xf32, #tpu.memory_space<hbm>> -> memref<1x40x64xf32, #tpu.memory_space<hbm>>
        %dma_start3A_367 = tpu.memref_squeeze %dma_start3A_366 : memref<1x40x64xf32, #tpu.memory_space<hbm>> -> memref<40x64xf32, #tpu.memory_space<hbm>>
        %dma_start3A_368 = arith.constant 0 : i32
        %dma_start3A_369 = tpu.memref_slice %arg7[%arg0, %mul3A_364, %dma_start3A_368] : memref<2x10000x64xf32, #tpu.memory_space<hbm>> -> memref<1x40x64xf32, #tpu.memory_space<hbm>>
        %dma_start3A_370 = tpu.memref_squeeze %dma_start3A_369 : memref<1x40x64xf32, #tpu.memory_space<hbm>> -> memref<40x64xf32, #tpu.memory_space<hbm>>
        tpu.enqueue_dma source(%arg22 : memref<40x64xf32, #tpu.memory_space<vmem>>) target(%dma_start3A_370 : memref<40x64xf32, #tpu.memory_space<hbm>>) target_semaphore(%run_scoped3A : memref<!tpu.dma_semaphore, #tpu.memory_space<semaphore_mem>>)
        %dma_wait3A_371 = arith.constant 0 : i32
        %dma_wait3A_372 = tpu.memref_slice %arg7[%arg0, %mul3A_364, %dma_wait3A_371] : memref<2x10000x64xf32, #tpu.memory_space<hbm>> -> memref<1x40x64xf32, #tpu.memory_space<hbm>>
        %dma_wait3A_373 = tpu.memref_squeeze %dma_wait3A_372 : memref<1x40x64xf32, #tpu.memory_space<hbm>> -> memref<40x64xf32, #tpu.memory_space<hbm>>
        %dma_wait3A_374 = arith.constant 0 : i32
        %dma_wait3A_375 = tpu.memref_slice %arg7[%arg0, %mul3A_364, %dma_wait3A_374] : memref<2x10000x64xf32, #tpu.memory_space<hbm>> -> memref<1x40x64xf32, #tpu.memory_space<hbm>>
        %dma_wait3A_376 = tpu.memref_squeeze %dma_wait3A_375 : memref<1x40x64xf32, #tpu.memory_space<hbm>> -> memref<40x64xf32, #tpu.memory_space<hbm>>
        tpu.wait_dma2 semaphore(%run_scoped3A : memref<!tpu.dma_semaphore, #tpu.memory_space<semaphore_mem>>) src(%arg22 : memref<40x64xf32, #tpu.memory_space<vmem>>) dst(%dma_wait3A_376 : memref<40x64xf32, #tpu.memory_space<hbm>>)
        tpu.yield
      }) : () -> ()
    } else {
    }
    %add3A_319 = arith.constant 160 : i32
    %add3A_320 = arith.addi %add3A_319, %arg1 : i32
    %lt3A_321 = arith.constant 250 : i32
    %lt3A_322 = arith.cmpi slt, %add3A_320, %lt3A_321 : i32
    %convert_element_type3A_323 = arith.extui %lt3A_322 : i1 to i32
    %cond3A_324 = arith.constant 0 : i32
    %cond3A_325 = arith.cmpi ne, %convert_element_type3A_323, %cond3A_324 : i32
    scf.if %cond3A_325 {
      %mul3A_361 = arith.constant 40 : i32
      %mul3A_362 = arith.muli %add3A_320, %mul3A_361 : i32
      "tpu.region"() ({
        %run_scoped3A = tpu.sem_alloc : memref<!tpu.dma_semaphore, #tpu.memory_space<semaphore_mem>>
        %dma_start3A_365 = arith.constant 0 : i32
        %dma_start3A_366 = tpu.memref_slice %arg23[%mul3A_362, %dma_start3A_365] : memref<10000x64xf32, #tpu.memory_space<vmem_shared>> -> memref<40x64xf32, #tpu.memory_space<vmem_shared>>
        %dma_start3A_367 = arith.constant 0 : i32
        %dma_start3A_368 = tpu.memref_slice %arg23[%mul3A_362, %dma_start3A_367] : memref<10000x64xf32, #tpu.memory_space<vmem_shared>> -> memref<40x64xf32, #tpu.memory_space<vmem_shared>>
        tpu.enqueue_dma source(%dma_start3A_368 : memref<40x64xf32, #tpu.memory_space<vmem_shared>>) target(%arg22 : memref<40x64xf32, #tpu.memory_space<vmem>>) target_semaphore(%run_scoped3A : memref<!tpu.dma_semaphore, #tpu.memory_space<semaphore_mem>>)
        %dma_wait3A_369 = arith.constant 0 : i32
        %dma_wait3A_370 = tpu.memref_slice %arg23[%mul3A_362, %dma_wait3A_369] : memref<10000x64xf32, #tpu.memory_space<vmem_shared>> -> memref<40x64xf32, #tpu.memory_space<vmem_shared>>
        %dma_wait3A_371 = arith.constant 0 : i32
        %dma_wait3A_372 = tpu.memref_slice %arg23[%mul3A_362, %dma_wait3A_371] : memref<10000x64xf32, #tpu.memory_space<vmem_shared>> -> memref<40x64xf32, #tpu.memory_space<vmem_shared>>
        tpu.wait_dma2 semaphore(%run_scoped3A : memref<!tpu.dma_semaphore, #tpu.memory_space<semaphore_mem>>) src(%dma_wait3A_372 : memref<40x64xf32, #tpu.memory_space<vmem_shared>>) dst(%arg22 : memref<40x64xf32, #tpu.memory_space<vmem>>)
        tpu.yield
      }) : () -> ()
      %mul3A_363 = arith.constant 40 : i32
      %mul3A_364 = arith.muli %add3A_320, %mul3A_363 : i32
      "tpu.region"() ({
        %run_scoped3A = tpu.sem_alloc : memref<!tpu.dma_semaphore, #tpu.memory_space<semaphore_mem>>
        %dma_start3A_365 = arith.constant 0 : i32
        %dma_start3A_366 = tpu.memref_slice %arg7[%arg0, %mul3A_364, %dma_start3A_365] : memref<2x10000x64xf32, #tpu.memory_space<hbm>> -> memref<1x40x64xf32, #tpu.memory_space<hbm>>
        %dma_start3A_367 = tpu.memref_squeeze %dma_start3A_366 : memref<1x40x64xf32, #tpu.memory_space<hbm>> -> memref<40x64xf32, #tpu.memory_space<hbm>>
        %dma_start3A_368 = arith.constant 0 : i32
        %dma_start3A_369 = tpu.memref_slice %arg7[%arg0, %mul3A_364, %dma_start3A_368] : memref<2x10000x64xf32, #tpu.memory_space<hbm>> -> memref<1x40x64xf32, #tpu.memory_space<hbm>>
        %dma_start3A_370 = tpu.memref_squeeze %dma_start3A_369 : memref<1x40x64xf32, #tpu.memory_space<hbm>> -> memref<40x64xf32, #tpu.memory_space<hbm>>
        tpu.enqueue_dma source(%arg22 : memref<40x64xf32, #tpu.memory_space<vmem>>) target(%dma_start3A_370 : memref<40x64xf32, #tpu.memory_space<hbm>>) target_semaphore(%run_scoped3A : memref<!tpu.dma_semaphore, #tpu.memory_space<semaphore_mem>>)
        %dma_wait3A_371 = arith.constant 0 : i32
        %dma_wait3A_372 = tpu.memref_slice %arg7[%arg0, %mul3A_364, %dma_wait3A_371] : memref<2x10000x64xf32, #tpu.memory_space<hbm>> -> memref<1x40x64xf32, #tpu.memory_space<hbm>>
        %dma_wait3A_373 = tpu.memref_squeeze %dma_wait3A_372 : memref<1x40x64xf32, #tpu.memory_space<hbm>> -> memref<40x64xf32, #tpu.memory_space<hbm>>
        %dma_wait3A_374 = arith.constant 0 : i32
        %dma_wait3A_375 = tpu.memref_slice %arg7[%arg0, %mul3A_364, %dma_wait3A_374] : memref<2x10000x64xf32, #tpu.memory_space<hbm>> -> memref<1x40x64xf32, #tpu.memory_space<hbm>>
        %dma_wait3A_376 = tpu.memref_squeeze %dma_wait3A_375 : memref<1x40x64xf32, #tpu.memory_space<hbm>> -> memref<40x64xf32, #tpu.memory_space<hbm>>
        tpu.wait_dma2 semaphore(%run_scoped3A : memref<!tpu.dma_semaphore, #tpu.memory_space<semaphore_mem>>) src(%arg22 : memref<40x64xf32, #tpu.memory_space<vmem>>) dst(%dma_wait3A_376 : memref<40x64xf32, #tpu.memory_space<hbm>>)
        tpu.yield
      }) : () -> ()
    } else {
    }
    %add3A_326 = arith.constant 176 : i32
    %add3A_327 = arith.addi %add3A_326, %arg1 : i32
    %lt3A_328 = arith.constant 250 : i32
    %lt3A_329 = arith.cmpi slt, %add3A_327, %lt3A_328 : i32
    %convert_element_type3A_330 = arith.extui %lt3A_329 : i1 to i32
    %cond3A_331 = arith.constant 0 : i32
    %cond3A_332 = arith.cmpi ne, %convert_element_type3A_330, %cond3A_331 : i32
    scf.if %cond3A_332 {
      %mul3A_361 = arith.constant 40 : i32
      %mul3A_362 = arith.muli %add3A_327, %mul3A_361 : i32
      "tpu.region"() ({
        %run_scoped3A = tpu.sem_alloc : memref<!tpu.dma_semaphore, #tpu.memory_space<semaphore_mem>>
        %dma_start3A_365 = arith.constant 0 : i32
        %dma_start3A_366 = tpu.memref_slice %arg23[%mul3A_362, %dma_start3A_365] : memref<10000x64xf32, #tpu.memory_space<vmem_shared>> -> memref<40x64xf32, #tpu.memory_space<vmem_shared>>
        %dma_start3A_367 = arith.constant 0 : i32
        %dma_start3A_368 = tpu.memref_slice %arg23[%mul3A_362, %dma_start3A_367] : memref<10000x64xf32, #tpu.memory_space<vmem_shared>> -> memref<40x64xf32, #tpu.memory_space<vmem_shared>>
        tpu.enqueue_dma source(%dma_start3A_368 : memref<40x64xf32, #tpu.memory_space<vmem_shared>>) target(%arg22 : memref<40x64xf32, #tpu.memory_space<vmem>>) target_semaphore(%run_scoped3A : memref<!tpu.dma_semaphore, #tpu.memory_space<semaphore_mem>>)
        %dma_wait3A_369 = arith.constant 0 : i32
        %dma_wait3A_370 = tpu.memref_slice %arg23[%mul3A_362, %dma_wait3A_369] : memref<10000x64xf32, #tpu.memory_space<vmem_shared>> -> memref<40x64xf32, #tpu.memory_space<vmem_shared>>
        %dma_wait3A_371 = arith.constant 0 : i32
        %dma_wait3A_372 = tpu.memref_slice %arg23[%mul3A_362, %dma_wait3A_371] : memref<10000x64xf32, #tpu.memory_space<vmem_shared>> -> memref<40x64xf32, #tpu.memory_space<vmem_shared>>
        tpu.wait_dma2 semaphore(%run_scoped3A : memref<!tpu.dma_semaphore, #tpu.memory_space<semaphore_mem>>) src(%dma_wait3A_372 : memref<40x64xf32, #tpu.memory_space<vmem_shared>>) dst(%arg22 : memref<40x64xf32, #tpu.memory_space<vmem>>)
        tpu.yield
      }) : () -> ()
      %mul3A_363 = arith.constant 40 : i32
      %mul3A_364 = arith.muli %add3A_327, %mul3A_363 : i32
      "tpu.region"() ({
        %run_scoped3A = tpu.sem_alloc : memref<!tpu.dma_semaphore, #tpu.memory_space<semaphore_mem>>
        %dma_start3A_365 = arith.constant 0 : i32
        %dma_start3A_366 = tpu.memref_slice %arg7[%arg0, %mul3A_364, %dma_start3A_365] : memref<2x10000x64xf32, #tpu.memory_space<hbm>> -> memref<1x40x64xf32, #tpu.memory_space<hbm>>
        %dma_start3A_367 = tpu.memref_squeeze %dma_start3A_366 : memref<1x40x64xf32, #tpu.memory_space<hbm>> -> memref<40x64xf32, #tpu.memory_space<hbm>>
        %dma_start3A_368 = arith.constant 0 : i32
        %dma_start3A_369 = tpu.memref_slice %arg7[%arg0, %mul3A_364, %dma_start3A_368] : memref<2x10000x64xf32, #tpu.memory_space<hbm>> -> memref<1x40x64xf32, #tpu.memory_space<hbm>>
        %dma_start3A_370 = tpu.memref_squeeze %dma_start3A_369 : memref<1x40x64xf32, #tpu.memory_space<hbm>> -> memref<40x64xf32, #tpu.memory_space<hbm>>
        tpu.enqueue_dma source(%arg22 : memref<40x64xf32, #tpu.memory_space<vmem>>) target(%dma_start3A_370 : memref<40x64xf32, #tpu.memory_space<hbm>>) target_semaphore(%run_scoped3A : memref<!tpu.dma_semaphore, #tpu.memory_space<semaphore_mem>>)
        %dma_wait3A_371 = arith.constant 0 : i32
        %dma_wait3A_372 = tpu.memref_slice %arg7[%arg0, %mul3A_364, %dma_wait3A_371] : memref<2x10000x64xf32, #tpu.memory_space<hbm>> -> memref<1x40x64xf32, #tpu.memory_space<hbm>>
        %dma_wait3A_373 = tpu.memref_squeeze %dma_wait3A_372 : memref<1x40x64xf32, #tpu.memory_space<hbm>> -> memref<40x64xf32, #tpu.memory_space<hbm>>
        %dma_wait3A_374 = arith.constant 0 : i32
        %dma_wait3A_375 = tpu.memref_slice %arg7[%arg0, %mul3A_364, %dma_wait3A_374] : memref<2x10000x64xf32, #tpu.memory_space<hbm>> -> memref<1x40x64xf32, #tpu.memory_space<hbm>>
        %dma_wait3A_376 = tpu.memref_squeeze %dma_wait3A_375 : memref<1x40x64xf32, #tpu.memory_space<hbm>> -> memref<40x64xf32, #tpu.memory_space<hbm>>
        tpu.wait_dma2 semaphore(%run_scoped3A : memref<!tpu.dma_semaphore, #tpu.memory_space<semaphore_mem>>) src(%arg22 : memref<40x64xf32, #tpu.memory_space<vmem>>) dst(%dma_wait3A_376 : memref<40x64xf32, #tpu.memory_space<hbm>>)
        tpu.yield
      }) : () -> ()
    } else {
    }
    %add3A_333 = arith.constant 192 : i32
    %add3A_334 = arith.addi %add3A_333, %arg1 : i32
    %lt3A_335 = arith.constant 250 : i32
    %lt3A_336 = arith.cmpi slt, %add3A_334, %lt3A_335 : i32
    %convert_element_type3A_337 = arith.extui %lt3A_336 : i1 to i32
    %cond3A_338 = arith.constant 0 : i32
    %cond3A_339 = arith.cmpi ne, %convert_element_type3A_337, %cond3A_338 : i32
    scf.if %cond3A_339 {
      %mul3A_361 = arith.constant 40 : i32
      %mul3A_362 = arith.muli %add3A_334, %mul3A_361 : i32
      "tpu.region"() ({
        %run_scoped3A = tpu.sem_alloc : memref<!tpu.dma_semaphore, #tpu.memory_space<semaphore_mem>>
        %dma_start3A_365 = arith.constant 0 : i32
        %dma_start3A_366 = tpu.memref_slice %arg23[%mul3A_362, %dma_start3A_365] : memref<10000x64xf32, #tpu.memory_space<vmem_shared>> -> memref<40x64xf32, #tpu.memory_space<vmem_shared>>
        %dma_start3A_367 = arith.constant 0 : i32
        %dma_start3A_368 = tpu.memref_slice %arg23[%mul3A_362, %dma_start3A_367] : memref<10000x64xf32, #tpu.memory_space<vmem_shared>> -> memref<40x64xf32, #tpu.memory_space<vmem_shared>>
        tpu.enqueue_dma source(%dma_start3A_368 : memref<40x64xf32, #tpu.memory_space<vmem_shared>>) target(%arg22 : memref<40x64xf32, #tpu.memory_space<vmem>>) target_semaphore(%run_scoped3A : memref<!tpu.dma_semaphore, #tpu.memory_space<semaphore_mem>>)
        %dma_wait3A_369 = arith.constant 0 : i32
        %dma_wait3A_370 = tpu.memref_slice %arg23[%mul3A_362, %dma_wait3A_369] : memref<10000x64xf32, #tpu.memory_space<vmem_shared>> -> memref<40x64xf32, #tpu.memory_space<vmem_shared>>
        %dma_wait3A_371 = arith.constant 0 : i32
        %dma_wait3A_372 = tpu.memref_slice %arg23[%mul3A_362, %dma_wait3A_371] : memref<10000x64xf32, #tpu.memory_space<vmem_shared>> -> memref<40x64xf32, #tpu.memory_space<vmem_shared>>
        tpu.wait_dma2 semaphore(%run_scoped3A : memref<!tpu.dma_semaphore, #tpu.memory_space<semaphore_mem>>) src(%dma_wait3A_372 : memref<40x64xf32, #tpu.memory_space<vmem_shared>>) dst(%arg22 : memref<40x64xf32, #tpu.memory_space<vmem>>)
        tpu.yield
      }) : () -> ()
      %mul3A_363 = arith.constant 40 : i32
      %mul3A_364 = arith.muli %add3A_334, %mul3A_363 : i32
      "tpu.region"() ({
        %run_scoped3A = tpu.sem_alloc : memref<!tpu.dma_semaphore, #tpu.memory_space<semaphore_mem>>
        %dma_start3A_365 = arith.constant 0 : i32
        %dma_start3A_366 = tpu.memref_slice %arg7[%arg0, %mul3A_364, %dma_start3A_365] : memref<2x10000x64xf32, #tpu.memory_space<hbm>> -> memref<1x40x64xf32, #tpu.memory_space<hbm>>
        %dma_start3A_367 = tpu.memref_squeeze %dma_start3A_366 : memref<1x40x64xf32, #tpu.memory_space<hbm>> -> memref<40x64xf32, #tpu.memory_space<hbm>>
        %dma_start3A_368 = arith.constant 0 : i32
        %dma_start3A_369 = tpu.memref_slice %arg7[%arg0, %mul3A_364, %dma_start3A_368] : memref<2x10000x64xf32, #tpu.memory_space<hbm>> -> memref<1x40x64xf32, #tpu.memory_space<hbm>>
        %dma_start3A_370 = tpu.memref_squeeze %dma_start3A_369 : memref<1x40x64xf32, #tpu.memory_space<hbm>> -> memref<40x64xf32, #tpu.memory_space<hbm>>
        tpu.enqueue_dma source(%arg22 : memref<40x64xf32, #tpu.memory_space<vmem>>) target(%dma_start3A_370 : memref<40x64xf32, #tpu.memory_space<hbm>>) target_semaphore(%run_scoped3A : memref<!tpu.dma_semaphore, #tpu.memory_space<semaphore_mem>>)
        %dma_wait3A_371 = arith.constant 0 : i32
        %dma_wait3A_372 = tpu.memref_slice %arg7[%arg0, %mul3A_364, %dma_wait3A_371] : memref<2x10000x64xf32, #tpu.memory_space<hbm>> -> memref<1x40x64xf32, #tpu.memory_space<hbm>>
        %dma_wait3A_373 = tpu.memref_squeeze %dma_wait3A_372 : memref<1x40x64xf32, #tpu.memory_space<hbm>> -> memref<40x64xf32, #tpu.memory_space<hbm>>
        %dma_wait3A_374 = arith.constant 0 : i32
        %dma_wait3A_375 = tpu.memref_slice %arg7[%arg0, %mul3A_364, %dma_wait3A_374] : memref<2x10000x64xf32, #tpu.memory_space<hbm>> -> memref<1x40x64xf32, #tpu.memory_space<hbm>>
        %dma_wait3A_376 = tpu.memref_squeeze %dma_wait3A_375 : memref<1x40x64xf32, #tpu.memory_space<hbm>> -> memref<40x64xf32, #tpu.memory_space<hbm>>
        tpu.wait_dma2 semaphore(%run_scoped3A : memref<!tpu.dma_semaphore, #tpu.memory_space<semaphore_mem>>) src(%arg22 : memref<40x64xf32, #tpu.memory_space<vmem>>) dst(%dma_wait3A_376 : memref<40x64xf32, #tpu.memory_space<hbm>>)
        tpu.yield
      }) : () -> ()
    } else {
    }
    %add3A_340 = arith.constant 208 : i32
    %add3A_341 = arith.addi %add3A_340, %arg1 : i32
    %lt3A_342 = arith.constant 250 : i32
    %lt3A_343 = arith.cmpi slt, %add3A_341, %lt3A_342 : i32
    %convert_element_type3A_344 = arith.extui %lt3A_343 : i1 to i32
    %cond3A_345 = arith.constant 0 : i32
    %cond3A_346 = arith.cmpi ne, %convert_element_type3A_344, %cond3A_345 : i32
    scf.if %cond3A_346 {
      %mul3A_361 = arith.constant 40 : i32
      %mul3A_362 = arith.muli %add3A_341, %mul3A_361 : i32
      "tpu.region"() ({
        %run_scoped3A = tpu.sem_alloc : memref<!tpu.dma_semaphore, #tpu.memory_space<semaphore_mem>>
        %dma_start3A_365 = arith.constant 0 : i32
        %dma_start3A_366 = tpu.memref_slice %arg23[%mul3A_362, %dma_start3A_365] : memref<10000x64xf32, #tpu.memory_space<vmem_shared>> -> memref<40x64xf32, #tpu.memory_space<vmem_shared>>
        %dma_start3A_367 = arith.constant 0 : i32
        %dma_start3A_368 = tpu.memref_slice %arg23[%mul3A_362, %dma_start3A_367] : memref<10000x64xf32, #tpu.memory_space<vmem_shared>> -> memref<40x64xf32, #tpu.memory_space<vmem_shared>>
        tpu.enqueue_dma source(%dma_start3A_368 : memref<40x64xf32, #tpu.memory_space<vmem_shared>>) target(%arg22 : memref<40x64xf32, #tpu.memory_space<vmem>>) target_semaphore(%run_scoped3A : memref<!tpu.dma_semaphore, #tpu.memory_space<semaphore_mem>>)
        %dma_wait3A_369 = arith.constant 0 : i32
        %dma_wait3A_370 = tpu.memref_slice %arg23[%mul3A_362, %dma_wait3A_369] : memref<10000x64xf32, #tpu.memory_space<vmem_shared>> -> memref<40x64xf32, #tpu.memory_space<vmem_shared>>
        %dma_wait3A_371 = arith.constant 0 : i32
        %dma_wait3A_372 = tpu.memref_slice %arg23[%mul3A_362, %dma_wait3A_371] : memref<10000x64xf32, #tpu.memory_space<vmem_shared>> -> memref<40x64xf32, #tpu.memory_space<vmem_shared>>
        tpu.wait_dma2 semaphore(%run_scoped3A : memref<!tpu.dma_semaphore, #tpu.memory_space<semaphore_mem>>) src(%dma_wait3A_372 : memref<40x64xf32, #tpu.memory_space<vmem_shared>>) dst(%arg22 : memref<40x64xf32, #tpu.memory_space<vmem>>)
        tpu.yield
      }) : () -> ()
      %mul3A_363 = arith.constant 40 : i32
      %mul3A_364 = arith.muli %add3A_341, %mul3A_363 : i32
      "tpu.region"() ({
        %run_scoped3A = tpu.sem_alloc : memref<!tpu.dma_semaphore, #tpu.memory_space<semaphore_mem>>
        %dma_start3A_365 = arith.constant 0 : i32
        %dma_start3A_366 = tpu.memref_slice %arg7[%arg0, %mul3A_364, %dma_start3A_365] : memref<2x10000x64xf32, #tpu.memory_space<hbm>> -> memref<1x40x64xf32, #tpu.memory_space<hbm>>
        %dma_start3A_367 = tpu.memref_squeeze %dma_start3A_366 : memref<1x40x64xf32, #tpu.memory_space<hbm>> -> memref<40x64xf32, #tpu.memory_space<hbm>>
        %dma_start3A_368 = arith.constant 0 : i32
        %dma_start3A_369 = tpu.memref_slice %arg7[%arg0, %mul3A_364, %dma_start3A_368] : memref<2x10000x64xf32, #tpu.memory_space<hbm>> -> memref<1x40x64xf32, #tpu.memory_space<hbm>>
        %dma_start3A_370 = tpu.memref_squeeze %dma_start3A_369 : memref<1x40x64xf32, #tpu.memory_space<hbm>> -> memref<40x64xf32, #tpu.memory_space<hbm>>
        tpu.enqueue_dma source(%arg22 : memref<40x64xf32, #tpu.memory_space<vmem>>) target(%dma_start3A_370 : memref<40x64xf32, #tpu.memory_space<hbm>>) target_semaphore(%run_scoped3A : memref<!tpu.dma_semaphore, #tpu.memory_space<semaphore_mem>>)
        %dma_wait3A_371 = arith.constant 0 : i32
        %dma_wait3A_372 = tpu.memref_slice %arg7[%arg0, %mul3A_364, %dma_wait3A_371] : memref<2x10000x64xf32, #tpu.memory_space<hbm>> -> memref<1x40x64xf32, #tpu.memory_space<hbm>>
        %dma_wait3A_373 = tpu.memref_squeeze %dma_wait3A_372 : memref<1x40x64xf32, #tpu.memory_space<hbm>> -> memref<40x64xf32, #tpu.memory_space<hbm>>
        %dma_wait3A_374 = arith.constant 0 : i32
        %dma_wait3A_375 = tpu.memref_slice %arg7[%arg0, %mul3A_364, %dma_wait3A_374] : memref<2x10000x64xf32, #tpu.memory_space<hbm>> -> memref<1x40x64xf32, #tpu.memory_space<hbm>>
        %dma_wait3A_376 = tpu.memref_squeeze %dma_wait3A_375 : memref<1x40x64xf32, #tpu.memory_space<hbm>> -> memref<40x64xf32, #tpu.memory_space<hbm>>
        tpu.wait_dma2 semaphore(%run_scoped3A : memref<!tpu.dma_semaphore, #tpu.memory_space<semaphore_mem>>) src(%arg22 : memref<40x64xf32, #tpu.memory_space<vmem>>) dst(%dma_wait3A_376 : memref<40x64xf32, #tpu.memory_space<hbm>>)
        tpu.yield
      }) : () -> ()
    } else {
    }
    %add3A_347 = arith.constant 224 : i32
    %add3A_348 = arith.addi %add3A_347, %arg1 : i32
    %lt3A_349 = arith.constant 250 : i32
    %lt3A_350 = arith.cmpi slt, %add3A_348, %lt3A_349 : i32
    %convert_element_type3A_351 = arith.extui %lt3A_350 : i1 to i32
    %cond3A_352 = arith.constant 0 : i32
    %cond3A_353 = arith.cmpi ne, %convert_element_type3A_351, %cond3A_352 : i32
    scf.if %cond3A_353 {
      %mul3A_361 = arith.constant 40 : i32
      %mul3A_362 = arith.muli %add3A_348, %mul3A_361 : i32
      "tpu.region"() ({
        %run_scoped3A = tpu.sem_alloc : memref<!tpu.dma_semaphore, #tpu.memory_space<semaphore_mem>>
        %dma_start3A_365 = arith.constant 0 : i32
        %dma_start3A_366 = tpu.memref_slice %arg23[%mul3A_362, %dma_start3A_365] : memref<10000x64xf32, #tpu.memory_space<vmem_shared>> -> memref<40x64xf32, #tpu.memory_space<vmem_shared>>
        %dma_start3A_367 = arith.constant 0 : i32
        %dma_start3A_368 = tpu.memref_slice %arg23[%mul3A_362, %dma_start3A_367] : memref<10000x64xf32, #tpu.memory_space<vmem_shared>> -> memref<40x64xf32, #tpu.memory_space<vmem_shared>>
        tpu.enqueue_dma source(%dma_start3A_368 : memref<40x64xf32, #tpu.memory_space<vmem_shared>>) target(%arg22 : memref<40x64xf32, #tpu.memory_space<vmem>>) target_semaphore(%run_scoped3A : memref<!tpu.dma_semaphore, #tpu.memory_space<semaphore_mem>>)
        %dma_wait3A_369 = arith.constant 0 : i32
        %dma_wait3A_370 = tpu.memref_slice %arg23[%mul3A_362, %dma_wait3A_369] : memref<10000x64xf32, #tpu.memory_space<vmem_shared>> -> memref<40x64xf32, #tpu.memory_space<vmem_shared>>
        %dma_wait3A_371 = arith.constant 0 : i32
        %dma_wait3A_372 = tpu.memref_slice %arg23[%mul3A_362, %dma_wait3A_371] : memref<10000x64xf32, #tpu.memory_space<vmem_shared>> -> memref<40x64xf32, #tpu.memory_space<vmem_shared>>
        tpu.wait_dma2 semaphore(%run_scoped3A : memref<!tpu.dma_semaphore, #tpu.memory_space<semaphore_mem>>) src(%dma_wait3A_372 : memref<40x64xf32, #tpu.memory_space<vmem_shared>>) dst(%arg22 : memref<40x64xf32, #tpu.memory_space<vmem>>)
        tpu.yield
      }) : () -> ()
      %mul3A_363 = arith.constant 40 : i32
      %mul3A_364 = arith.muli %add3A_348, %mul3A_363 : i32
      "tpu.region"() ({
        %run_scoped3A = tpu.sem_alloc : memref<!tpu.dma_semaphore, #tpu.memory_space<semaphore_mem>>
        %dma_start3A_365 = arith.constant 0 : i32
        %dma_start3A_366 = tpu.memref_slice %arg7[%arg0, %mul3A_364, %dma_start3A_365] : memref<2x10000x64xf32, #tpu.memory_space<hbm>> -> memref<1x40x64xf32, #tpu.memory_space<hbm>>
        %dma_start3A_367 = tpu.memref_squeeze %dma_start3A_366 : memref<1x40x64xf32, #tpu.memory_space<hbm>> -> memref<40x64xf32, #tpu.memory_space<hbm>>
        %dma_start3A_368 = arith.constant 0 : i32
        %dma_start3A_369 = tpu.memref_slice %arg7[%arg0, %mul3A_364, %dma_start3A_368] : memref<2x10000x64xf32, #tpu.memory_space<hbm>> -> memref<1x40x64xf32, #tpu.memory_space<hbm>>
        %dma_start3A_370 = tpu.memref_squeeze %dma_start3A_369 : memref<1x40x64xf32, #tpu.memory_space<hbm>> -> memref<40x64xf32, #tpu.memory_space<hbm>>
        tpu.enqueue_dma source(%arg22 : memref<40x64xf32, #tpu.memory_space<vmem>>) target(%dma_start3A_370 : memref<40x64xf32, #tpu.memory_space<hbm>>) target_semaphore(%run_scoped3A : memref<!tpu.dma_semaphore, #tpu.memory_space<semaphore_mem>>)
        %dma_wait3A_371 = arith.constant 0 : i32
        %dma_wait3A_372 = tpu.memref_slice %arg7[%arg0, %mul3A_364, %dma_wait3A_371] : memref<2x10000x64xf32, #tpu.memory_space<hbm>> -> memref<1x40x64xf32, #tpu.memory_space<hbm>>
        %dma_wait3A_373 = tpu.memref_squeeze %dma_wait3A_372 : memref<1x40x64xf32, #tpu.memory_space<hbm>> -> memref<40x64xf32, #tpu.memory_space<hbm>>
        %dma_wait3A_374 = arith.constant 0 : i32
        %dma_wait3A_375 = tpu.memref_slice %arg7[%arg0, %mul3A_364, %dma_wait3A_374] : memref<2x10000x64xf32, #tpu.memory_space<hbm>> -> memref<1x40x64xf32, #tpu.memory_space<hbm>>
        %dma_wait3A_376 = tpu.memref_squeeze %dma_wait3A_375 : memref<1x40x64xf32, #tpu.memory_space<hbm>> -> memref<40x64xf32, #tpu.memory_space<hbm>>
        tpu.wait_dma2 semaphore(%run_scoped3A : memref<!tpu.dma_semaphore, #tpu.memory_space<semaphore_mem>>) src(%arg22 : memref<40x64xf32, #tpu.memory_space<vmem>>) dst(%dma_wait3A_376 : memref<40x64xf32, #tpu.memory_space<hbm>>)
        tpu.yield
      }) : () -> ()
    } else {
    }
    %add3A_354 = arith.constant 240 : i32
    %add3A_355 = arith.addi %add3A_354, %arg1 : i32
    %lt3A_356 = arith.constant 250 : i32
    %lt3A_357 = arith.cmpi slt, %add3A_355, %lt3A_356 : i32
    %convert_element_type3A_358 = arith.extui %lt3A_357 : i1 to i32
    %cond3A_359 = arith.constant 0 : i32
    %cond3A_360 = arith.cmpi ne, %convert_element_type3A_358, %cond3A_359 : i32
    scf.if %cond3A_360 {
      %mul3A_361 = arith.constant 40 : i32
      %mul3A_362 = arith.muli %add3A_355, %mul3A_361 : i32
      "tpu.region"() ({
        %run_scoped3A = tpu.sem_alloc : memref<!tpu.dma_semaphore, #tpu.memory_space<semaphore_mem>>
        %dma_start3A_365 = arith.constant 0 : i32
        %dma_start3A_366 = tpu.memref_slice %arg23[%mul3A_362, %dma_start3A_365] : memref<10000x64xf32, #tpu.memory_space<vmem_shared>> -> memref<40x64xf32, #tpu.memory_space<vmem_shared>>
        %dma_start3A_367 = arith.constant 0 : i32
        %dma_start3A_368 = tpu.memref_slice %arg23[%mul3A_362, %dma_start3A_367] : memref<10000x64xf32, #tpu.memory_space<vmem_shared>> -> memref<40x64xf32, #tpu.memory_space<vmem_shared>>
        tpu.enqueue_dma source(%dma_start3A_368 : memref<40x64xf32, #tpu.memory_space<vmem_shared>>) target(%arg22 : memref<40x64xf32, #tpu.memory_space<vmem>>) target_semaphore(%run_scoped3A : memref<!tpu.dma_semaphore, #tpu.memory_space<semaphore_mem>>)
        %dma_wait3A_369 = arith.constant 0 : i32
        %dma_wait3A_370 = tpu.memref_slice %arg23[%mul3A_362, %dma_wait3A_369] : memref<10000x64xf32, #tpu.memory_space<vmem_shared>> -> memref<40x64xf32, #tpu.memory_space<vmem_shared>>
        %dma_wait3A_371 = arith.constant 0 : i32
        %dma_wait3A_372 = tpu.memref_slice %arg23[%mul3A_362, %dma_wait3A_371] : memref<10000x64xf32, #tpu.memory_space<vmem_shared>> -> memref<40x64xf32, #tpu.memory_space<vmem_shared>>
        tpu.wait_dma2 semaphore(%run_scoped3A : memref<!tpu.dma_semaphore, #tpu.memory_space<semaphore_mem>>) src(%dma_wait3A_372 : memref<40x64xf32, #tpu.memory_space<vmem_shared>>) dst(%arg22 : memref<40x64xf32, #tpu.memory_space<vmem>>)
        tpu.yield
      }) : () -> ()
      %mul3A_363 = arith.constant 40 : i32
      %mul3A_364 = arith.muli %add3A_355, %mul3A_363 : i32
      "tpu.region"() ({
        %run_scoped3A = tpu.sem_alloc : memref<!tpu.dma_semaphore, #tpu.memory_space<semaphore_mem>>
        %dma_start3A_365 = arith.constant 0 : i32
        %dma_start3A_366 = tpu.memref_slice %arg7[%arg0, %mul3A_364, %dma_start3A_365] : memref<2x10000x64xf32, #tpu.memory_space<hbm>> -> memref<1x40x64xf32, #tpu.memory_space<hbm>>
        %dma_start3A_367 = tpu.memref_squeeze %dma_start3A_366 : memref<1x40x64xf32, #tpu.memory_space<hbm>> -> memref<40x64xf32, #tpu.memory_space<hbm>>
        %dma_start3A_368 = arith.constant 0 : i32
        %dma_start3A_369 = tpu.memref_slice %arg7[%arg0, %mul3A_364, %dma_start3A_368] : memref<2x10000x64xf32, #tpu.memory_space<hbm>> -> memref<1x40x64xf32, #tpu.memory_space<hbm>>
        %dma_start3A_370 = tpu.memref_squeeze %dma_start3A_369 : memref<1x40x64xf32, #tpu.memory_space<hbm>> -> memref<40x64xf32, #tpu.memory_space<hbm>>
        tpu.enqueue_dma source(%arg22 : memref<40x64xf32, #tpu.memory_space<vmem>>) target(%dma_start3A_370 : memref<40x64xf32, #tpu.memory_space<hbm>>) target_semaphore(%run_scoped3A : memref<!tpu.dma_semaphore, #tpu.memory_space<semaphore_mem>>)
        %dma_wait3A_371 = arith.constant 0 : i32
        %dma_wait3A_372 = tpu.memref_slice %arg7[%arg0, %mul3A_364, %dma_wait3A_371] : memref<2x10000x64xf32, #tpu.memory_space<hbm>> -> memref<1x40x64xf32, #tpu.memory_space<hbm>>
        %dma_wait3A_373 = tpu.memref_squeeze %dma_wait3A_372 : memref<1x40x64xf32, #tpu.memory_space<hbm>> -> memref<40x64xf32, #tpu.memory_space<hbm>>
        %dma_wait3A_374 = arith.constant 0 : i32
        %dma_wait3A_375 = tpu.memref_slice %arg7[%arg0, %mul3A_364, %dma_wait3A_374] : memref<2x10000x64xf32, #tpu.memory_space<hbm>> -> memref<1x40x64xf32, #tpu.memory_space<hbm>>
        %dma_wait3A_376 = tpu.memref_squeeze %dma_wait3A_375 : memref<1x40x64xf32, #tpu.memory_space<hbm>> -> memref<40x64xf32, #tpu.memory_space<hbm>>
        tpu.wait_dma2 semaphore(%run_scoped3A : memref<!tpu.dma_semaphore, #tpu.memory_space<semaphore_mem>>) src(%arg22 : memref<40x64xf32, #tpu.memory_space<vmem>>) dst(%dma_wait3A_376 : memref<40x64xf32, #tpu.memory_space<hbm>>)
        tpu.yield
      }) : () -> ()
    } else {
    }
    return
  }
}

module attributes {stable_mosaic.version = 14 : i64} {
  func.func @_precompute_body(%arg0: i32, %arg1: memref<1000x128xf32, #tpu.memory_space<vmem>>, %arg2: memref<128x16xf32, #tpu.memory_space<vmem>>, %arg3: memref<1000x1xi32, #tpu.memory_space<vmem>>, %arg4: memref<128x384xf32, #tpu.memory_space<vmem>>, %arg5: memref<16x256xf32, #tpu.memory_space<vmem>>, %arg6: memref<1x128xf32, #tpu.memory_space<vmem>>, %arg7: memref<1x128xf32, #tpu.memory_space<vmem>>, %arg8: memref<2x1000x64xf32, #tpu.memory_space<vmem>>, %arg9: memref<2x1000x64xf32, #tpu.memory_space<vmem>>, %arg10: memref<1000x128xf32, #tpu.memory_space<vmem>>) attributes {dimension_semantics = [#tpu.dimension_semantics<arbitrary>], iteration_bounds = array<i64: 10>, scalar_prefetch = 0 : i64, scratch_operands = 0 : i64, tpu.core_type = #tpu.core_type<tc>, window_params = [{transform_indices = @transform_0, window_bounds = array<i64: 1000, 128>}, {pipeline_mode = #tpu.pipeline_mode<synchronous>, transform_indices = @transform_1, window_bounds = array<i64: 128, 16>}, {transform_indices = @transform_2, window_bounds = array<i64: 1000, 1>}, {pipeline_mode = #tpu.pipeline_mode<synchronous>, transform_indices = @transform_3, window_bounds = array<i64: 128, 384>}, {pipeline_mode = #tpu.pipeline_mode<synchronous>, transform_indices = @transform_4, window_bounds = array<i64: 16, 256>}, {pipeline_mode = #tpu.pipeline_mode<synchronous>, transform_indices = @transform_5, window_bounds = array<i64: 1, 128>}, {pipeline_mode = #tpu.pipeline_mode<synchronous>, transform_indices = @transform_6, window_bounds = array<i64: 1, 128>}, {transform_indices = @transform_7, window_bounds = array<i64: 2, 1000, 64>}, {transform_indices = @transform_8, window_bounds = array<i64: 2, 1000, 64>}, {transform_indices = @transform_9, window_bounds = array<i64: 1000, 128>}]} {
    %get3A = arith.constant 0 : index
    %get3A_0 = arith.constant 0 : index
    %get3A_1 = vector.load %arg1[%get3A, %get3A_0] : memref<1000x128xf32, #tpu.memory_space<vmem>>, vector<1000x128xf32>
    %get3A_2 = arith.constant 0 : index
    %get3A_3 = arith.constant 0 : index
    %get3A_4 = vector.load %arg3[%get3A_2, %get3A_3] : memref<1000x1xi32, #tpu.memory_space<vmem>>, vector<1000x1xi32>
    %iota3A = tpu.iota {dimensions = array<i32: 1>} : vector<1000x128xi32>
    %eq3A = vector.broadcast %get3A_4 : vector<1000x1xi32> to vector<1000x128xi32>
    %eq3A_5 = arith.cmpi eq, %eq3A, %iota3A : vector<1000x128xi32>
    %convert_element_type3A = arith.extui %eq3A_5 : vector<1000x128xi1> to vector<1000x128xi32>
    %convert_element_type3A_6 = arith.sitofp %convert_element_type3A : vector<1000x128xi32> to vector<1000x128xf32>
    %get3A_7 = arith.constant 0 : index
    %get3A_8 = arith.constant 0 : index
    %get3A_9 = vector.load %arg2[%get3A_7, %get3A_8] : memref<128x16xf32, #tpu.memory_space<vmem>>, vector<128x16xf32>
    %dot_general3A = arith.constant dense<0.000000e+00> : vector<1000x16xf32>
    %dot_general3A_10 = tpu.matmul %convert_element_type3A_6, %get3A_9, %dot_general3A {dimension_numbers = #tpu.dot_dimension_numbers<[1], [0], [0], [1], [0, 0, 1, 1], [], []>, transpose_lhs_hint = false} : vector<1000x128xf32>, vector<128x16xf32>, vector<1000x16xf32> -> vector<1000x16xf32>
    %get3A_11 = arith.constant 0 : index
    %get3A_12 = arith.constant 0 : index
    %get3A_13 = vector.load %arg4[%get3A_11, %get3A_12] : memref<128x384xf32, #tpu.memory_space<vmem>>, vector<128x384xf32>
    %dot_general3A_14 = arith.constant dense<0.000000e+00> : vector<1000x384xf32>
    %dot_general3A_15 = tpu.matmul %get3A_1, %get3A_13, %dot_general3A_14 {dimension_numbers = #tpu.dot_dimension_numbers<[1], [0], [0], [1], [0, 0, 1, 1], [], []>, transpose_lhs_hint = false} : vector<1000x128xf32>, vector<128x384xf32>, vector<1000x384xf32> -> vector<1000x384xf32>
    %get3A_16 = arith.constant 0 : index
    %get3A_17 = arith.constant 0 : index
    %get3A_18 = vector.load %arg5[%get3A_16, %get3A_17] : memref<16x256xf32, #tpu.memory_space<vmem>>, vector<16x256xf32>
    %dot_general3A_19 = arith.constant dense<0.000000e+00> : vector<1000x256xf32>
    %dot_general3A_20 = tpu.matmul %dot_general3A_10, %get3A_18, %dot_general3A_19 {dimension_numbers = #tpu.dot_dimension_numbers<[1], [0], [0], [1], [0, 0, 1, 1], [], []>, transpose_lhs_hint = false} : vector<1000x16xf32>, vector<16x256xf32>, vector<1000x256xf32> -> vector<1000x256xf32>
    %slice3A = vector.extract_strided_slice %dot_general3A_15 {offsets = [0, 0], sizes = [1000, 128], strides = [1, 1]} : vector<1000x384xf32> to vector<1000x128xf32>
    %slice3A_21 = vector.extract_strided_slice %dot_general3A_20 {offsets = [0, 0], sizes = [1000, 128], strides = [1, 1]} : vector<1000x256xf32> to vector<1000x128xf32>
    %add3A = arith.addf %slice3A, %slice3A_21 : vector<1000x128xf32>
    %get3A_22 = arith.constant 0 : index
    %get3A_23 = arith.constant 0 : index
    %get3A_24 = vector.load %arg6[%get3A_22, %get3A_23] : memref<1x128xf32, #tpu.memory_space<vmem>>, vector<1x128xf32>
    %add3A_25 = vector.broadcast %get3A_24 : vector<1x128xf32> to vector<1000x128xf32>
    %add3A_26 = arith.addf %add3A, %add3A_25 : vector<1000x128xf32>
    %slice3A_27 = vector.extract_strided_slice %dot_general3A_15 {offsets = [0, 128], sizes = [1000, 128], strides = [1, 1]} : vector<1000x384xf32> to vector<1000x128xf32>
    %slice3A_28 = vector.extract_strided_slice %dot_general3A_15 {offsets = [0, 256], sizes = [1000, 128], strides = [1, 1]} : vector<1000x384xf32> to vector<1000x128xf32>
    %slice3A_29 = vector.extract_strided_slice %dot_general3A_20 {offsets = [0, 128], sizes = [1000, 128], strides = [1, 1]} : vector<1000x256xf32> to vector<1000x128xf32>
    %add3A_30 = arith.addf %slice3A_28, %slice3A_29 : vector<1000x128xf32>
    %get3A_31 = arith.constant 0 : index
    %get3A_32 = arith.constant 0 : index
    %get3A_33 = vector.load %arg7[%get3A_31, %get3A_32] : memref<1x128xf32, #tpu.memory_space<vmem>>, vector<1x128xf32>
    %add3A_34 = vector.broadcast %get3A_33 : vector<1x128xf32> to vector<1000x128xf32>
    %add3A_35 = arith.addf %add3A_30, %add3A_34 : vector<1000x128xf32>
    %slice3A_36 = vector.extract_strided_slice %add3A_26 {offsets = [0, 0], sizes = [1000, 64], strides = [1, 1]} : vector<1000x128xf32> to vector<1000x64xf32>
    %swap3A = arith.constant 0 : index
    %swap3A_37 = arith.constant 0 : index
    %swap3A_38 = arith.constant 0 : index
    %swap3A_39 = vector.load %arg8[%swap3A, %swap3A_37, %swap3A_38] : memref<2x1000x64xf32, #tpu.memory_space<vmem>>, vector<1x1000x64xf32>
    %swap3A_40 = vector.shape_cast %swap3A_39 : vector<1x1000x64xf32> to vector<1000x64xf32>
    %swap3A_41 = vector.shape_cast %slice3A_36 : vector<1000x64xf32> to vector<1x1000x64xf32>
    tpu.vector_store %arg8[%swap3A, %swap3A_37, %swap3A_38], %swap3A_41 {strides = array<i32>} : memref<2x1000x64xf32, #tpu.memory_space<vmem>>, vector<1x1000x64xf32>,
    %slice3A_42 = vector.extract_strided_slice %add3A_26 {offsets = [0, 64], sizes = [1000, 64], strides = [1, 1]} : vector<1000x128xf32> to vector<1000x64xf32>
    %swap3A_43 = arith.constant 1 : index
    %swap3A_44 = arith.constant 0 : index
    %swap3A_45 = arith.constant 0 : index
    %swap3A_46 = vector.load %arg8[%swap3A_43, %swap3A_44, %swap3A_45] : memref<2x1000x64xf32, #tpu.memory_space<vmem>>, vector<1x1000x64xf32>
    %swap3A_47 = vector.shape_cast %swap3A_46 : vector<1x1000x64xf32> to vector<1000x64xf32>
    %swap3A_48 = vector.shape_cast %slice3A_42 : vector<1000x64xf32> to vector<1x1000x64xf32>
    tpu.vector_store %arg8[%swap3A_43, %swap3A_44, %swap3A_45], %swap3A_48 {strides = array<i32>} : memref<2x1000x64xf32, #tpu.memory_space<vmem>>, vector<1x1000x64xf32>,
    %slice3A_49 = vector.extract_strided_slice %slice3A_27 {offsets = [0, 0], sizes = [1000, 64], strides = [1, 1]} : vector<1000x128xf32> to vector<1000x64xf32>
    %swap3A_50 = arith.constant 0 : index
    %swap3A_51 = arith.constant 0 : index
    %swap3A_52 = arith.constant 0 : index
    %swap3A_53 = vector.load %arg9[%swap3A_50, %swap3A_51, %swap3A_52] : memref<2x1000x64xf32, #tpu.memory_space<vmem>>, vector<1x1000x64xf32>
    %swap3A_54 = vector.shape_cast %swap3A_53 : vector<1x1000x64xf32> to vector<1000x64xf32>
    %swap3A_55 = vector.shape_cast %slice3A_49 : vector<1000x64xf32> to vector<1x1000x64xf32>
    tpu.vector_store %arg9[%swap3A_50, %swap3A_51, %swap3A_52], %swap3A_55 {strides = array<i32>} : memref<2x1000x64xf32, #tpu.memory_space<vmem>>, vector<1x1000x64xf32>,
    %slice3A_56 = vector.extract_strided_slice %slice3A_27 {offsets = [0, 64], sizes = [1000, 64], strides = [1, 1]} : vector<1000x128xf32> to vector<1000x64xf32>
    %swap3A_57 = arith.constant 1 : index
    %swap3A_58 = arith.constant 0 : index
    %swap3A_59 = arith.constant 0 : index
    %swap3A_60 = vector.load %arg9[%swap3A_57, %swap3A_58, %swap3A_59] : memref<2x1000x64xf32, #tpu.memory_space<vmem>>, vector<1x1000x64xf32>
    %swap3A_61 = vector.shape_cast %swap3A_60 : vector<1x1000x64xf32> to vector<1000x64xf32>
    %swap3A_62 = vector.shape_cast %slice3A_56 : vector<1000x64xf32> to vector<1x1000x64xf32>
    tpu.vector_store %arg9[%swap3A_57, %swap3A_58, %swap3A_59], %swap3A_62 {strides = array<i32>} : memref<2x1000x64xf32, #tpu.memory_space<vmem>>, vector<1x1000x64xf32>,
    %swap3A_63 = arith.constant 0 : index
    %swap3A_64 = arith.constant 0 : index
    %swap3A_65 = vector.load %arg10[%swap3A_63, %swap3A_64] : memref<1000x128xf32, #tpu.memory_space<vmem>>, vector<1000x128xf32>
    tpu.vector_store %arg10[%swap3A_63, %swap3A_64], %add3A_35 {strides = array<i32>} : memref<1000x128xf32, #tpu.memory_space<vmem>>, vector<1000x128xf32>,
    return
  }
  func.func @transform_0(%arg0: i32) -> (i32, i32) {
    %c0_i32 = arith.constant 0 : i32
    %c0_i32_0 = arith.constant 0 : i32
    return %arg0, %c0_i32 : i32, i32
  }
  func.func @transform_1(%arg0: i32) -> (i32, i32) {
    %c0_i32 = arith.constant 0 : i32
    %c0_i32_0 = arith.constant 0 : i32
    %c0_i32_1 = arith.constant 0 : i32
    return %c0_i32, %c0_i32_0 : i32, i32
  }
  func.func @transform_2(%arg0: i32) -> (i32, i32) {
    %c0_i32 = arith.constant 0 : i32
    %c0_i32_0 = arith.constant 0 : i32
    return %arg0, %c0_i32 : i32, i32
  }
  func.func @transform_3(%arg0: i32) -> (i32, i32) {
    %c0_i32 = arith.constant 0 : i32
    %c0_i32_0 = arith.constant 0 : i32
    %c0_i32_1 = arith.constant 0 : i32
    return %c0_i32, %c0_i32_0 : i32, i32
  }
  func.func @transform_4(%arg0: i32) -> (i32, i32) {
    %c0_i32 = arith.constant 0 : i32
    %c0_i32_0 = arith.constant 0 : i32
    %c0_i32_1 = arith.constant 0 : i32
    return %c0_i32, %c0_i32_0 : i32, i32
  }
  func.func @transform_5(%arg0: i32) -> (i32, i32) {
    %c0_i32 = arith.constant 0 : i32
    %c0_i32_0 = arith.constant 0 : i32
    %c0_i32_1 = arith.constant 0 : i32
    return %c0_i32, %c0_i32_0 : i32, i32
  }
  func.func @transform_6(%arg0: i32) -> (i32, i32) {
    %c0_i32 = arith.constant 0 : i32
    %c0_i32_0 = arith.constant 0 : i32
    %c0_i32_1 = arith.constant 0 : i32
    return %c0_i32, %c0_i32_0 : i32, i32
  }
  func.func @transform_7(%arg0: i32) -> (i32, i32, i32) {
    %c0_i32 = arith.constant 0 : i32
    %c0_i32_0 = arith.constant 0 : i32
    %c0_i32_1 = arith.constant 0 : i32
    return %c0_i32, %arg0, %c0_i32_0 : i32, i32, i32
  }
  func.func @transform_8(%arg0: i32) -> (i32, i32, i32) {
    %c0_i32 = arith.constant 0 : i32
    %c0_i32_0 = arith.constant 0 : i32
    %c0_i32_1 = arith.constant 0 : i32
    return %c0_i32, %arg0, %c0_i32_0 : i32, i32, i32
  }
  func.func @transform_9(%arg0: i32) -> (i32, i32) {
    %c0_i32 = arith.constant 0 : i32
    %c0_i32_0 = arith.constant 0 : i32
    return %arg0, %c0_i32 : i32, i32
  }
}

module attributes {stable_mosaic.version = 14 : i64} {
  func.func @_ew_body(%arg0: i32, %arg1: memref<16x16000xf32, #tpu.memory_space<vmem>>, %arg2: memref<16x128xf32, #tpu.memory_space<vmem>>, %arg3: memref<16000x128xf32, #tpu.memory_space<vmem>>) attributes {dimension_semantics = [#tpu.dimension_semantics<arbitrary>], iteration_bounds = array<i64: 20>, scalar_prefetch = 0 : i64, scratch_operands = 0 : i64, tpu.core_type = #tpu.core_type<tc>, window_params = [{transform_indices = @transform_0, window_bounds = array<i64: 16, 16000>}, {pipeline_mode = #tpu.pipeline_mode<synchronous>, transform_indices = @transform_1, window_bounds = array<i64: 16, 128>}, {transform_indices = @transform_2, window_bounds = array<i64: 16000, 128>}]} {
    %get3A = arith.constant 0 : index
    %get3A_0 = arith.constant 0 : index
    %get3A_1 = vector.load %arg1[%get3A, %get3A_0] : memref<16x16000xf32, #tpu.memory_space<vmem>>, vector<16x16000xf32>
    %get3A_2 = arith.constant 0 : index
    %get3A_3 = arith.constant 0 : index
    %get3A_4 = vector.load %arg2[%get3A_2, %get3A_3] : memref<16x128xf32, #tpu.memory_space<vmem>>, vector<16x128xf32>
    %dot_general3A = arith.constant dense<0.000000e+00> : vector<16000x128xf32>
    %dot_general3A_5 = tpu.matmul %get3A_1, %get3A_4, %dot_general3A {dimension_numbers = #tpu.dot_dimension_numbers<[0], [0], [1], [1], [0, 1, 1, 1], [], []>, transpose_lhs_hint = false} : vector<16x16000xf32>, vector<16x128xf32>, vector<16000x128xf32> -> vector<16000x128xf32>
    %swap3A = arith.constant 0 : index
    %swap3A_6 = arith.constant 0 : index
    %swap3A_7 = vector.load %arg3[%swap3A, %swap3A_6] : memref<16000x128xf32, #tpu.memory_space<vmem>>, vector<16000x128xf32>
    tpu.vector_store %arg3[%swap3A, %swap3A_6], %dot_general3A_5 {strides = array<i32>} : memref<16000x128xf32, #tpu.memory_space<vmem>>, vector<16000x128xf32>,
    return
  }
  func.func @transform_0(%arg0: i32) -> (i32, i32) {
    %c0_i32 = arith.constant 0 : i32
    %c0_i32_0 = arith.constant 0 : i32
    return %c0_i32, %arg0 : i32, i32
  }
  func.func @transform_1(%arg0: i32) -> (i32, i32) {
    %c0_i32 = arith.constant 0 : i32
    %c0_i32_0 = arith.constant 0 : i32
    %c0_i32_1 = arith.constant 0 : i32
    return %c0_i32, %c0_i32_0 : i32, i32
  }
  func.func @transform_2(%arg0: i32) -> (i32, i32) {
    %c0_i32 = arith.constant 0 : i32
    %c0_i32_0 = arith.constant 0 : i32
    return %arg0, %c0_i32 : i32, i32
  }
}

module attributes {stable_mosaic.version = 14 : i64} {
  func.func @_final_body(%arg0: memref<2x10000x64xf32, #tpu.memory_space<vmem>>, %arg1: memref<10000x128xf32, #tpu.memory_space<vmem>>, %arg2: memref<128x128xf32, #tpu.memory_space<vmem>>, %arg3: memref<10000x128xf32, #tpu.memory_space<vmem>>) attributes {dimension_semantics = [], scalar_prefetch = 0 : i64, scratch_operands = 0 : i64, tpu.core_type = #tpu.core_type<tc>} {
    %get3A = arith.constant 0 : index
    %get3A_0 = arith.constant 0 : index
    %get3A_1 = arith.constant 0 : index
    %get3A_2 = vector.load %arg0[%get3A, %get3A_0, %get3A_1] : memref<2x10000x64xf32, #tpu.memory_space<vmem>>, vector<1x10000x64xf32>
    %get3A_3 = vector.shape_cast %get3A_2 : vector<1x10000x64xf32> to vector<10000x64xf32>
    %get3A_4 = arith.constant 1 : index
    %get3A_5 = arith.constant 0 : index
    %get3A_6 = arith.constant 0 : index
    %get3A_7 = vector.load %arg0[%get3A_4, %get3A_5, %get3A_6] : memref<2x10000x64xf32, #tpu.memory_space<vmem>>, vector<1x10000x64xf32>
    %get3A_8 = vector.shape_cast %get3A_7 : vector<1x10000x64xf32> to vector<10000x64xf32>
    %concatenate3A = tpu.concatenate %get3A_3, %get3A_8 in 1 : vector<10000x64xf32>, vector<10000x64xf32> -> vector<10000x128xf32>
    %get3A_9 = arith.constant 0 : index
    %get3A_10 = arith.constant 0 : index
    %get3A_11 = vector.load %arg2[%get3A_9, %get3A_10] : memref<128x128xf32, #tpu.memory_space<vmem>>, vector<128x128xf32>
    %dot_general3A = arith.constant dense<0.000000e+00> : vector<10000x128xf32>
    %dot_general3A_12 = tpu.matmul %concatenate3A, %get3A_11, %dot_general3A {dimension_numbers = #tpu.dot_dimension_numbers<[1], [0], [0], [1], [0, 0, 1, 1], [], []>, precision = #tpu.contract_precision<fp32>, transpose_lhs_hint = false} : vector<10000x128xf32>, vector<128x128xf32>, vector<10000x128xf32> -> vector<10000x128xf32>
    %get3A_13 = arith.constant 0 : index
    %get3A_14 = arith.constant 0 : index
    %get3A_15 = vector.load %arg1[%get3A_13, %get3A_14] : memref<10000x128xf32, #tpu.memory_space<vmem>>, vector<10000x128xf32>
    %add3A = arith.addf %dot_general3A_12, %get3A_15 : vector<10000x128xf32>
    %max3A = arith.constant 0.000000e+00 : f32
    %max3A_16 = vector.broadcast %max3A : f32 to vector<10000x128xf32>
    %max3A_17 = arith.maximumf %add3A, %max3A_16 : vector<10000x128xf32>
    %swap3A = arith.constant 0 : index
    %swap3A_18 = arith.constant 0 : index
    %swap3A_19 = vector.load %arg3[%swap3A, %swap3A_18] : memref<10000x128xf32, #tpu.memory_space<vmem>>, vector<10000x128xf32>
    tpu.vector_store %arg3[%swap3A, %swap3A_18], %max3A_17 {strides = array<i32>} : memref<10000x128xf32, #tpu.memory_space<vmem>>, vector<10000x128xf32>,
    return
  }
}

</mosaic_0001>

<sc_bundles>
// kernel: kernel.6.cloned.1.call-start
scs
__scs_entry_jumppad:
0x0: {  	(pc) =	sbr.rel $0x88, $3  }
0x1: {  	(tag) =	ssettag $0x0;
	lr =	simm.s32 $0x1  }
0x2: {  	[smem:$0x3F98] =	sst lr;
	_ =	strace $0xD0000000  }
0x3: {  	_ = 	snop  }
0x4: {  	_ = 	snop  }
0x5: {  	_ = 	snop  }
0x6: {  	_ = 	snop  }
0x7: {  	_ = 	snop  }
__scs_overlays_trampoline_lowered:
0x8: {  	[smem:$0x3FA7] =	sst s0  }
0x9: {  	[smem:$0x3FA8] =	sst s1  }
0xa: {  	[smem:$0x3FA9] =	sst s2  }
0xb: {  	[smem:$0x3FAA] =	sst s3  }
0xc: {  	[smem:$0x3FAB] =	sst s4  }
0xd: {  	[smem:$0x3FAC] =	sst s5  }
0xe: {  	[smem:$0x3FAD] =	sst s6  }
0xf: {  	[smem:$0x3FAE] =	sst s7  }
0x10: {  	[smem:$0x3FAF] =	sst s8  }
0x11: {  	[smem:$0x3FB0] =	sst s9;
	s0 =	simm.s32 @!p0 $0x0  }
0x12: {  	s1 =	sld [smem:$0x3F96];
	s0 =	simm.s32 @p0 $0x1  }
0x13: {  	[smem:$0x3FB1] =	sst s0;
	s0 =	simm.s32 @!p1 $0x0  }
0x14: {  	s2 =	sld [smem:$0x3F95];
	s0 =	simm.s32 @p1 $0x1  }
0x15: {  	[smem:$0x3FB2] =	sst s0;
	s0 =	simm.s32 @!p2 $0x0  }
0x16: {  	s3 =	sld [smem:$0x3FDB];
	s0 =	simm.s32 @p2 $0x1  }
0x17: {  	s4 =	simm.s32 $0x1BF5;
	[smem:$0x3FB4] =	sst s0  }
0x18: {  	s0 =	sld [smem:$0x3F97];
	_ =	swait.ge [sflag:s4], $0x0  }
0x19: {  	s7 =	sld [smem:$0x3F98]  }
0x1a: {  	s8 =	sadd.s32 $0xFFFFE003, lr  }
0x1b: {  	s9 =	sadd.s32 $0xFFFFFEF7, lr;
	s5 =	simm.s32 $0xFFFFFFFF;
	p2 =	slt.u32 s8, $0xFFFFF086  }
0x1c: {  	p1 =	slt.u32 s9, $0xF7A;
	s5 =	simm.s32 @!p2 $0x0  }
0x1d: {  	s5 =	simm.s32 @p1 $0x1;
	p0 =	seq.s32 s7, s2  }
0x1e: {  	s7 =	smul.u32 @!p0 $0xF7A, s2;
	p2 =	seq.s32 @!p0 s5, $0x0  }
0x1f: {  	s9 =	smul.u32 $0xF7A, s1;
	s8 =	simm.s32 @!p0 $0x1BF5;
	p2 =	por !p2, p0  }
0x20: {  	[sflag:s8] =	ssyncset.s32 @!p0 $0xFFFFF086;
	s6 =	sadd.s32 @!p0 s3, s7;
	s7 =	simm.s32 @!p0 $0x108  }
0x21: {  	s3 =	sadd.s32 s3, s9;
	s6 =	sadd.s32 @!p0 $0x88, s6;
	s7 =	simm.s32 @p2 $0x1082  }
0x22: {  	[simem:s7], [sflag:s8] =	dma.local @!p0 [hbm:s6], $0xF7A  }
0x23: {  	s9 =	sor.u32 $0xD0000000, s2;
	s6 =	simm.s32 $0x108;
	_ =	swait.ge @!p0 [sflag:s8], $0x0  }
0x24: {  	s3 =	sadd.s32 $0x88, s3;
	s6 =	simm.s32 @!p1 $0x1082;
	[sflag:s4] =	ssyncset.s32 $0xFFFFF086  }
0x25: {  	[simem:s6], [sflag:s4] =	dma.local [hbm:s3], $0xF7A  }
0x26: {  	[smem:$0x3F98] =	sst s1;
	(tag) =	ssettag s2;
	_ =	strace s9  }
0x27: {  	s1 =	sld [smem:$0x3FA8]  }
0x28: {  	s2 =	sld [smem:$0x3FA9]  }
0x29: {  	s4 =	sld [smem:$0x3FAB]  }
0x2a: {  	p0 =	seq.s32 s5, $0x0;
	s5 =	sld [smem:$0x3FAC]  }
0x2b: {  	s6 =	sld [smem:$0x3FAD]  }
0x2c: {  	s7 =	sld [smem:$0x3FAE]  }
0x2d: {  	s3 =	simm.s32 $0x108;
	s8 =	sld [smem:$0x3FAF]  }
0x2e: {  	s3 =	simm.s32 @!p0 $0x1082;
	s9 =	sld [smem:$0x3FB0]  }
0x2f: {  	lr =	sadd.s32 s0, s3;
	s0 =	sld [smem:$0x3FA7]  }
0x30: {  	s3 =	sld [smem:$0x3FAA]  }
0x31: {  	[smem:$0x3FB3] =	sst s10  }
0x32: {  	s10 =	sld [smem:$0x3FB1];
	_ =	sdelay $0x3  }
0x33: {  	p0 =	seq.s32 s10, $0x1;
	s10 =	sld [smem:$0x3FB3];
	_ =	sdelay $0x3  }
0x34: {  	[smem:$0x3FB3] =	sst s10  }
0x35: {  	s10 =	sld [smem:$0x3FB2];
	_ =	sdelay $0x3  }
0x36: {  	p1 =	seq.s32 s10, $0x1;
	s10 =	sld [smem:$0x3FB3];
	_ =	sdelay $0x3  }
0x37: {  	[smem:$0x3FB3] =	sst s10  }
0x38: {  	s10 =	sld [smem:$0x3FB4]  }
0x39: {  	_ = 	snop;
	(pc) =	sbr.ind lr, $3  }
0x3a: {  	_ = 	snop  }
0x3b: {  	_ = 	snop  }
0x3c: {  	p2 =	seq.s32 s10, $0x1;
	s10 =	sld [smem:$0x3FB3]  }
0x3d: {  	_ =	shalt  }
0x3e: {  	_ =	shalt  }
0x3f: {  	_ =	shalt  }
0x40: {  	_ =	shalt  }
0x41: {  	_ =	shalt  }
0x42: {  	_ =	shalt  }
0x43: {  	_ =	shalt  }
0x44: {  	_ =	shalt  }
0x45: {  	_ =	shalt  }
0x46: {  	_ =	shalt  }
0x47: {  	_ =	shalt  }
0x48: {  	_ =	shalt  }
0x49: {  	_ =	shalt  }
0x4a: {  	_ =	shalt  }
0x4b: {  	_ =	shalt  }
0x4c: {  	_ =	shalt  }
0x4d: {  	_ =	shalt  }
0x4e: {  	_ =	shalt  }
0x4f: {  	_ =	shalt  }
0x50: {  	_ =	shalt  }
0x51: {  	_ =	shalt  }
0x52: {  	_ =	shalt  }
0x53: {  	_ =	shalt  }
0x54: {  	_ =	shalt  }
0x55: {  	_ =	shalt  }
0x56: {  	_ =	shalt  }
0x57: {  	_ =	shalt  }
0x58: {  	_ =	shalt  }
0x59: {  	_ =	shalt  }
0x5a: {  	_ =	shalt  }
0x5b: {  	_ =	shalt  }
0x5c: {  	_ =	shalt  }
0x5d: {  	_ =	shalt  }
0x5e: {  	_ =	shalt  }
0x5f: {  	_ =	shalt  }
0x60: {  	_ =	shalt  }
0x61: {  	_ =	shalt  }
0x62: {  	_ =	shalt  }
0x63: {  	_ =	shalt  }
0x64: {  	_ =	shalt  }
0x65: {  	_ =	shalt  }
0x66: {  	_ =	shalt  }
0x67: {  	_ =	shalt  }
0x68: {  	_ =	shalt  }
0x69: {  	_ =	shalt  }
0x6a: {  	_ =	shalt  }
0x6b: {  	_ =	shalt  }
0x6c: {  	_ =	shalt  }
0x6d: {  	_ =	shalt  }
0x6e: {  	_ =	shalt  }
0x6f: {  	_ =	shalt  }
0x70: {  	_ =	shalt  }
0x71: {  	_ =	shalt  }
0x72: {  	_ =	shalt  }
0x73: {  	_ =	shalt  }
0x74: {  	_ =	shalt  }
0x75: {  	_ =	shalt  }
0x76: {  	_ =	shalt  }
0x77: {  	_ =	shalt  }
0x78: {  	_ =	shalt  }
0x79: {  	_ =	shalt  }
0x7a: {  	_ =	shalt  }
0x7b: {  	_ =	shalt  }
0x7c: {  	_ =	shalt  }
0x7d: {  	_ =	shalt  }
0x7e: {  	_ =	shalt  }
0x7f: {  	_ =	shalt  }
0x80: {  	_ =	shalt  }
0x81: {  	_ =	shalt  }
0x82: {  	_ =	shalt  }
0x83: {  	_ =	shalt  }
0x84: {  	_ =	shalt  }
0x85: {  	_ =	shalt  }
0x86: {  	_ =	shalt  }
0x87: {  	_ =	shalt  }
.Lfunc_end0:
.L_simem_size_0:
called_computation_lowered:
.L_overlay_start_0:
0x88: {  	s2 =	sld [smem:$0x3FD9]  }
0x89: {  	s3 =	sld [smem:$0x3FFE];
	_ =	sdelay $0x1  }
0x8a: {  	s1 =	srdreg.scid  }
0x8b: {  	s0 =	sand.u32 $0x1, s1  }
0x8c: {  	s17 =	sshll.u32 s0, $0xA;
	s2 =	sadd.s32 s3, s2  }
0x8d: {  	s2 =	sadd.s32 s2, s17  }
0x8e: {  	[smem:$0x3FBF] =	sst s2  }
0x8f: {  	_ = 	snop  }
0x90: {  	s2 =	sld [smem:$0x3FD0];
	(tm) =	ssettm $0x1  }
0x91: {  	s18 =	sld [smem:$0x3FFB];
	_ =	sdelay $0x3  }
0x92: {  	_ =	strace s18  }
0x93: {  	s3 =	sld [smem:$0x3FFC];
	_ =	sdelay $0x3  }
0x94: {  	_ =	strace s3  }
0x95: {  	s3 =	sld [smem:$0x3FFD];
	_ =	sdelay $0x3  }
0x96: {  	_ =	strace s3  }
0x97: {  	_ =	strace $0x8FFFFFFF  }
0x98: {  	s19 =	sld [smem:$0x3FDB];
	_ =	sdelay $0x1  }
0x99: {  	s4 =	simm.s32 $_scs_section_size  }
0x9a: {  	s5 =	simm.s32 $_size__tile_overlayer_lowered;
	s6 =	simm.s32 $_tile_overlayer_lowered  }
0x9b: {  	s22 =	simm.s32 $0x1BFF;
	s21 =	sshll.u32 s6, $0x1;
	s3 =	sadd.s32 s4, s19  }
0x9c: {  	s7 =	simm.s32 $0x0;
	s20 =	sshll.u32 s5, $0x1;
	s5 =	sadd.s32 s21, s3  }
0x9d: {  	[timem:s7], [sflag:s22] =	dma.local [hbm:s5], s20  }
0x9e: {  	_ =	swait.ge [sflag:s22], s20  }
0x9f: {  	s4 =	ssub.s32 $0x0, s20;
	[sflag:s22] =	ssyncset.done $0x0  }
0xa0: {  	[sflag:s22] =	ssyncadd.s32 s4;
	_ =	sdelay $0x1  }
0xa1: {  	s23 =	simm.s32 $0x1B8B  }
0xa2: {  	_ =	swait.ge [sflag:s23], $0x1  }
0xa3: {  	[sflag:s23] =	ssyncset.done $0x0  }
0xa4: {  	s25 =	simm.s32 $0x1B8E;
	s24 =	sld [smem:$0x3FFE];
	[sflag:s23] =	ssyncadd.s32 $0xFFFFFFFF  }
0xa5: {  	s26 =	simm.s32 $execute0_lowered;
	[smem:$0x3FD2] =	sst s25  }
0xa6: {  	s5 =	sshll.u32 s26, $0x1;
	_ =	strace $0x80000046;
	[dreg:$0x1] =	wrdreg $0xFFFFFFFF  }
0xa7: {  	s28 =	simm.s32 $_size_execute0_lowered;
	s3 =	sadd.s32 s3, s5;
	[dreg:$0x0] =	wrdreg $0x0  }
0xa8: {  	s5 =	sshll.u32 s28, $0x1;
	[dreg:$0x2] =	wrdreg s3  }
0xa9: {  	[dreg:$0x3] =	wrdreg s5  }
0xaa: {  	[dreg:$0x4] =	wrdreg $0xC0  }
0xab: {  	_ =	task [dreg:s7], $0x5FFFF  }
0xac: {  	[dreg:$0x1] =	wrdreg $0xFFFFFFFF  }
0xad: {  	[dreg:$0x0] =	wrdreg $0x60  }
0xae: {  	[dreg:$0x2] =	wrdreg s2  }
0xaf: {  	[dreg:$0x3] =	wrdreg s24  }
0xb0: {  	[dreg:$0x4] =	wrdreg $0x11E400  }
0xb1: {  	[dreg:$0x5] =	wrdreg $0x9  }
0xb2: {  	_ =	task.clear_ibuf [dreg:s7], $0x6FFFF;
	_ =	strace $0x90000046  }
0xb3: {  	s29 =	simm.s32 $0x9;
	_ =	strace $0x80000048  }
0xb4: {  	_ =	swait.ge [sflag:s29], $0x1  }
0xb5: {  	[sflag:s29] =	ssyncadd.s32 $0xFFFFFFFF  }
0xb6: {  	_ =	strace $0x90000048  }
0xb7: {  	_ =	sfence  }
0xb8: {  	s30 =	sld [smem:$0x0];
	_ =	sdelay $0x2  }
0xb9: {  	s31 =	sshll.u32 s1, $0xD;
	s1 =	sshrl.u32 s1, $0x2  }
0xba: {  	s3 =	sand.u32 $0x4000, s31;
	s1 =	sadd.s32 s1, s30  }
0xbb: {  	s0 =	sor.u32 s3, s0;
	s1 =	sshll.u32 s1, $0x11  }
0xbc: {  	s0 =	sor.u32 s1, s0  }
0xbd: {  	s0 =	sadd.s32 $0x8F2B, s0  }
0xbe: {  	[sflag:s0] =	ssyncadd.remote.s32 $0x1  }
0xbf: {  	_ =	sfence.sel $0xFFFF  }
0xc0: {  	[dreg:$0x0] =	wrdreg $0xFFFFFFFF;
	(pc) =	sbr.abs _section_cstart, $3  }
0xc1: {  	[dreg:$0x1] =	wrdreg $0xFFFFFFFF  }
0xc2: {  	_ =	task.clear_ibuf [dreg:s7], $0x2FFFF;
	_ =	strace $0x9FFFFFFF  }
0xc3: {  	(tm) =	ssettm $0x7FFFFFFF  }
tec
execute0_lowered:
.L_overlay_start_1:
0x0: {  	(tag) =	ssettag $0x1  }
0x1: {  	s0 =	srdreg.scid;
	s5 =	stileid.u32  }
0x2: {  	s13 =	sand.u32 $0x1, s0;
	s10 =	smul.u32 $0xA00, s5  }
0x3: {  	s22 =	rddreg [dreg:$0x1];
	s21 =	sor.u32 $0x10, s5;
	s20 =	smul.u32 $0x9C400, s13  }
0x4: {  	s1 =	simm.s32 $0x0;
	s30 =	sor.u32 $0x20, s5;
	s11 =	smul.u32 $0xA00, s21  }
0x5: {  	[smem:$0x7FF] =	sst s1;
	s29 =	sor.u32 $0x30, s5;
	s2 =	smul.u32 $0xA00, s30  }
0x6: {  	s19 =	sadd.s32 $0x3D400, s22;
	s28 =	sor.u32 $0x40, s5;
	s3 =	smul.u32 $0xA00, s29  }
0x7: {  	s26 =	sor.u32 $0x50, s5;
	s12 =	sor.u32 $0x60, s5;
	s16 =	smul.u32 $0xA00, s28  }
0x8: {  	s25 =	sor.u32 $0x70, s5;
	s8 =	sor.u32 $0x90, s5;
	s23 =	smul.u32 $0xA00, s26  }
0x9: {  	s0 =	ssub.s32 $0x2, s13;
	s30 =	smul.u32 $0x2800, s30;
	[smem:$0x7E3] =	sst s10  }
0xa: {  	s29 =	smul.u32 $0x2800, s29;
	s9 =	sshrl.u32 s0, $0x1;
	[smem:$0x7E5] =	sst s11  }
0xb: {  	s26 =	smul.u32 $0x2800, s26;
	s0 =	ssub.s32 s0, s9;
	[smem:$0x7E7] =	sst s2  }
0xc: {  	s14 =	sadd.s32 s20, s11;
	[smem:$0x7E9] =	sst s3;
	s15 =	sadd.s32 s20, s2  }
0xd: {  	[smem:$0x7EB] =	sst s16;
	s18 =	sadd.s32 s20, s3;
	s2 =	sadd.s32 s20, s16  }
0xe: {  	[smem:$0x7ED] =	sst s23;
	s3 =	smul.u32 $0xA00, s25;
	s30 =	sshrl.u32 s30, $0x2  }
0xf: {  	s25 =	smul.u32 $0x2800, s25;
	[smem:$0x7FC] =	sst s0;
	s0 =	sadd.s32 s10, s20  }
0x10: {  	s17 =	sshrl.u32 s15, $0x3;
	s1 =	sshrl.u32 s18, $0x3;
	s31 =	sshrl.u32 s2, $0x3  }
0x11: {  	s2 =	smul.u32 $0xA00, s12;
	s10 =	sor.u32 $0xA0, s5;
	s0 =	sshrl.u32 s0, $0x3  }
0x12: {  	s24 =	sadd.s32 s19, s1;
	s1 =	sadd.s32 s20, s23;
	[smem:$0x7F1] =	sst s3  }
0x13: {  	s7 =	sadd.s32 s20, s3;
	s15 =	smul.u32 $0xA00, s10;
	[dreg:$0x7] =	wrdreg s24  }
0x14: {  	s3 =	sor.u32 $0xC0, s5;
	s0 =	sadd.s32 s19, s0;
	[smem:$0x7EF] =	sst s2  }
0x15: {  	s4 =	sadd.s32 s20, s2;
	[dreg:$0x4] =	wrdreg s0;
	s0 =	sshrl.u32 s14, $0x3  }
0x16: {  	s14 =	smul.u32 $0xA00, s8;
	s18 =	sadd.s32 s20, s15;
	s0 =	sadd.s32 s19, s0  }
0x17: {  	s8 =	smul.u32 $0x2800, s8;
	[dreg:$0x5] =	wrdreg s0;
	s0 =	sadd.s32 s19, s17  }
0x18: {  	s17 =	sadd.s32 s20, s14;
	[dreg:$0x6] =	wrdreg s0;
	s0 =	sadd.s32 s19, s31  }
0x19: {  	s31 =	sor.u32 $0x80, s5;
	[dreg:$0x8] =	wrdreg s0;
	s0 =	sshrl.u32 s1, $0x3  }
0x1a: {  	s6 =	smul.u32 $0xA00, s31;
	s1 =	sshrl.u32 s7, $0x3;
	s0 =	sadd.s32 s19, s0  }
0x1b: {  	s7 =	sor.u32 $0xB0, s5;
	s11 =	sadd.s32 s19, s1;
	[dreg:$0x9] =	wrdreg s0  }
0x1c: {  	s1 =	sshrl.u32 s18, $0x3;
	[smem:$0x7F3] =	sst s6;
	s0 =	sshrl.u32 s4, $0x3  }
0x1d: {  	s9 =	sadd.s32 s20, s6;
	[dreg:$0xb] =	wrdreg s11;
	s6 =	sor.u32 $0xD0, s5  }
0x1e: {  	s23 =	sadd.s32 s19, s1;
	s4 =	sor.u32 $0xE0, s5;
	s18 =	smul.u32 $0xA00, s6  }
0x1f: {  	s2 =	sshrl.u32 s9, $0x3;
	[dreg:$0xe] =	wrdreg s23;
	s23 =	smul.u32 $0xA00, s4  }
0x20: {  	s0 =	sadd.s32 s19, s0;
	s6 =	smul.u32 $0x2800, s6;
	s16 =	sadd.s32 s19, s2  }
0x21: {  	s9 =	sor.u32 $0xF0, s5;
	[dreg:$0xc] =	wrdreg s16;
	s16 =	smul.u32 $0xA00, s7  }
0x22: {  	[dreg:$0xa] =	wrdreg s0;
	s0 =	sshrl.u32 s17, $0x3;
	s17 =	smul.u32 $0xA00, s3  }
0x23: {  	s0 =	sadd.s32 s19, s0;
	s11 =	sadd.s32 s20, s18;
	s24 =	sadd.s32 s20, s16  }
0x24: {  	[dreg:$0xd] =	wrdreg s0;
	s0 =	sshrl.u32 s24, $0x3;
	s24 =	sadd.s32 s20, s17  }
0x25: {  	s1 =	sshrl.u32 s24, $0x3;
	s24 =	smul.u32 $0xA00, s9;
	s2 =	sadd.s32 s19, s0  }
0x26: {  	[dreg:$0xf] =	wrdreg s2;
	s0 =	sadd.s32 s19, s1;
	s1 =	sshrl.u32 s11, $0x3  }
0x27: {  	s7 =	smul.u32 $0x2800, s7;
	[dreg:$0x10] =	wrdreg s0;
	s0 =	sadd.s32 s19, s1  }
0x28: {  	s2 =	sadd.s32 s20, s23;
	s11 =	sadd.s32 s20, s24;
	[dreg:$0x11] =	wrdreg s0  }
0x29: {  	s0 =	sshrl.u32 s2, $0x3;
	s1 =	sshrl.u32 s11, $0x3;
	s2 =	rddreg [dreg:$0x0]  }
0x2a: {  	s0 =	sadd.s32 s19, s0;
	s1 =	sadd.s32 s19, s1;
	s19 =	rddreg [dreg:$0x2]  }
0x2b: {  	s11 =	sshrl.u32 s20, $0x3;
	s20 =	smul.u32 $0x4E20, s5;
	[dreg:$0x12] =	wrdreg s0  }
0x2c: {  	s8 =	sshrl.u32 s8, $0x2;
	[dreg:$0x13] =	wrdreg s1;
	s1 =	smul.u32 $0x2800, s21  }
0x2d: {  	s21 =	sadd.s32 s2, s11;
	s0 =	smul.u32 $0x2800, s5;
	s14 =	sadd.s32 s14, s19  }
0x2e: {  	s15 =	sadd.s32 s15, s19;
	_ =	strace $0x80000047;
	[smem:$0x7F5] =	sst s14  }
0x2f: {  	s16 =	sadd.s32 s16, s19;
	[smem:$0x7F6] =	sst s15;
	s0 =	sshrl.u32 s0, $0x2  }
0x30: {  	[smem:$0x7F7] =	sst s16;
	s1 =	sshrl.u32 s1, $0x2;
	s0 =	sadd.s32 s0, s19  }
0x31: {  	s2 =	sshrl.u32 s20, $0x3;
	s1 =	sadd.s32 s1, s19;
	[dreg:$0x14] =	wrdreg s0  }
0x32: {  	s17 =	sadd.s32 s17, s19;
	s2 =	sadd.s32 s2, s22;
	[dreg:$0x15] =	wrdreg s1  }
0x33: {  	s0 =	smul.u32 $0x2800, s28;
	s28 =	sshrl.u32 s29, $0x2;
	s1 =	sadd.s32 s30, s19  }
0x34: {  	[dreg:$0x16] =	wrdreg s1;
	s30 =	sadd.s32 s28, s19;
	s1 =	smul.u32 $0x2800, s12  }
0x35: {  	[dreg:$0x17] =	wrdreg s30;
	s0 =	sshrl.u32 s0, $0x2;
	s30 =	sshrl.u32 s26, $0x2  }
0x36: {  	[smem:$0x7F8] =	sst s17;
	s0 =	sadd.s32 s0, s19;
	s26 =	sadd.s32 s30, s19  }
0x37: {  	s30 =	smul.u32 $0x2800, s31;
	s1 =	sshrl.u32 s1, $0x2;
	[dreg:$0x18] =	wrdreg s0  }
0x38: {  	s31 =	sshrl.u32 s25, $0x2;
	s25 =	smul.u32 $0x2800, s10;
	[dreg:$0x19] =	wrdreg s26  }
0x39: {  	s1 =	sadd.s32 s1, s19;
	s12 =	sadd.s32 s31, s19;
	s26 =	sadd.s32 s8, s19  }
0x3a: {  	s31 =	sshrl.u32 s7, $0x2;
	s7 =	sshrl.u32 s6, $0x2;
	[dreg:$0x1a] =	wrdreg s1  }
0x3b: {  	s8 =	smul.u32 $0x2800, s9;
	[dreg:$0x1b] =	wrdreg s12;
	s0 =	sshrl.u32 s30, $0x2  }
0x3c: {  	[dreg:$0x1d] =	wrdreg s26;
	s30 =	smul.u32 $0x2800, s3;
	s1 =	sshrl.u32 s25, $0x2  }
0x3d: {  	s25 =	sadd.s32 $0xC400, s2;
	s26 =	sadd.s32 $0x2600, s2;
	s2 =	sld [smem:$0x7E3]  }
0x3e: {  	s3 =	sadd.s32 s31, s19;
	s9 =	sadd.s32 s7, s19;
	s7 =	sld [smem:$0x7E9]  }
0x3f: {  	[dreg:$0x1f] =	wrdreg s3  }
0x40: {  	[smem:$0x7DB] =	sst s9  }
0x41: {  	[smem:$0x7DE] =	sst s25  }
0x42: {  	[smem:$0x7DF] =	sst s26  }
0x43: {  	s3 =	sld [smem:$0x7E5]  }
0x44: {  	p0 =	sgt.u32 s5, $0x9;
	s12 =	sshrl.u32 s8, $0x2;
	s8 =	sld [smem:$0x7EB]  }
0x45: {  	s4 =	smul.u32 $0x2800, s4;
	s0 =	sadd.s32 s0, s19;
	s9 =	sld [smem:$0x7ED]  }
0x46: {  	s11 =	sadd.s32 s11, s22;
	s1 =	sadd.s32 s1, s19;
	[dreg:$0x1c] =	wrdreg s0  }
0x47: {  	s22 =	sadd.s32 $0xD9800, s22;
	s6 =	sshll.u32 s13, $0x6;
	[dreg:$0x1e] =	wrdreg s1  }
0x48: {  	s25 =	sadd.s32 s18, s19;
	s1 =	sshrl.u32 s4, $0x2;
	s4 =	sld [smem:$0x7E7]  }
0x49: {  	s13 =	sadd.s32 s12, s19;
	s12 =	sadd.s32 $0x16200, s11;
	s11 =	sld [smem:$0x7F1]  }
0x4a: {  	s14 =	simm.s32 $0xA640;
	s26 =	sadd.s32 s23, s19;
	[smem:$0x7F9] =	sst s25  }
0x4b: {  	s15 =	simm.s32 $0xC440;
	s17 =	simm.s32 $0xE240;
	[smem:$0x7FA] =	sst s26  }
0x4c: {  	s10 =	smul.u32 $0x271000, s5;
	s0 =	sshrl.u32 s30, $0x2;
	[smem:$0x7DD] =	sst s13  }
0x4d: {  	s29 =	simm.s32 $0x8;
	s0 =	sadd.s32 s0, s19;
	s13 =	sld [smem:$0x7F3]  }
0x4e: {  	s1 =	sadd.s32 s1, s19;
	[smem:$0x7DA] =	sst s0;
	s0 =	sor.u32 s6, s10  }
0x4f: {  	s28 =	simm.s32 $0x5;
	[smem:$0x7DC] =	sst s1;
	s30 =	sshrl.u32 s0, $0x3  }
0x50: {  	s10 =	sld [smem:$0x7EF];
	s31 =	sadd.s32 $0x1400, s0;
	s1 =	sadd.s32 s22, s30  }
0x51: {  	s0 =	sadd.s32 $0x2800, s0;
	s30 =	sadd.s32 s24, s19;
	[smem:$0x7E0] =	sst s1  }
0x52: {  	s5 =	simm.s32 $0x0;
	s0 =	sshrl.u32 s0, $0x3;
	[smem:$0x7FB] =	sst s30  }
0x53: {  	s1 =	sshrl.u32 s31, $0x3;
	s0 =	sadd.s32 s22, s0;
	s31 =	sld [smem:$0x7FC]  }
0x54: {  	s18 =	simm.s32 $0x1;
	s1 =	sadd.s32 s22, s1;
	[smem:$0x7E2] =	sst s0  }
0x55: {  	s23 =	simm.s32 $0x4;
	s0 =	sadd.s32 s2, s19;
	[smem:$0x7E1] =	sst s1  }
0x56: {  	s26 =	simm.s32 $0x2;
	[smem:$0x7E4] =	sst s0;
	s0 =	sadd.s32 s3, s19  }
0x57: {  	s24 =	simm.s32 $0x7;
	[smem:$0x7E6] =	sst s0;
	s0 =	sadd.s32 s4, s19  }
0x58: {  	s2 =	simm.s32 $0x6;
	[smem:$0x7E8] =	sst s0;
	s0 =	sadd.s32 s7, s19  }
0x59: {  	s1 =	simm.s32 $0x3;
	[smem:$0x7EA] =	sst s0;
	s0 =	sadd.s32 s8, s19  }
0x5a: {  	s3 =	simm.s32 $0x9;
	[smem:$0x7EC] =	sst s0;
	s0 =	sadd.s32 s9, s19  }
.Ltmp0:
0x5b: {  	[smem:$0x7EE] =	sst s0;
	s0 =	sadd.s32 s10, s19;
	(pc) =	sbr.rel .LBB2_1-.Ltmp0, $4  }
0x5c: {  	s7 =	simm.s32 $0x11440;
	[smem:$0x7F0] =	sst s0;
	s0 =	sadd.s32 s11, s19  }
0x5d: {  	s8 =	simm.s32 $0xD;
	[smem:$0x7F2] =	sst s0;
	s0 =	sadd.s32 s13, s19  }
0x5e: {  	s10 =	simm.s32 $0x40;
	[smem:$0x7F4] =	sst s0;
	s0 =	smax.u32 s31, $0x1  }
0x5f: {  	v0 =	vimm.f32 $0.0e+00;
	s11 =	simm.s32 $0x80;
	s13 =	simm.s32 $0x28;
	[smem:$0x7FD] =	sst s0  }
.LBB2_12:
0x60: {  	s0 =	simm.s32 $0xA  }
0x61: {  	_ =	swait.ge [sflag:s0], $0xA00  }
0x62: {  	[sflag:s0] =	ssyncset.done $0x0  }
0x63: {  	s30 =	simm.s32 $0xB;
	[sflag:s0] =	ssyncadd.s32 $0xFFFFF600  }
0x64: {  	_ =	swait.ge [sflag:s30], $0xA00  }
0x65: {  	[sflag:s30] =	ssyncset.done $0x0  }
0x66: {  	s31 =	simm.s32 $0xC;
	[sflag:s30] =	ssyncadd.s32 $0xFFFFF600  }
0x67: {  	_ =	swait.ge [sflag:s31], $0xA00  }
0x68: {  	[sflag:s31] =	ssyncset.done $0x0  }
0x69: {  	[sflag:s31] =	ssyncadd.s32 $0xFFFFF600  }
0x6a: {  	[bflag:$0x0] =	sbarrier.arrive $0xFFFF  }
0x6b: {  	s4 =	sld [smem:$0x7E4];
	_ =	sdelay $0x2  }
0x6c: {  	[tilespmem:s7], [sflag:$0xD] =	stream.linear.gather [spmem:s4], $0xA00, $0x38;
	[tilespmem:$0x1BA80] =	vst v63  }
0x6d: {  	_ =	swait.ge [sflag:s8], $0xA00  }
0x6e: {  	[sflag:s8] =	ssyncset.done $0x0  }
0x6f: {  	s0 =	simm.s32 $0x0;
	s4 =	rddreg [dreg:$0x4];
	[sflag:s8] =	ssyncadd.s32 $0xFFFFF600  }
0x70: {  	[hbm4b:s4+s0] =	stream.linear.scatter [tilespmem:s7], [sflag:$0xD], $0xA00, $0x38;
	[tilespmem:$0x1BA80] =	vst v63  }
0x71: {  	_ =	swait.ge [sflag:s8], $0xA00  }
0x72: {  	s5 =	sld [smem:$0x7E6]  }
0x73: {  	[sflag:s8] =	ssyncset.done $0x0  }
0x74: {  	[sflag:s8] =	ssyncadd.s32 $0xFFFFF600  }
0x75: {  	[tilespmem:s7], [sflag:$0xD] =	stream.linear.gather [spmem:s5], $0xA00, $0x38;
	[tilespmem:$0x1BA80] =	vst v63  }
0x76: {  	_ =	swait.ge [sflag:s8], $0xA00  }
0x77: {  	[sflag:s8] =	ssyncset.done $0x0  }
0x78: {  	s9 =	rddreg [dreg:$0x5];
	[sflag:s8] =	ssyncadd.s32 $0xFFFFF600  }
0x79: {  	[hbm4b:s9+s0] =	stream.linear.scatter [tilespmem:s7], [sflag:$0xD], $0xA00, $0x38;
	[tilespmem:$0x1BA80] =	vst v63  }
0x7a: {  	_ =	swait.ge [sflag:s8], $0xA00  }
0x7b: {  	s16 =	sld [smem:$0x7E8]  }
0x7c: {  	[sflag:s8] =	ssyncset.done $0x0  }
0x7d: {  	[sflag:s8] =	ssyncadd.s32 $0xFFFFF600  }
0x7e: {  	[tilespmem:s7], [sflag:$0xD] =	stream.linear.gather [spmem:s16], $0xA00, $0x38;
	[tilespmem:$0x1BA80] =	vst v63  }
0x7f: {  	_ =	swait.ge [sflag:s8], $0xA00  }
0x80: {  	[sflag:s8] =	ssyncset.done $0x0  }
0x81: {  	s25 =	rddreg [dreg:$0x6];
	[sflag:s8] =	ssyncadd.s32 $0xFFFFF600  }
0x82: {  	[hbm4b:s25+s0] =	stream.linear.scatter [tilespmem:s7], [sflag:$0xD], $0xA00, $0x38;
	[tilespmem:$0x1BA80] =	vst v63  }
0x83: {  	_ =	swait.ge [sflag:s8], $0xA00  }
0x84: {  	s30 =	sld [smem:$0x7EA]  }
0x85: {  	[sflag:s8] =	ssyncset.done $0x0  }
0x86: {  	[sflag:s8] =	ssyncadd.s32 $0xFFFFF600  }
0x87: {  	[tilespmem:s7], [sflag:$0xD] =	stream.linear.gather [spmem:s30], $0xA00, $0x38;
	[tilespmem:$0x1BA80] =	vst v63  }
0x88: {  	_ =	swait.ge [sflag:s8], $0xA00  }
0x89: {  	[sflag:s8] =	ssyncset.done $0x0  }
0x8a: {  	s31 =	rddreg [dreg:$0x7];
	[sflag:s8] =	ssyncadd.s32 $0xFFFFF600  }
0x8b: {  	[hbm4b:s31+s0] =	stream.linear.scatter [tilespmem:s7], [sflag:$0xD], $0xA00, $0x38;
	[tilespmem:$0x1BA80] =	vst v63  }
0x8c: {  	_ =	swait.ge [sflag:s8], $0xA00  }
0x8d: {  	s5 =	sld [smem:$0x7EC]  }
0x8e: {  	[sflag:s8] =	ssyncset.done $0x0  }
0x8f: {  	[sflag:s8] =	ssyncadd.s32 $0xFFFFF600  }
0x90: {  	[tilespmem:s7], [sflag:$0xD] =	stream.linear.gather [spmem:s5], $0xA00, $0x38;
	[tilespmem:$0x1BA80] =	vst v63  }
0x91: {  	_ =	swait.ge [sflag:s8], $0xA00  }
0x92: {  	[sflag:s8] =	ssyncset.done $0x0  }
0x93: {  	s9 =	rddreg [dreg:$0x8];
	[sflag:s8] =	ssyncadd.s32 $0xFFFFF600  }
0x94: {  	[hbm4b:s9+s0] =	stream.linear.scatter [tilespmem:s7], [sflag:$0xD], $0xA00, $0x38;
	[tilespmem:$0x1BA80] =	vst v63  }
0x95: {  	_ =	swait.ge [sflag:s8], $0xA00  }
0x96: {  	s16 =	sld [smem:$0x7EE]  }
0x97: {  	[sflag:s8] =	ssyncset.done $0x0  }
0x98: {  	[sflag:s8] =	ssyncadd.s32 $0xFFFFF600  }
0x99: {  	[tilespmem:s7], [sflag:$0xD] =	stream.linear.gather [spmem:s16], $0xA00, $0x38;
	[tilespmem:$0x1BA80] =	vst v63  }
0x9a: {  	_ =	swait.ge [sflag:s8], $0xA00  }
0x9b: {  	[sflag:s8] =	ssyncset.done $0x0  }
0x9c: {  	s25 =	rddreg [dreg:$0x9];
	[sflag:s8] =	ssyncadd.s32 $0xFFFFF600  }
0x9d: {  	[hbm4b:s25+s0] =	stream.linear.scatter [tilespmem:s7], [sflag:$0xD], $0xA00, $0x38;
	[tilespmem:$0x1BA80] =	vst v63  }
0x9e: {  	_ =	swait.ge [sflag:s8], $0xA00  }
0x9f: {  	s30 =	sld [smem:$0x7F0]  }
0xa0: {  	[sflag:s8] =	ssyncset.done $0x0  }
0xa1: {  	[sflag:s8] =	ssyncadd.s32 $0xFFFFF600  }
0xa2: {  	[tilespmem:s7], [sflag:$0xD] =	stream.linear.gather [spmem:s30], $0xA00, $0x38;
	[tilespmem:$0x1BA80] =	vst v63  }
0xa3: {  	_ =	swait.ge [sflag:s8], $0xA00  }
0xa4: {  	[sflag:s8] =	ssyncset.done $0x0  }
0xa5: {  	s31 =	rddreg [dreg:$0xa];
	[sflag:s8] =	ssyncadd.s32 $0xFFFFF600  }
0xa6: {  	[hbm4b:s31+s0] =	stream.linear.scatter [tilespmem:s7], [sflag:$0xD], $0xA00, $0x38;
	[tilespmem:$0x1BA80] =	vst v63  }
0xa7: {  	_ =	swait.ge [sflag:s8], $0xA00  }
0xa8: {  	s5 =	sld [smem:$0x7F2]  }
0xa9: {  	[sflag:s8] =	ssyncset.done $0x0  }
0xaa: {  	[sflag:s8] =	ssyncadd.s32 $0xFFFFF600  }
0xab: {  	[tilespmem:s7], [sflag:$0xD] =	stream.linear.gather [spmem:s5], $0xA00, $0x38;
	[tilespmem:$0x1BA80] =	vst v63  }
0xac: {  	_ =	swait.ge [sflag:s8], $0xA00  }
0xad: {  	[sflag:s8] =	ssyncset.done $0x0  }
0xae: {  	s9 =	rddreg [dreg:$0xb];
	[sflag:s8] =	ssyncadd.s32 $0xFFFFF600  }
0xaf: {  	[hbm4b:s9+s0] =	stream.linear.scatter [tilespmem:s7], [sflag:$0xD], $0xA00, $0x38;
	[tilespmem:$0x1BA80] =	vst v63  }
0xb0: {  	_ =	swait.ge [sflag:s8], $0xA00  }
0xb1: {  	s16 =	sld [smem:$0x7F4]  }
0xb2: {  	[sflag:s8] =	ssyncset.done $0x0  }
0xb3: {  	[sflag:s8] =	ssyncadd.s32 $0xFFFFF600  }
0xb4: {  	[tilespmem:s7], [sflag:$0xD] =	stream.linear.gather [spmem:s16], $0xA00, $0x38;
	[tilespmem:$0x1BA80] =	vst v63  }
0xb5: {  	_ =	swait.ge [sflag:s8], $0xA00  }
0xb6: {  	[sflag:s8] =	ssyncset.done $0x0  }
0xb7: {  	s25 =	rddreg [dreg:$0xc];
	[sflag:s8] =	ssyncadd.s32 $0xFFFFF600  }
0xb8: {  	[hbm4b:s25+s0] =	stream.linear.scatter [tilespmem:s7], [sflag:$0xD], $0xA00, $0x38;
	[tilespmem:$0x1BA80] =	vst v63  }
0xb9: {  	_ =	swait.ge [sflag:s8], $0xA00  }
0xba: {  	s30 =	sld [smem:$0x7F5]  }
0xbb: {  	[sflag:s8] =	ssyncset.done $0x0  }
0xbc: {  	[sflag:s8] =	ssyncadd.s32 $0xFFFFF600  }
0xbd: {  	[tilespmem:s7], [sflag:$0xD] =	stream.linear.gather [spmem:s30], $0xA00, $0x38;
	[tilespmem:$0x1BA80] =	vst v63  }
0xbe: {  	_ =	swait.ge [sflag:s8], $0xA00  }
0xbf: {  	[sflag:s8] =	ssyncset.done $0x0  }
0xc0: {  	s31 =	rddreg [dreg:$0xd];
	[sflag:s8] =	ssyncadd.s32 $0xFFFFF600  }
0xc1: {  	[hbm4b:s31+s0] =	stream.linear.scatter [tilespmem:s7], [sflag:$0xD], $0xA00, $0x38;
	[tilespmem:$0x1BA80] =	vst v63  }
0xc2: {  	_ =	swait.ge [sflag:s8], $0xA00  }
0xc3: {  	s5 =	sld [smem:$0x7F6]  }
0xc4: {  	[sflag:s8] =	ssyncset.done $0x0  }
0xc5: {  	[sflag:s8] =	ssyncadd.s32 $0xFFFFF600  }
0xc6: {  	[tilespmem:s7], [sflag:$0xD] =	stream.linear.gather [spmem:s5], $0xA00, $0x38;
	[tilespmem:$0x1BA80] =	vst v63  }
0xc7: {  	_ =	swait.ge [sflag:s8], $0xA00  }
0xc8: {  	[sflag:s8] =	ssyncset.done $0x0  }
0xc9: {  	s9 =	rddreg [dreg:$0xe];
	[sflag:s8] =	ssyncadd.s32 $0xFFFFF600  }
0xca: {  	[hbm4b:s9+s0] =	stream.linear.scatter [tilespmem:s7], [sflag:$0xD], $0xA00, $0x38;
	[tilespmem:$0x1BA80] =	vst v63  }
0xcb: {  	_ =	swait.ge [sflag:s8], $0xA00  }
0xcc: {  	s16 =	sld [smem:$0x7F7]  }
0xcd: {  	[sflag:s8] =	ssyncset.done $0x0  }
0xce: {  	[sflag:s8] =	ssyncadd.s32 $0xFFFFF600  }
0xcf: {  	[tilespmem:s7], [sflag:$0xD] =	stream.linear.gather [spmem:s16], $0xA00, $0x38;
	[tilespmem:$0x1BA80] =	vst v63  }
0xd0: {  	_ =	swait.ge [sflag:s8], $0xA00  }
0xd1: {  	[sflag:s8] =	ssyncset.done $0x0  }
0xd2: {  	s25 =	rddreg [dreg:$0xf];
	[sflag:s8] =	ssyncadd.s32 $0xFFFFF600  }
0xd3: {  	[hbm4b:s25+s0] =	stream.linear.scatter [tilespmem:s7], [sflag:$0xD], $0xA00, $0x38;
	[tilespmem:$0x1BA80] =	vst v63  }
0xd4: {  	_ =	swait.ge [sflag:s8], $0xA00  }
0xd5: {  	s30 =	sld [smem:$0x7F8]  }
0xd6: {  	[sflag:s8] =	ssyncset.done $0x0  }
0xd7: {  	[sflag:s8] =	ssyncadd.s32 $0xFFFFF600  }
0xd8: {  	[tilespmem:s7], [sflag:$0xD] =	stream.linear.gather [spmem:s30], $0xA00, $0x38;
	[tilespmem:$0x1BA80] =	vst v63  }
0xd9: {  	_ =	swait.ge [sflag:s8], $0xA00  }
0xda: {  	[sflag:s8] =	ssyncset.done $0x0  }
0xdb: {  	s31 =	rddreg [dreg:$0x10];
	[sflag:s8] =	ssyncadd.s32 $0xFFFFF600  }
0xdc: {  	[hbm4b:s31+s0] =	stream.linear.scatter [tilespmem:s7], [sflag:$0xD], $0xA00, $0x38;
	[tilespmem:$0x1BA80] =	vst v63  }
0xdd: {  	_ =	swait.ge [sflag:s8], $0xA00  }
0xde: {  	s5 =	sld [smem:$0x7F9]  }
0xdf: {  	[sflag:s8] =	ssyncset.done $0x0  }
0xe0: {  	[sflag:s8] =	ssyncadd.s32 $0xFFFFF600  }
0xe1: {  	[tilespmem:s7], [sflag:$0xD] =	stream.linear.gather [spmem:s5], $0xA00, $0x38;
	[tilespmem:$0x1BA80] =	vst v63  }
0xe2: {  	_ =	swait.ge [sflag:s8], $0xA00  }
0xe3: {  	[sflag:s8] =	ssyncset.done $0x0  }
0xe4: {  	s9 =	rddreg [dreg:$0x11];
	[sflag:s8] =	ssyncadd.s32 $0xFFFFF600  }
0xe5: {  	[hbm4b:s9+s0] =	stream.linear.scatter [tilespmem:s7], [sflag:$0xD], $0xA00, $0x38;
	[tilespmem:$0x1BA80] =	vst v63  }
0xe6: {  	_ =	swait.ge [sflag:s8], $0xA00  }
0xe7: {  	s16 =	sld [smem:$0x7FA]  }
0xe8: {  	[sflag:s8] =	ssyncset.done $0x0  }
0xe9: {  	[sflag:s8] =	ssyncadd.s32 $0xFFFFF600  }
0xea: {  	[tilespmem:s7], [sflag:$0xD] =	stream.linear.gather [spmem:s16], $0xA00, $0x38;
	[tilespmem:$0x1BA80] =	vst v63  }
0xeb: {  	_ =	swait.ge [sflag:s8], $0xA00  }
0xec: {  	[sflag:s8] =	ssyncset.done $0x0  }
0xed: {  	s25 =	rddreg [dreg:$0x12];
	[sflag:s8] =	ssyncadd.s32 $0xFFFFF600  }
0xee: {  	[hbm4b:s25+s0] =	stream.linear.scatter [tilespmem:s7], [sflag:$0xD], $0xA00, $0x38;
	[tilespmem:$0x1BA80] =	vst v63  }
0xef: {  	_ =	swait.ge [sflag:s8], $0xA00  }
0xf0: {  	s4 =	sld [smem:$0x7FB]  }
0xf1: {  	[sflag:s8] =	ssyncset.done $0x0  }
0xf2: {  	s0 =	simm.s32 @!p0 $0x11440;
	[sflag:s8] =	ssyncadd.s32 $0xFFFFF600  }
0xf3: {  	[tilespmem:s0], [sflag:$0xD] =	stream.linear.gather @!p0 [spmem:s4], $0xA00, $0x38;
	[tilespmem:$0x1BA80] =	vst v63  }
0xf4: {  	s4 =	simm.s32 @!p0 $0xD  }
0xf5: {  	_ =	swait.ge @!p0 [sflag:s4], $0xA00  }
0xf6: {  	[sflag:s4] =	ssyncset.done @!p0 $0x0  }
0xf7: {  	s5 =	simm.s32 @!p0 $0x0;
	s9 =	rddreg [dreg:$0x13];
	[sflag:s4] =	ssyncadd.s32 @!p0 $0xFFFFF600  }
0xf8: {  	[hbm4b:s9+s5] =	stream.linear.scatter @!p0 [tilespmem:s0], [sflag:$0xD], $0xA00, $0x38;
	[tilespmem:$0x1BA80] =	vst v63  }
0xf9: {  	_ =	swait.ge @!p0 [sflag:s4], $0xA00  }
0xfa: {  	s30 =	sld [smem:$0x7D9]  }
0xfb: {  	s31 =	sld [smem:$0x7FD];
	_ =	sdelay $0x1  }
0xfc: {  	s5 =	sadd.s32 $0x1, s30  }
0xfd: {  	p1 =	sne.s32 s5, s31  }
.Ltmp1:
0xfe: {  	_ = 	snop;
	(pc) =	sbr.rel @!p1 .LBB2_13-.Ltmp1, $3  }
0xff: {  	_ =	sdelay $0x1  }
0x100: {  	[sflag:s4] =	ssyncset.done @!p0 $0x0  }
0x101: {  	[sflag:s4] =	ssyncadd.s32 @!p0 $0xFFFFF600  }
.LBB2_1:
0x102: {  	[smem:$0x7D9] =	sst s5;
	s4 =	simm.s32 $0x100;
	s0 =	simm.s32 $0x0  }
.LBB2_2:
0x103: {  	p1 =	sne.s32 s4, $0x2700;
	[tilespmem:s0+$0x11470] =	vst v0;
	s5 =	smov.u32 s4;
	s4 =	sadd.s32 $0x100, s4  }
.Ltmp2:
0x104: {  	[tilespmem:s0+$0x11460] =	vst v0;
	(pc) =	sbr.rel @p1 .LBB2_2-.Ltmp2, $3  }
0x105: {  	[tilespmem:s0+$0x11440] =	vst v0  }
0x106: {  	[tilespmem:s0+$0x11450] =	vst v0;
	_ =	sdelay $0x1  }
0x107: {  	s0 =	sshra.s32 s5, $0x2  }
0x108: {  	[tilespmem:s0+$0x11470] =	vst v0  }
0x109: {  	[tilespmem:s0+$0x11460] =	vst v0  }
0x10a: {  	[tilespmem:s0+$0x11440] =	vst v0  }
0x10b: {  	[tilespmem:s0+$0x11450] =	vst v0;
	s31 =	rddreg [dreg:$0x14]  }
0x10c: {  	[spmem:s31] =	stream.linear.scatter [tilespmem:s7], [sflag:$0xD], $0xA00, $0x38;
	[tilespmem:$0x1BA80] =	vst v63  }
0x10d: {  	_ =	swait.ge [sflag:s8], $0xA00  }
0x10e: {  	[sflag:s8] =	ssyncset.done $0x0  }
0x10f: {  	s4 =	rddreg [dreg:$0x15];
	[sflag:s8] =	ssyncadd.s32 $0xFFFFF600  }
0x110: {  	[spmem:s4] =	stream.linear.scatter [tilespmem:s7], [sflag:$0xD], $0xA00, $0x38;
	[tilespmem:$0x1BA80] =	vst v63  }
0x111: {  	_ =	swait.ge [sflag:s8], $0xA00  }
0x112: {  	[sflag:s8] =	ssyncset.done $0x0  }
0x113: {  	s5 =	rddreg [dreg:$0x16];
	[sflag:s8] =	ssyncadd.s32 $0xFFFFF600  }
0x114: {  	[spmem:s5] =	stream.linear.scatter [tilespmem:s7], [sflag:$0xD], $0xA00, $0x38;
	[tilespmem:$0x1BA80] =	vst v63  }
0x115: {  	_ =	swait.ge [sflag:s8], $0xA00  }
0x116: {  	[sflag:s8] =	ssyncset.done $0x0  }
0x117: {  	s9 =	rddreg [dreg:$0x17];
	[sflag:s8] =	ssyncadd.s32 $0xFFFFF600  }
0x118: {  	[spmem:s9] =	stream.linear.scatter [tilespmem:s7], [sflag:$0xD], $0xA00, $0x38;
	[tilespmem:$0x1BA80] =	vst v63  }
0x119: {  	_ =	swait.ge [sflag:s8], $0xA00  }
0x11a: {  	[sflag:s8] =	ssyncset.done $0x0  }
0x11b: {  	s16 =	rddreg [dreg:$0x18];
	[sflag:s8] =	ssyncadd.s32 $0xFFFFF600  }
0x11c: {  	[spmem:s16] =	stream.linear.scatter [tilespmem:s7], [sflag:$0xD], $0xA00, $0x38;
	[tilespmem:$0x1BA80] =	vst v63  }
0x11d: {  	_ =	swait.ge [sflag:s8], $0xA00  }
0x11e: {  	[sflag:s8] =	ssyncset.done $0x0  }
0x11f: {  	s25 =	rddreg [dreg:$0x19];
	[sflag:s8] =	ssyncadd.s32 $0xFFFFF600  }
0x120: {  	[spmem:s25] =	stream.linear.scatter [tilespmem:s7], [sflag:$0xD], $0xA00, $0x38;
	[tilespmem:$0x1BA80] =	vst v63  }
0x121: {  	_ =	swait.ge [sflag:s8], $0xA00  }
0x122: {  	[sflag:s8] =	ssyncset.done $0x0  }
0x123: {  	s31 =	rddreg [dreg:$0x1a];
	[sflag:s8] =	ssyncadd.s32 $0xFFFFF600  }
0x124: {  	[spmem:s31] =	stream.linear.scatter [tilespmem:s7], [sflag:$0xD], $0xA00, $0x38;
	[tilespmem:$0x1BA80] =	vst v63  }
0x125: {  	_ =	swait.ge [sflag:s8], $0xA00  }
0x126: {  	[sflag:s8] =	ssyncset.done $0x0  }
0x127: {  	s4 =	rddreg [dreg:$0x1b];
	[sflag:s8] =	ssyncadd.s32 $0xFFFFF600  }
0x128: {  	[spmem:s4] =	stream.linear.scatter [tilespmem:s7], [sflag:$0xD], $0xA00, $0x38;
	[tilespmem:$0x1BA80] =	vst v63  }
0x129: {  	_ =	swait.ge [sflag:s8], $0xA00  }
0x12a: {  	[sflag:s8] =	ssyncset.done $0x0  }
0x12b: {  	s5 =	rddreg [dreg:$0x1c];
	[sflag:s8] =	ssyncadd.s32 $0xFFFFF600  }
0x12c: {  	[spmem:s5] =	stream.linear.scatter [tilespmem:s7], [sflag:$0xD], $0xA00, $0x38;
	[tilespmem:$0x1BA80] =	vst v63  }
0x12d: {  	_ =	swait.ge [sflag:s8], $0xA00  }
0x12e: {  	[sflag:s8] =	ssyncset.done $0x0  }
0x12f: {  	s9 =	rddreg [dreg:$0x1d];
	[sflag:s8] =	ssyncadd.s32 $0xFFFFF600  }
0x130: {  	[spmem:s9] =	stream.linear.scatter [tilespmem:s7], [sflag:$0xD], $0xA00, $0x38;
	[tilespmem:$0x1BA80] =	vst v63  }
0x131: {  	_ =	swait.ge [sflag:s8], $0xA00  }
0x132: {  	[sflag:s8] =	ssyncset.done $0x0  }
0x133: {  	s16 =	rddreg [dreg:$0x1e];
	[sflag:s8] =	ssyncadd.s32 $0xFFFFF600  }
0x134: {  	[spmem:s16] =	stream.linear.scatter [tilespmem:s7], [sflag:$0xD], $0xA00, $0x38;
	[tilespmem:$0x1BA80] =	vst v63  }
0x135: {  	_ =	swait.ge [sflag:s8], $0xA00  }
0x136: {  	[sflag:s8] =	ssyncset.done $0x0  }
0x137: {  	s25 =	rddreg [dreg:$0x1f];
	[sflag:s8] =	ssyncadd.s32 $0xFFFFF600  }
0x138: {  	[spmem:s25] =	stream.linear.scatter [tilespmem:s7], [sflag:$0xD], $0xA00, $0x38;
	[tilespmem:$0x1BA80] =	vst v63  }
0x139: {  	_ =	swait.ge [sflag:s8], $0xA00  }
0x13a: {  	s31 =	sld [smem:$0x7DA]  }
0x13b: {  	[sflag:s8] =	ssyncset.done $0x0  }
0x13c: {  	[sflag:s8] =	ssyncadd.s32 $0xFFFFF600  }
0x13d: {  	[spmem:s31] =	stream.linear.scatter [tilespmem:s7], [sflag:$0xD], $0xA00, $0x38;
	[tilespmem:$0x1BA80] =	vst v63  }
0x13e: {  	_ =	swait.ge [sflag:s8], $0xA00  }
0x13f: {  	s4 =	sld [smem:$0x7DB]  }
0x140: {  	[sflag:s8] =	ssyncset.done $0x0  }
0x141: {  	[sflag:s8] =	ssyncadd.s32 $0xFFFFF600  }
0x142: {  	[spmem:s4] =	stream.linear.scatter [tilespmem:s7], [sflag:$0xD], $0xA00, $0x38;
	[tilespmem:$0x1BA80] =	vst v63  }
0x143: {  	_ =	swait.ge [sflag:s8], $0xA00  }
0x144: {  	s5 =	sld [smem:$0x7DC]  }
0x145: {  	[sflag:s8] =	ssyncset.done $0x0  }
0x146: {  	[sflag:s8] =	ssyncadd.s32 $0xFFFFF600  }
0x147: {  	[spmem:s5] =	stream.linear.scatter [tilespmem:s7], [sflag:$0xD], $0xA00, $0x38;
	[tilespmem:$0x1BA80] =	vst v63  }
0x148: {  	_ =	swait.ge [sflag:s8], $0xA00  }
0x149: {  	s4 =	sld [smem:$0x7DD]  }
0x14a: {  	[sflag:s8] =	ssyncset.done $0x0  }
0x14b: {  	s0 =	simm.s32 @!p0 $0x11440;
	[sflag:s8] =	ssyncadd.s32 $0xFFFFF600  }
0x14c: {  	[spmem:s4] =	stream.linear.scatter @!p0 [tilespmem:s0], [sflag:$0xD], $0xA00, $0x38;
	[tilespmem:$0x1BA80] =	vst v63  }
0x14d: {  	s0 =	simm.s32 @!p0 $0xD  }
0x14e: {  	_ =	swait.ge @!p0 [sflag:s0], $0xA00  }
0x14f: {  	[sflag:s0] =	ssyncset.done @!p0 $0x0  }
0x150: {  	[sflag:s0] =	ssyncadd.s32 @!p0 $0xFFFFF600  }
0x151: {  	[bflag:$0x0] =	sbarrier.arrive $0xFFFF  }
0x152: {  	s9 =	sld [smem:$0x7DE];
	_ =	sdelay $0x1  }
0x153: {  	s30 =	simm.s32 $0x0  }
0x154: {  	[tilespmem:s30], [sflag:$0xD] =	stream.linear.gather [hbm4b:s9+s30], $0x4E20, $0x38;
	[tilespmem:$0x1BA80] =	vst v63  }
0x155: {  	_ =	swait.ge [sflag:s8], $0x4E20  }
0x156: {  	s16 =	sld [smem:$0x7DF]  }
0x157: {  	[sflag:s8] =	ssyncset.done $0x0  }
0x158: {  	s25 =	simm.s32 $0x4E20;
	[sflag:s8] =	ssyncadd.s32 $0xFFFFB1E0  }
0x159: {  	[tilespmem:s25], [sflag:$0xD] =	stream.linear.gather [hbm4b:s16+s30], $0x4E20, $0x38;
	[tilespmem:$0x1BA80] =	vst v63  }
0x15a: {  	_ =	swait.ge [sflag:s8], $0x4E20  }
0x15b: {  	s31 =	sld [smem:$0x7E0]  }
0x15c: {  	[sflag:s8] =	ssyncset.done $0x0  }
0x15d: {  	s5 =	simm.s32 $0x9C40;
	[sflag:s8] =	ssyncadd.s32 $0xFFFFB1E0  }
0x15e: {  	[tilespmem:s5], [sflag:$0x1] =	stream.strided.gather [hbm4b:s31+s10], $0xA00, s11, s10, $0x38;
	[tilespmem:$0x1BA80] =	vst v63  }
0x15f: {  	s9 =	simm.s32 $0xBA40  }
0x160: {  	[tilespmem:s9], [sflag:$0x4] =	stream.indirect.gather [hbm4b:s21+s13], $0x40, s30, s13, $0xb8;
	[tilespmem:$0x1BA80] =	vst v63  }
0x161: {  	s16 =	simm.s32 $0xD840  }
0x162: {  	[tilespmem:s16], [sflag:$0x7] =	stream.indirect.gather [hbm4b:s12+s13], $0x40, s25, s13, $0xb8;
	[tilespmem:$0x1BA80] =	vst v63  }
0x163: {  	s25 =	sld [smem:$0x7E1];
	_ =	sdelay $0x2  }
0x164: {  	[tilespmem:s14], [sflag:$0x2] =	stream.strided.gather [hbm4b:s25+s10], $0xA00, s11, s10, $0x38;
	[tilespmem:$0x1BA80] =	vst v63  }
0x165: {  	_ = 	snop  }
0x166: {  	[tilespmem:s15], [sflag:$0x5] =	stream.indirect.gather [hbm4b:s21+s13], $0x40, s13, s13, $0xb8;
	[tilespmem:$0x1BA80] =	vst v63  }
0x167: {  	s4 =	sld [smem:$0x7E2];
	s31 =	simm.s32 $0x4E48  }
0x168: {  	[tilespmem:s17], [sflag:$0x8] =	stream.indirect.gather [hbm4b:s12+s13], $0x40, s31, s13, $0xb8;
	[tilespmem:$0x1BA80] =	vst v63  }
0x169: {  	s5 =	simm.s32 $0xB040  }
0x16a: {  	[tilespmem:s5], [sflag:$0x3] =	stream.strided.gather [hbm4b:s4+s10], $0xA00, s11, s10, $0x38;
	[tilespmem:$0x1BA80] =	vst v63  }
0x16b: {  	s9 =	simm.s32 $0x50;
	s16 =	simm.s32 $0xCE40  }
0x16c: {  	[tilespmem:s16], [sflag:$0x6] =	stream.indirect.gather [hbm4b:s21+s13], $0x40, s9, s13, $0xb8;
	[tilespmem:$0x1BA80] =	vst v63  }
0x16d: {  	s25 =	simm.s32 $0x4E70;
	s31 =	simm.s32 $0xEC40  }
0x16e: {  	[tilespmem:s31], [sflag:$0x9] =	stream.indirect.gather [hbm4b:s12+s13], $0x40, s25, s13, $0xb8;
	[tilespmem:$0x1BA80] =	vst v63  }
.LBB2_4:
0x16f: {  	_ =	swait.ge [sflag:s18], $0xA00  }
0x170: {  	[sflag:s18] =	ssyncset.done $0x0  }
0x171: {  	[sflag:s18] =	ssyncadd.s32 $0xFFFFF600  }
0x172: {  	_ =	swait.ge [sflag:s23], $0xA00  }
0x173: {  	[sflag:s23] =	ssyncset.done $0x0  }
0x174: {  	[sflag:s23] =	ssyncadd.s32 $0xFFFFF600  }
0x175: {  	_ =	swait.ge [sflag:s24], $0xA00  }
0x176: {  	p1 =	seq.s32 s30, $0x0;
	[sflag:s24] =	ssyncset.done $0x0  }
0x177: {  	s0 =	simm.s32 @!p1 $0xA;
	[sflag:s24] =	ssyncadd.s32 $0xFFFFF600  }
0x178: {  	_ =	swait.ge @!p1 [sflag:s0], $0xA00  }
0x179: {  	[sflag:s0] =	ssyncset.done @!p1 $0x0  }
0x17a: {  	s16 =	simm.s32 $0x0;
	[sflag:s0] =	ssyncadd.s32 @!p1 $0xFFFFF600  }
0x17b: {  	v1 =	vld [tilespmem:s16+$0x9C70]  }
0x17c: {  	v2 =	vld [tilespmem:s16+$0xBA70]  }
0x17d: {  	v7 =	vld [tilespmem:s16+$0x9C40]  }
0x17e: {  	v4 =	vld [tilespmem:s16+$0xD870]  }
0x17f: {  	v8 =	vld [tilespmem:s16+$0xBA40]  }
0x180: {  	v9 =	vld [tilespmem:s16+$0x9C50]  }
0x181: {  	v10 =	vld [tilespmem:s16+$0xBA50];
	v1 =	vadd.f32 v2, v1  }
0x182: {  	v3 =	vld [tilespmem:s16+$0xBA60]  }
0x183: {  	v2 =	vld [tilespmem:s16+$0x9C60];
	v1 =	vadd.f32 v4, v1  }
0x184: {  	v6 =	vld [tilespmem:s16+$0xD840]  }
0x185: {  	v5 =	vld [tilespmem:s16+$0xD850];
	v1 =	vmax.f32 v1, $0.0e+00  }
0x186: {  	s0 =	simm.s32 $0x40;
	v4 =	vld [tilespmem:s16+$0xD860];
	[tilespmem:s16+$0xF670] =	vst v1  }
0x187: {  	s5 =	simm.s32 $0x200;
	v7 =	vadd.f32 v8, v7;
	v8 =	vadd.f32 v10, v9;
	v1 =	vld [tilespmem:s0+$0x9C70]  }
.LBB2_5:
0x188: {  	p2 =	sne.s32 s5, $0x2700;
	v9 =	vld [tilespmem:s0+$0xBA70];
	v2 =	vadd.f32 v3, v2  }
0x189: {  	v10 =	vld [tilespmem:s0+$0x9C40];
	v3 =	vadd.f32 v6, v7  }
0x18a: {  	v6 =	vld [tilespmem:s0+$0xD870];
	v5 =	vadd.f32 v5, v8  }
0x18b: {  	v7 =	vld [tilespmem:s0+$0xBA40];
	v3 =	vmax.f32 v3, $0.0e+00;
	v2 =	vadd.f32 v4, v2  }
0x18c: {  	v4 =	vld [tilespmem:s0+$0x9C50];
	[tilespmem:s16+$0xF640] =	vst v3;
	v3 =	vmax.f32 v5, $0.0e+00  }
0x18d: {  	v8 =	vld [tilespmem:s0+$0xBA50];
	v1 =	vadd.f32 v9, v1;
	[tilespmem:s16+$0xF650] =	vst v3;
	v3 =	vmax.f32 v2, $0.0e+00  }
0x18e: {  	v2 =	vld [tilespmem:s0+$0x9C60];
	[tilespmem:s16+$0xF660] =	vst v3;
	s16 =	smov.u32 s0  }
.Ltmp3:
0x18f: {  	v3 =	vld [tilespmem:s16+$0xBA60];
	v1 =	vadd.f32 v6, v1;
	(pc) =	sbr.rel @p2 .LBB2_5-.Ltmp3, $4  }
0x190: {  	v7 =	vadd.f32 v7, v10;
	v6 =	vld [tilespmem:s16+$0xD840]  }
0x191: {  	v5 =	vld [tilespmem:s16+$0xD850];
	v1 =	vmax.f32 v1, $0.0e+00  }
0x192: {  	s0 =	sshra.s32 s5, $0x2;
	v8 =	vadd.f32 v8, v4;
	v4 =	vld [tilespmem:s16+$0xD860];
	[tilespmem:s16+$0xF670] =	vst v1  }
0x193: {  	s5 =	sadd.s32 $0x100, s5;
	v1 =	vld [tilespmem:s0+$0x9C70]  }
0x194: {  	v9 =	vld [tilespmem:s0+$0xBA70]  }
0x195: {  	v10 =	vld [tilespmem:s0+$0x9C40];
	v2 =	vadd.f32 v3, v2;
	v6 =	vadd.f32 v6, v7  }
0x196: {  	v11 =	vld [tilespmem:s0+$0xBA40];
	v3 =	vadd.f32 v5, v8  }
0x197: {  	v7 =	vld [tilespmem:s0+$0xD870];
	v5 =	vmax.f32 v6, $0.0e+00;
	v2 =	vadd.f32 v4, v2  }
0x198: {  	v6 =	vld [tilespmem:s0+$0x9C50];
	[tilespmem:s16+$0xF640] =	vst v5;
	v3 =	vmax.f32 v3, $0.0e+00  }
0x199: {  	v4 =	vld [tilespmem:s0+$0xBA50];
	[tilespmem:s16+$0xF650] =	vst v3;
	v2 =	vmax.f32 v2, $0.0e+00  }
0x19a: {  	v3 =	vld [tilespmem:s0+$0x9C60];
	[tilespmem:s16+$0xF660] =	vst v2  }
0x19b: {  	v2 =	vld [tilespmem:s0+$0xBA60]  }
0x19c: {  	v5 =	vld [tilespmem:s0+$0xD840]  }
0x19d: {  	v8 =	vld [tilespmem:s0+$0xD850]  }
0x19e: {  	v1 =	vadd.f32 v9, v1;
	v9 =	vld [tilespmem:s0+$0xD860]  }
0x19f: {  	v10 =	vadd.f32 v11, v10  }
0x1a0: {  	v1 =	vadd.f32 v7, v1;
	v4 =	vadd.f32 v4, v6  }
0x1a1: {  	v2 =	vadd.f32 v2, v3;
	v3 =	vadd.f32 v5, v10  }
0x1a2: {  	v1 =	vmax.f32 v1, $0.0e+00;
	v4 =	vadd.f32 v8, v4  }
0x1a3: {  	[tilespmem:s0+$0xF670] =	vst v1;
	v1 =	vmax.f32 v3, $0.0e+00;
	v2 =	vadd.f32 v9, v2  }
0x1a4: {  	s4 =	smul.u32 $0x1E0, s30;
	[tilespmem:s0+$0xF640] =	vst v1;
	v1 =	vmax.f32 v4, $0.0e+00  }
0x1a5: {  	p2 =	seq.s32 s30, $0xA6;
	[tilespmem:s0+$0xF650] =	vst v1;
	v1 =	vmax.f32 v2, $0.0e+00  }
0x1a6: {  	s25 =	simm.s32 $0xF640;
	s31 =	sshra.s32 s4, $0x2;
	[tilespmem:s0+$0xF660] =	vst v1;
	s0 =	smul.u32 @!p2 $0x78, s30  }
0x1a7: {  	[spmem:s19] =	stream.indirect.scatter.add.f32 [tilespmem:s25], [sflag:$0xA], $0x40, s31, s13, $0xb8;
	[tilespmem:$0x1BA80] =	vst v63  }
0x1a8: {  	s4 =	sadd.s32 @!p2 $0x78, s0  }
0x1a9: {  	s5 =	sadd.s32 @!p2 s20, s4  }
0x1aa: {  	s5 =	sshll.u32 @!p2 s5, $0x7  }
0x1ab: {  	s5 =	sor.u32 @!p2 s6, s5  }
0x1ac: {  	s9 =	simm.s32 @!p2 $0x9C40;
	s5 =	sshrl.u32 @!p2 s5, $0x3  }
0x1ad: {  	s16 =	simm.s32 @!p2 $0x40;
	s25 =	simm.s32 @!p2 $0x80;
	s5 =	sadd.s32 @!p2 s22, s5  }
0x1ae: {  	[tilespmem:s9], [sflag:$0x1] =	stream.strided.gather @!p2 [hbm4b:s5+s16], $0xA00, s25, s16, $0x38;
	[tilespmem:$0x1BA80] =	vst v63  }
0x1af: {  	s5 =	simm.s32 @!p2 $0x28;
	s9 =	simm.s32 @!p2 $0xBA40  }
0x1b0: {  	[tilespmem:s9], [sflag:$0x4] =	stream.indirect.gather @!p2 [hbm4b:s21+s5], $0x40, s4, s5, $0xb8;
	[tilespmem:$0x1BA80] =	vst v63  }
0x1b1: {  	s0 =	sadd.s32 @!p2 $0x4E98, s0;
	s4 =	simm.s32 @!p2 $0xD840  }
0x1b2: {  	[tilespmem:s4], [sflag:$0x7] =	stream.indirect.gather @!p2 [hbm4b:s12+s5], $0x40, s0, s5, $0xb8;
	[tilespmem:$0x1BA80] =	vst v63  }
0x1b3: {  	_ =	swait.ge [sflag:s26], $0xA00  }
0x1b4: {  	[sflag:s26] =	ssyncset.done $0x0  }
0x1b5: {  	[sflag:s26] =	ssyncadd.s32 $0xFFFFF600  }
0x1b6: {  	_ =	swait.ge [sflag:s28], $0xA00  }
0x1b7: {  	[sflag:s28] =	ssyncset.done $0x0  }
0x1b8: {  	[sflag:s28] =	ssyncadd.s32 $0xFFFFF600  }
0x1b9: {  	_ =	swait.ge [sflag:s29], $0xA00  }
0x1ba: {  	[sflag:s29] =	ssyncset.done $0x0  }
0x1bb: {  	s0 =	simm.s32 @!p1 $0xB;
	[sflag:s29] =	ssyncadd.s32 $0xFFFFF600  }
0x1bc: {  	_ =	swait.ge @!p1 [sflag:s0], $0xA00  }
0x1bd: {  	[sflag:s0] =	ssyncset.done @!p1 $0x0  }
0x1be: {  	s16 =	simm.s32 $0x0;
	[sflag:s0] =	ssyncadd.s32 @!p1 $0xFFFFF600  }
0x1bf: {  	v1 =	vld [tilespmem:s16+$0xA670]  }
0x1c0: {  	v2 =	vld [tilespmem:s16+$0xC470]  }
0x1c1: {  	v7 =	vld [tilespmem:s16+$0xA640]  }
0x1c2: {  	v4 =	vld [tilespmem:s16+$0xE270]  }
0x1c3: {  	v8 =	vld [tilespmem:s16+$0xC440]  }
0x1c4: {  	v9 =	vld [tilespmem:s16+$0xA650]  }
0x1c5: {  	v10 =	vld [tilespmem:s16+$0xC450];
	v1 =	vadd.f32 v2, v1  }
0x1c6: {  	v3 =	vld [tilespmem:s16+$0xC460]  }
0x1c7: {  	v2 =	vld [tilespmem:s16+$0xA660];
	v1 =	vadd.f32 v4, v1  }
0x1c8: {  	v6 =	vld [tilespmem:s16+$0xE240]  }
0x1c9: {  	v5 =	vld [tilespmem:s16+$0xE250];
	v1 =	vmax.f32 v1, $0.0e+00  }
0x1ca: {  	s0 =	simm.s32 $0x40;
	v4 =	vld [tilespmem:s16+$0xE260];
	[tilespmem:s16+$0x10070] =	vst v1  }
0x1cb: {  	s5 =	simm.s32 $0x200;
	v7 =	vadd.f32 v8, v7;
	v8 =	vadd.f32 v10, v9;
	v1 =	vld [tilespmem:s0+$0xA670]  }
.LBB2_7:
0x1cc: {  	p3 =	sne.s32 s5, $0x2700;
	v9 =	vld [tilespmem:s0+$0xC470];
	v2 =	vadd.f32 v3, v2  }
0x1cd: {  	v10 =	vld [tilespmem:s0+$0xA640];
	v3 =	vadd.f32 v6, v7  }
0x1ce: {  	v6 =	vld [tilespmem:s0+$0xE270];
	v5 =	vadd.f32 v5, v8  }
0x1cf: {  	v7 =	vld [tilespmem:s0+$0xC440];
	v3 =	vmax.f32 v3, $0.0e+00;
	v2 =	vadd.f32 v4, v2  }
0x1d0: {  	v4 =	vld [tilespmem:s0+$0xA650];
	[tilespmem:s16+$0x10040] =	vst v3;
	v3 =	vmax.f32 v5, $0.0e+00  }
0x1d1: {  	v8 =	vld [tilespmem:s0+$0xC450];
	v1 =	vadd.f32 v9, v1;
	[tilespmem:s16+$0x10050] =	vst v3;
	v3 =	vmax.f32 v2, $0.0e+00  }
0x1d2: {  	v2 =	vld [tilespmem:s0+$0xA660];
	[tilespmem:s16+$0x10060] =	vst v3;
	s16 =	smov.u32 s0  }
.Ltmp4:
0x1d3: {  	v3 =	vld [tilespmem:s16+$0xC460];
	v1 =	vadd.f32 v6, v1;
	(pc) =	sbr.rel @p3 .LBB2_7-.Ltmp4, $4  }
0x1d4: {  	v7 =	vadd.f32 v7, v10;
	v6 =	vld [tilespmem:s16+$0xE240]  }
0x1d5: {  	v5 =	vld [tilespmem:s16+$0xE250];
	v1 =	vmax.f32 v1, $0.0e+00  }
0x1d6: {  	s0 =	sshra.s32 s5, $0x2;
	v8 =	vadd.f32 v8, v4;
	v4 =	vld [tilespmem:s16+$0xE260];
	[tilespmem:s16+$0x10070] =	vst v1  }
0x1d7: {  	s5 =	sadd.s32 $0x100, s5;
	v1 =	vld [tilespmem:s0+$0xA670]  }
0x1d8: {  	v9 =	vld [tilespmem:s0+$0xC470]  }
0x1d9: {  	v10 =	vld [tilespmem:s0+$0xA640];
	v2 =	vadd.f32 v3, v2;
	v6 =	vadd.f32 v6, v7  }
0x1da: {  	v58 =	vld [tilespmem:s0+$0xE270];
	v3 =	vadd.f32 v5, v8  }
0x1db: {  	v11 =	vld [tilespmem:s0+$0xC440];
	v59 =	vmax.f32 v6, $0.0e+00;
	v2 =	vadd.f32 v4, v2  }
0x1dc: {  	v60 =	vld [tilespmem:s0+$0xA650];
	[tilespmem:s16+$0x10040] =	vst v59;
	v3 =	vmax.f32 v3, $0.0e+00  }
0x1dd: {  	v61 =	vld [tilespmem:s0+$0xC450];
	[tilespmem:s16+$0x10050] =	vst v3;
	v2 =	vmax.f32 v2, $0.0e+00  }
0x1de: {  	v3 =	vld [tilespmem:s0+$0xA660];
	[tilespmem:s16+$0x10060] =	vst v2  }
0x1df: {  	v2 =	vld [tilespmem:s0+$0xC460]  }
0x1e0: {  	v5 =	vld [tilespmem:s0+$0xE240]  }
0x1e1: {  	v62 =	vld [tilespmem:s0+$0xE250]  }
0x1e2: {  	v1 =	vadd.f32 v9, v1;
	v63 =	vld [tilespmem:s0+$0xE260]  }
0x1e3: {  	v10 =	vadd.f32 v11, v10  }
0x1e4: {  	v1 =	vadd.f32 v58, v1;
	v4 =	vadd.f32 v61, v60  }
0x1e5: {  	v2 =	vadd.f32 v2, v3;
	v3 =	vadd.f32 v5, v10  }
0x1e6: {  	v1 =	vmax.f32 v1, $0.0e+00;
	v4 =	vadd.f32 v62, v4  }
.Ltmp5:
0x1e7: {  	[tilespmem:s0+$0x10070] =	vst v1;
	v1 =	vmax.f32 v3, $0.0e+00;
	v2 =	vadd.f32 v63, v2;
	(pc) =	sbr.rel @p2 .LBB2_12-.Ltmp5, $4  }
0x1e8: {  	[tilespmem:s0+$0x10040] =	vst v1;
	v1 =	vmax.f32 v4, $0.0e+00  }
0x1e9: {  	[tilespmem:s0+$0x10050] =	vst v1;
	v1 =	vmax.f32 v2, $0.0e+00  }
0x1ea: {  	s25 =	sadd.s32 $0x28, s31;
	s4 =	simm.s32 $0x10040;
	[tilespmem:s0+$0x10060] =	vst v1  }
0x1eb: {  	[spmem:s19] =	stream.indirect.scatter.add.f32 [tilespmem:s4], [sflag:$0xB], $0x40, s25, s13, $0xb8;
	[tilespmem:$0x1BA80] =	vst v63  }
0x1ec: {  	s16 =	smul.u32 $0x78, s30;
	_ =	sdelay $0x1  }
0x1ed: {  	s0 =	sadd.s32 $0xA0, s16  }
0x1ee: {  	s4 =	sadd.s32 s20, s0  }
0x1ef: {  	s4 =	sshll.u32 s4, $0x7  }
0x1f0: {  	s4 =	sor.u32 s6, s4  }
0x1f1: {  	s4 =	sshrl.u32 s4, $0x3  }
0x1f2: {  	s4 =	sadd.s32 s22, s4  }
0x1f3: {  	[tilespmem:s14], [sflag:$0x2] =	stream.strided.gather [hbm4b:s4+s10], $0xA00, s11, s10, $0x38;
	[tilespmem:$0x1BA80] =	vst v63  }
0x1f4: {  	_ = 	snop  }
0x1f5: {  	[tilespmem:s15], [sflag:$0x5] =	stream.indirect.gather [hbm4b:s21+s13], $0x40, s0, s13, $0xb8;
	[tilespmem:$0x1BA80] =	vst v63  }
0x1f6: {  	s25 =	sadd.s32 $0x4EC0, s16  }
0x1f7: {  	[tilespmem:s17], [sflag:$0x8] =	stream.indirect.gather [hbm4b:s12+s13], $0x40, s25, s13, $0xb8;
	[tilespmem:$0x1BA80] =	vst v63  }
0x1f8: {  	_ =	swait.ge [sflag:s1], $0xA00  }
0x1f9: {  	[sflag:s1] =	ssyncset.done $0x0  }
0x1fa: {  	[sflag:s1] =	ssyncadd.s32 $0xFFFFF600  }
0x1fb: {  	_ =	swait.ge [sflag:s2], $0xA00  }
0x1fc: {  	[sflag:s2] =	ssyncset.done $0x0  }
0x1fd: {  	[sflag:s2] =	ssyncadd.s32 $0xFFFFF600  }
0x1fe: {  	_ =	swait.ge [sflag:s3], $0xA00  }
0x1ff: {  	[sflag:s3] =	ssyncset.done $0x0  }
0x200: {  	s0 =	simm.s32 @!p1 $0xC;
	[sflag:s3] =	ssyncadd.s32 $0xFFFFF600  }
0x201: {  	_ =	swait.ge @!p1 [sflag:s0], $0xA00  }
0x202: {  	[sflag:s0] =	ssyncset.done @!p1 $0x0  }
0x203: {  	[sflag:s0] =	ssyncadd.s32 @!p1 $0xFFFFF600;
	s0 =	simm.s32 $0x0  }
0x204: {  	v1 =	vld [tilespmem:s0+$0xB070]  }
0x205: {  	v2 =	vld [tilespmem:s0+$0xCE70]  }
0x206: {  	v7 =	vld [tilespmem:s0+$0xB040]  }
0x207: {  	v4 =	vld [tilespmem:s0+$0xEC70]  }
0x208: {  	v8 =	vld [tilespmem:s0+$0xCE40]  }
0x209: {  	v9 =	vld [tilespmem:s0+$0xB050]  }
0x20a: {  	v10 =	vld [tilespmem:s0+$0xCE50];
	v1 =	vadd.f32 v2, v1  }
0x20b: {  	v3 =	vld [tilespmem:s0+$0xCE60]  }
0x20c: {  	v2 =	vld [tilespmem:s0+$0xB060];
	v1 =	vadd.f32 v4, v1  }
0x20d: {  	v6 =	vld [tilespmem:s0+$0xEC40]  }
0x20e: {  	v5 =	vld [tilespmem:s0+$0xEC50];
	v1 =	vmax.f32 v1, $0.0e+00  }
0x20f: {  	s5 =	simm.s32 $0x40;
	v4 =	vld [tilespmem:s0+$0xEC60];
	[tilespmem:s0+$0x10A70] =	vst v1  }
0x210: {  	s4 =	simm.s32 $0x200;
	v7 =	vadd.f32 v8, v7;
	v8 =	vadd.f32 v10, v9;
	v1 =	vld [tilespmem:s5+$0xB070]  }
.LBB2_10:
0x211: {  	p1 =	sne.s32 s4, $0x2700;
	v9 =	vld [tilespmem:s5+$0xCE70];
	v2 =	vadd.f32 v3, v2  }
0x212: {  	v10 =	vld [tilespmem:s5+$0xB040];
	v3 =	vadd.f32 v6, v7  }
0x213: {  	v6 =	vld [tilespmem:s5+$0xEC70];
	v5 =	vadd.f32 v5, v8  }
0x214: {  	v7 =	vld [tilespmem:s5+$0xCE40];
	v3 =	vmax.f32 v3, $0.0e+00;
	v2 =	vadd.f32 v4, v2  }
0x215: {  	v4 =	vld [tilespmem:s5+$0xB050];
	[tilespmem:s0+$0x10A40] =	vst v3;
	v3 =	vmax.f32 v5, $0.0e+00  }
0x216: {  	v8 =	vld [tilespmem:s5+$0xCE50];
	v1 =	vadd.f32 v9, v1;
	[tilespmem:s0+$0x10A50] =	vst v3;
	v3 =	vmax.f32 v2, $0.0e+00  }
0x217: {  	v2 =	vld [tilespmem:s5+$0xB060];
	[tilespmem:s0+$0x10A60] =	vst v3;
	s0 =	smov.u32 s5  }
.Ltmp6:
0x218: {  	v3 =	vld [tilespmem:s0+$0xCE60];
	v1 =	vadd.f32 v6, v1;
	(pc) =	sbr.rel @p1 .LBB2_10-.Ltmp6, $4  }
0x219: {  	v7 =	vadd.f32 v7, v10;
	v6 =	vld [tilespmem:s0+$0xEC40]  }
0x21a: {  	v5 =	vld [tilespmem:s0+$0xEC50];
	v1 =	vmax.f32 v1, $0.0e+00  }
0x21b: {  	s5 =	sshra.s32 s4, $0x2;
	v8 =	vadd.f32 v8, v4;
	v4 =	vld [tilespmem:s0+$0xEC60];
	[tilespmem:s0+$0x10A70] =	vst v1  }
0x21c: {  	s4 =	sadd.s32 $0x100, s4;
	v1 =	vld [tilespmem:s5+$0xB070]  }
0x21d: {  	v9 =	vld [tilespmem:s5+$0xCE70]  }
0x21e: {  	v10 =	vld [tilespmem:s5+$0xB040];
	v2 =	vadd.f32 v3, v2;
	v6 =	vadd.f32 v6, v7  }
0x21f: {  	v58 =	vld [tilespmem:s5+$0xEC70];
	v3 =	vadd.f32 v5, v8  }
0x220: {  	v11 =	vld [tilespmem:s5+$0xCE40];
	v59 =	vmax.f32 v6, $0.0e+00;
	v2 =	vadd.f32 v4, v2  }
0x221: {  	v60 =	vld [tilespmem:s5+$0xB050];
	[tilespmem:s0+$0x10A40] =	vst v59;
	v3 =	vmax.f32 v3, $0.0e+00  }
0x222: {  	v61 =	vld [tilespmem:s5+$0xCE50];
	[tilespmem:s0+$0x10A50] =	vst v3;
	v2 =	vmax.f32 v2, $0.0e+00  }
0x223: {  	v3 =	vld [tilespmem:s5+$0xB060];
	[tilespmem:s0+$0x10A60] =	vst v2  }
0x224: {  	v2 =	vld [tilespmem:s5+$0xCE60]  }
0x225: {  	v5 =	vld [tilespmem:s5+$0xEC40]  }
0x226: {  	v62 =	vld [tilespmem:s5+$0xEC50]  }
0x227: {  	v1 =	vadd.f32 v9, v1;
	v63 =	vld [tilespmem:s5+$0xEC60]  }
0x228: {  	v10 =	vadd.f32 v11, v10  }
0x229: {  	v1 =	vadd.f32 v58, v1;
	v4 =	vadd.f32 v61, v60  }
0x22a: {  	v2 =	vadd.f32 v2, v3;
	v3 =	vadd.f32 v5, v10  }
0x22b: {  	v1 =	vmax.f32 v1, $0.0e+00;
	v4 =	vadd.f32 v62, v4  }
0x22c: {  	[tilespmem:s5+$0x10A70] =	vst v1;
	v1 =	vmax.f32 v3, $0.0e+00;
	v2 =	vadd.f32 v63, v2  }
0x22d: {  	[tilespmem:s5+$0x10A40] =	vst v1;
	v1 =	vmax.f32 v4, $0.0e+00  }
0x22e: {  	p1 =	sgt.u32 s30, $0xA4;
	[tilespmem:s5+$0x10A50] =	vst v1;
	v1 =	vmax.f32 v2, $0.0e+00  }
0x22f: {  	s31 =	sadd.s32 $0x50, s31;
	s4 =	simm.s32 $0x10A40;
	s0 =	sadd.s32 @!p1 $0xC8, s16;
	[tilespmem:s5+$0x10A60] =	vst v1  }
0x230: {  	[spmem:s19] =	stream.indirect.scatter.add.f32 [tilespmem:s4], [sflag:$0xC], $0x40, s31, s13, $0xb8;
	[tilespmem:$0x1BA80] =	vst v63  }
0x231: {  	s4 =	sadd.s32 @!p1 s20, s0  }
0x232: {  	s4 =	sshll.u32 @!p1 s4, $0x7  }
0x233: {  	s4 =	sor.u32 @!p1 s6, s4  }
0x234: {  	s9 =	simm.s32 @!p1 $0x80;
	s4 =	sshrl.u32 @!p1 s4, $0x3  }
0x235: {  	s25 =	simm.s32 @!p1 $0xB040;
	s5 =	simm.s32 @!p1 $0x40;
	s4 =	sadd.s32 @!p1 s22, s4  }
0x236: {  	[tilespmem:s25], [sflag:$0x3] =	stream.strided.gather @!p1 [hbm4b:s4+s5], $0xA00, s9, s5, $0x38;
	[tilespmem:$0x1BA80] =	vst v63  }
0x237: {  	s4 =	simm.s32 @!p1 $0x28;
	s5 =	simm.s32 @!p1 $0xCE40  }
0x238: {  	[tilespmem:s5], [sflag:$0x6] =	stream.indirect.gather @!p1 [hbm4b:s21+s4], $0x40, s0, s4, $0xb8;
	[tilespmem:$0x1BA80] =	vst v63  }
0x239: {  	s30 =	sadd.s32 $0x1, s30;
	s0 =	sadd.s32 @!p1 $0x4EE8, s16;
	s5 =	simm.s32 @!p1 $0xEC40  }
0x23a: {  	[tilespmem:s5], [sflag:$0x9] =	stream.indirect.gather @!p1 [hbm4b:s12+s4], $0x40, s0, s4, $0xb8;
	[tilespmem:$0x1BA80] =	vst v63  }
0x23b: {  	p1 =	sne.s32 s30, $0xA7  }
.Ltmp7:
0x23c: {  	_ = 	snop;
	(pc) =	sbr.rel @p1 .LBB2_4-.Ltmp7, $4  }
.Ltmp8:
0x23d: {  	_ = 	snop;
	(pc) =	sbr.rel @!p1 .LBB2_12-.Ltmp8, $4  }
0x23e: {  	_ = 	snop  }
0x23f: {  	_ = 	snop  }
0x240: {  	_ = 	snop  }
0x241: {  	_ = 	snop  }
.LBB2_13:
0x242: {  	_ =	sfence.sel $0x180000  }
0x243: {  	[bflag:$0x0] =	sbarrier.arrive $0xFFFF  }
0x244: {  	_ =	strace $0x90000047  }
0x245: {  	s0 =	stileid.u32;
	[bflag:$0x2] =	sbarrier.arrive $0xFFFF  }
0x246: {  	p0 =	sne.s32 s0, $0x0;
	s0 =	rddreg [dreg:$0x3]  }
0x247: {  	s0 =	sadd.s32 @!p0 $0x100000, s0  }
0x248: {  	[sflag:s0] =	ssyncadd.tile.s32 @!p0 $0x1;
	_ =	shalt  }
.Lfunc_end2:
_tile_overlayer_lowered:
.L_overlay_start_2:
0x249: {  	(tag) =	ssettag $0x2  }
0x24a: {  	s0 =	rddreg [dreg:$0x0];
	s2 =	stileid.u32  }
0x24b: {  	s1 =	rddreg [dreg:$0x1];
	p0 =	sne.s32 s2, $0x0  }
0x24c: {  	s3 =	rddreg [dreg:$0x2];
	[bflag:$0x3] =	sbarrier.arrive $0xFFFF;
	s2 =	simm.s32 @!p0 $0x1C0D  }
0x24d: {  	[timem:s3], [sflag:s2] =	dma.local @!p0 [hbm:s0], s1  }
0x24e: {  	s0 =	simm.s32 @!p0 $0xD  }
0x24f: {  	_ =	swait.ge @!p0 [sflag:s0], s1  }
0x250: {  	s1 =	ssub.s32 @!p0 $0x0, s1;
	[sflag:s0] =	ssyncset.done @!p0 $0x0  }
0x251: {  	[sflag:s0] =	ssyncadd.s32 @!p0 s1  }
0x252: {  	[bflag:$0x3] =	sbarrier.arrive $0xFFFF  }
0x253: {  	_ =	shalt  }

</sc_bundles>
